<compile_context>
chip_gen: v7x
topology: tpu7x:2x2x1
jax: 0.10.2.dev20260603
libtpu: 0.0.44.dev20260713+nightly
codegen_flags: <defaults>
</compile_context>

<pallas_src>
import functools

import jax
import jax.numpy as jnp
from jax import lax
from jax.experimental import pallas as pl
from jax.experimental.pallas import tpu as pltpu
from jax.experimental.pallas import tpu_sc as plsc

N = 10000
E = 320000
F_IN = 128
H = 256

NC = 2
NS = 16
NW = NC * NS

NPAD = 10240
RPT = NPAD // NS
CH = 128
NCH0 = 124
NCH1 = 36
EW0 = NCH0 * CH
EW1 = NCH1 * CH
OFF1 = NS * EW0
EPAD = NS * (EW0 + EW1)
SALL = max(EW0, EW1)
EALLOC = max((NS - 1) * EW0, OFF1 + (NS - 1) * EW1) + SALL
EALLOC = max(EALLOC, EPAD)

_mesh = plsc.VectorSubcoreMesh(core_axis_name="c", subcore_axis_name="s")


def _edge_pipeline(src_hbm, dst_hbm, table_hbm, acc, base, nch,
                   sall, didx, gbuf, isem, gsem, ssem):
    pltpu.sync_copy(src_hbm.at[pl.ds(base, SALL)], sall)

    def idx_start(i, q):
        pltpu.async_copy(dst_hbm.at[pl.ds(base + i * CH, CH)], didx[q],
                         isem[q])

    def idx_wait(q):
        pltpu.make_async_copy(dst_hbm.at[pl.ds(base, CH)], didx[q],
                              isem[q]).wait()

    def gather_start(i, b):
        pltpu.async_copy(table_hbm.at[sall.at[pl.ds(i * CH, CH)]], gbuf[b],
                         gsem[b])

    def gather_wait(b):
        pltpu.make_async_copy(table_hbm.at[sall.at[pl.ds(0, CH)]], gbuf[b],
                              gsem[b]).wait()

    def scat_start(b, q):
        pltpu.async_copy(gbuf[b], acc.at[didx[q]], ssem[b], add=True)

    def scat_wait(b, q):
        pltpu.make_async_copy(gbuf[b], acc.at[didx[q]], ssem[b]).wait()

    def step(i, u, do_swait, do_istart):
        b = u % 2
        q = u % 4
        q2 = (u + 2) % 4
        if do_swait:
            scat_wait(b, q2)
        if do_istart:
            idx_start(i + 2, q2)
        idx_wait(q)
        gather_start(i, b)
        gather_wait(b)
        scat_start(b, q)

    for q in range(4):
        idx_start(q, q)
    step(0, 0, False, False)
    step(1, 1, False, False)
    step(2, 2, True, True)
    step(3, 3, True, True)

    def group(i4, carry):
        for u in range(4):
            step(i4 * 4 + u, u, True, True)
        return carry

    lax.fori_loop(1, nch // 4 - 1, group, 0)

    last = nch - 4
    step(last + 0, 0, True, True)
    step(last + 1, 1, True, True)
    step(last + 2, 2, True, False)
    step(last + 3, 3, True, False)
    scat_wait(0, 2)
    scat_wait(1, 3)


@functools.partial(
    pl.kernel,
    out_type=jax.ShapeDtypeStruct((NC, NPAD, F_IN), jnp.float32),
    mesh=_mesh,
    scratch_types=[
        pltpu.VMEM((SALL,), jnp.int32),
        [pltpu.VMEM((CH,), jnp.int32)] * 4,
        [pltpu.VMEM((CH, F_IN), jnp.float32)] * 2,
        [pltpu.SemaphoreType.DMA] * 4,
        [pltpu.SemaphoreType.DMA] * 2,
        [pltpu.SemaphoreType.DMA] * 2,
        pltpu.VMEM_SHARED((NPAD, F_IN), jnp.float32),
    ],
)
def _agg_kernel(x_hbm, src_hbm, dst_hbm, zero_hbm, out_hbm,
                sall, didx, gbuf, isem, gsem, ssem, acc):
    c = lax.axis_index("c")
    s = lax.axis_index("s")
    base = jnp.where(c == 0, s * EW0, OFF1 + s * EW1)
    nch = jnp.where(c == 0, NCH0, NCH1)

    pltpu.sync_copy(zero_hbm, acc.at[pl.ds(s * RPT, RPT)])
    plsc.subcore_barrier()

    _edge_pipeline(src_hbm, dst_hbm, x_hbm, acc, base, nch,
                   sall, didx, gbuf, isem, gsem, ssem)
    plsc.subcore_barrier()

    pltpu.sync_copy(acc.at[pl.ds(s * RPT, RPT)], out_hbm.at[c, pl.ds(s * RPT, RPT)])


@functools.partial(
    pl.kernel,
    out_type=jax.ShapeDtypeStruct((NC, NPAD), jnp.float32),
    mesh=_mesh,
    scratch_types=[
        pltpu.VMEM((SALL,), jnp.int32),
        [pltpu.VMEM((CH,), jnp.int32)] * 4,
        [pltpu.VMEM((CH,), jnp.float32)] * 2,
        [pltpu.SemaphoreType.DMA] * 4,
        [pltpu.SemaphoreType.DMA] * 2,
        [pltpu.SemaphoreType.DMA] * 2,
        pltpu.VMEM_SHARED((NPAD,), jnp.float32),
    ],
)
def _score_kernel(pr_hbm, src_hbm, dst_hbm, zero1_hbm, out_hbm,
                  sall, didx, vals, isem, gsem, ssem, acc):
    c = lax.axis_index("c")
    s = lax.axis_index("s")
    wid = s * NC + c
    ew = EPAD // NW
    base = wid * ew
    nch = ew // CH

    pltpu.sync_copy(zero1_hbm, acc.at[pl.ds(s * RPT, RPT)])
    plsc.subcore_barrier()

    _edge_pipeline(src_hbm, dst_hbm, pr_hbm, acc, base, nch,
                   sall, didx, vals, isem, gsem, ssem)
    plsc.subcore_barrier()

    pltpu.sync_copy(acc.at[pl.ds(s * RPT, RPT)], out_hbm.at[c, pl.ds(s * RPT, RPT)])


_BLK = 2048


def _mm_body(x_ref, p0_ref, p1_ref, wr_ref, wo_ref, b_ref, wpr_ref, wpo_ref,
             bp1_ref, h_ref, pr_ref, po_ref):
    agg = p0_ref[...] + p1_ref[...]
    h = jnp.dot(agg.astype(jnp.bfloat16), wr_ref[...].astype(jnp.bfloat16),
                preferred_element_type=jnp.float32)
    h += jnp.dot(x_ref[...].astype(jnp.bfloat16),
                 wo_ref[...].astype(jnp.bfloat16),
                 preferred_element_type=jnp.float32)
    h = jnp.maximum(h + b_ref[...], 0.0)
    h_ref[...] = h
    pr_ref[...] = jnp.sum(h * wpr_ref[...], axis=1)
    po_ref[...] = jnp.sum(h * wpo_ref[...], axis=1) + bp1_ref[0, 0]


_mm_call = pl.pallas_call(
    _mm_body,
    grid=(NPAD // _BLK,),
    in_specs=[
        pl.BlockSpec((_BLK, F_IN), lambda i: (i, 0)),
        pl.BlockSpec((_BLK, F_IN), lambda i: (i, 0)),
        pl.BlockSpec((_BLK, F_IN), lambda i: (i, 0)),
        pl.BlockSpec((F_IN, H), lambda i: (0, 0)),
        pl.BlockSpec((F_IN, H), lambda i: (0, 0)),
        pl.BlockSpec((1, H), lambda i: (0, 0)),
        pl.BlockSpec((1, H), lambda i: (0, 0)),
        pl.BlockSpec((1, H), lambda i: (0, 0)),
        pl.BlockSpec((1, 1), lambda i: (0, 0)),
    ],
    out_specs=[
        pl.BlockSpec((_BLK, H), lambda i: (i, 0)),
        pl.BlockSpec((_BLK,), lambda i: (i,)),
        pl.BlockSpec((_BLK,), lambda i: (i,)),
    ],
    out_shape=[
        jax.ShapeDtypeStruct((NPAD, H), jnp.float32),
        jax.ShapeDtypeStruct((NPAD,), jnp.float32),
        jax.ShapeDtypeStruct((NPAD,), jnp.float32),
    ],
)


def _fin_body(sc_ref, po_ref, ei_ref, h_ref,
              wr2_ref, wo2_ref, b2_ref, wpr2_ref, wpo2_ref, bp2_ref,
              wr3_ref, wo3_ref, b3_ref, wpr3_ref, wpo3_ref, bp3_ref,
              wm_ref, bm_ref, out_ref, yrow, sem):
    s = sc_ref[0:1, :] + sc_ref[1:2, :] + po_ref[...]
    col = lax.broadcasted_iota(jnp.int32, (1, NPAD), 1)
    s = jnp.where(col < N, s, -jnp.inf)
    v = jnp.max(s)
    p = jnp.min(jnp.where(s >= v, col, NPAD))

    cp = pltpu.make_async_copy(h_ref.at[pl.ds(p, 1)], yrow, sem)
    cp.start()
    cp.wait()
    y1 = yrow[...] * jnp.tanh(jnp.full((1, 1), v, jnp.float32))

    cnt = jnp.sum(jnp.where((ei_ref[0] == p) & (ei_ref[1] == p), 1.0, 0.0))

    def layer(y, wr, wo, b, wpr, wpo, bp):
        z = cnt * jnp.dot(y, wr, preferred_element_type=jnp.float32)
        z += jnp.dot(y, wo, preferred_element_type=jnp.float32)
        z = jnp.maximum(z + b, 0.0)
        s2 = cnt * jnp.sum(z * wpr) + jnp.sum(z * wpo) + bp
        return z * jnp.tanh(jnp.full((1, 1), s2, jnp.float32))

    y2 = layer(y1, wr2_ref[...], wo2_ref[...], b2_ref[...],
               wpr2_ref[...], wpo2_ref[...], bp2_ref[0, 0])
    y3 = layer(y2, wr3_ref[...], wo3_ref[...], b3_ref[...],
               wpr3_ref[...], wpo3_ref[...], bp3_ref[0, 0])
    ys = y1 + y2 + y3
    out_ref[...] = jnp.dot(ys, wm_ref[...],
                           preferred_element_type=jnp.float32) + bm_ref[...]


_fin_call = pl.pallas_call(
    _fin_body,
    in_specs=[
        pl.BlockSpec(memory_space=pltpu.VMEM),
        pl.BlockSpec(memory_space=pltpu.VMEM),
        pl.BlockSpec(memory_space=pltpu.VMEM),
        pl.BlockSpec(memory_space=pl.ANY),
    ] + [pl.BlockSpec(memory_space=pltpu.VMEM)] * 14,
    out_specs=pl.BlockSpec(memory_space=pltpu.VMEM),
    out_shape=jax.ShapeDtypeStruct((1, 2), jnp.float32),
    scratch_shapes=[
        pltpu.VMEM((1, H), jnp.float32),
        pltpu.SemaphoreType.DMA,
    ],
)


def kernel(x, edge_index, batch, Wr1, Wo1, b1, Wpr1, Wpo1, bp1,
           Wr2, Wo2, b2, Wpr2, Wpo2, bp2, Wr3, Wo3, b3, Wpr3, Wpo3, bp3,
           Wm, bm):
    src = edge_index[0]
    dst = edge_index[1]

    srcp = jnp.concatenate([src, jnp.zeros((EALLOC - E,), jnp.int32)])
    dstp = jnp.concatenate([dst, jnp.full((EALLOC - E,), N, jnp.int32)])

    xp = jnp.pad(x, ((0, NPAD - N), (0, 0)))
    parts = _agg_kernel(xp, srcp, dstp, jnp.zeros((RPT, F_IN), jnp.float32))

    h, pr, po = _mm_call(
        xp, parts[0], parts[1], Wr1, Wo1, b1.reshape(1, H),
        Wpr1.reshape(1, H), Wpo1.reshape(1, H), bp1.reshape(1, 1))

    sc = _score_kernel(pr, srcp, dstp, jnp.zeros((RPT,), jnp.float32))

    ei3 = edge_index.reshape(2, E // 128, 128)
    out = _fin_call(
        sc, po.reshape(1, NPAD), ei3, h,
        Wr2, Wo2, b2.reshape(1, H), Wpr2.reshape(1, H), Wpo2.reshape(1, H),
        bp2.reshape(1, 1),
        Wr3, Wo3, b3.reshape(1, H), Wpr3.reshape(1, H), Wpo3.reshape(1, H),
        bp3.reshape(1, 1),
        Wm[:H] + Wm[H:], bm.reshape(1, 2))
    return out

# --- scband reference (transcript-rebuilt; emitter-appended) ---
"""Pipeline reference for scband-topk-net-16527034155614 (READ-ONLY COPY).

The authoritative reference and input builder live on the scoring server;
editing this copy changes nothing except your own understanding.
"""

import math
import jax
import jax.numpy as jnp
import numpy as np

N = 10000
E = 320000
F_IN = 128
H = 256
OUT = 2
RATIO = 0.0001

def _lin(k, fi, fo):
    return (jax.random.uniform(k, (fi, fo), jnp.float32, -1.0, 1.0) / np.sqrt(fi)).astype(jnp.float32)

def setup_inputs(seed: int = 0):
    key = jax.random.key(seed)
    ks = jax.random.split(key, 16)
    inp = {}
    inp['x'] = jax.random.normal(ks[0], (N, F_IN), jnp.float32)
    inp['edge_index'] = jax.random.randint(ks[1], (2, E), 0, N)
    inp['batch'] = jnp.zeros((N,), jnp.int32)
    inp['Wr1'] = _lin(ks[2], F_IN, H)
    inp['Wo1'] = _lin(ks[3], F_IN, H)
    inp['b1'] = jnp.zeros((H,), jnp.float32)
    inp['Wpr1'] = _lin(ks[4], H, 1)
    inp['Wpo1'] = _lin(ks[5], H, 1)
    inp['bp1'] = jnp.zeros((1,), jnp.float32)
    inp['Wr2'] = _lin(ks[6], H, H)
    inp['Wo2'] = _lin(ks[7], H, H)
    inp['b2'] = jnp.zeros((H,), jnp.float32)
    inp['Wpr2'] = _lin(ks[8], H, 1)
    inp['Wpo2'] = _lin(ks[9], H, 1)
    inp['bp2'] = jnp.zeros((1,), jnp.float32)
    inp['Wr3'] = _lin(ks[10], H, H)
    inp['Wo3'] = _lin(ks[11], H, H)
    inp['b3'] = jnp.zeros((H,), jnp.float32)
    inp['Wpr3'] = _lin(ks[12], H, 1)
    inp['Wpo3'] = _lin(ks[13], H, 1)
    inp['bp3'] = jnp.zeros((1,), jnp.float32)
    inp['Wm'] = _lin(ks[14], 2 * H, OUT)
    inp['bm'] = jnp.zeros((OUT,), jnp.float32)
    return inp

def _graph_conv(x, src, dst, Wr, Wo, b):
    # PyG GraphConv: out = lin_rel(sum_{j->i} x_j) + lin_root(x); dummy node row n absorbs masked edges
    n, d = x.shape
    xp = jnp.concatenate([x, jnp.zeros((1, d), x.dtype)], axis=0)
    msgs = xp[src]
    agg = jnp.zeros((n + 1, d), x.dtype).at[dst].add(msgs)[:n]
    return agg @ Wr + x @ Wo + b

def _sag_pool(x, src, dst, Wr, Wo, b):
    # SAGPooling(hidden, ratio=0.0001) with GraphConv scorer and tanh nonlinearity; single graph (batch all zeros)
    n = x.shape[0]
    score = _graph_conv(x, src, dst, Wr, Wo, b).reshape(-1)
    k = int(math.ceil(RATIO * n))
    topv, perm = jax.lax.top_k(score, k)
    xn = x[perm] * jnp.tanh(topv)[:, None]
    nm = jnp.full((n + 1,), -1, jnp.int32).at[perm].set(jnp.arange(k, dtype=jnp.int32))
    ns = nm[src]
    nd = nm[dst]
    valid = (ns >= 0) & (nd >= 0)
    ns = jnp.where(valid, ns, k)
    nd = jnp.where(valid, nd, k)
    return xn, ns, nd

def _readout(x):
    # single graph: gmp = max over nodes, gap = mean over nodes
    return jnp.concatenate([jnp.max(x, axis=0), jnp.mean(x, axis=0)])[None, :]

def reference(x, edge_index, batch, Wr1, Wo1, b1, Wpr1, Wpo1, bp1, Wr2, Wo2, b2, Wpr2, Wpo2, bp2, Wr3, Wo3, b3, Wpr3, Wpo3, bp3, Wm, bm):
    src = edge_index[0]
    dst = edge_index[1]
    x = jax.nn.relu(_graph_conv(x, src, dst, Wr1, Wo1, b1))
    x, src, dst = _sag_pool(x, src, dst, Wpr1, Wpo1, bp1)
    x1 = _readout(x)
    x = jax.nn.relu(_graph_conv(x, src, dst, Wr2, Wo2, b2))
    x, src, dst = _sag_pool(x, src, dst, Wpr2, Wpo2, bp2)
    x2 = _readout(x)
    x = jax.nn.relu(_graph_conv(x, src, dst, Wr3, Wo3, b3))
    x, src, dst = _sag_pool(x, src, dst, Wpr3, Wpo3, bp3)
    x3 = _readout(x)
    xs = x1 + x2 + x3
    return xs @ Wm + bm

if __name__ == "__main__":
    import jax
    _d = setup_inputs()
    print(jax.jit(kernel)(*tuple(_d.values())))

</pallas_src>

<mosaic_0001>
#map = affine_map<(d0, d1) -> (0, 0)>
#map1 = affine_map<(d0, d1) -> (0)>
#map2 = affine_map<(d0, d1) -> (0, 0, 0)>
module attributes {stable_mosaic.version = 14 : i64} {
  func.func @_agg_kernel(%arg0: i32, %arg1: i32, %arg2: memref<10240x128xf32, #tpu.memory_space<hbm>>, %arg3: memref<338944xi32, #tpu.memory_space<hbm>>, %arg4: memref<338944xi32, #tpu.memory_space<hbm>>, %arg5: memref<640x128xf32, #tpu.memory_space<hbm>>, %arg6: memref<2x10240x128xf32, #tpu.memory_space<hbm>>, %arg7: memref<15872xi32, #tpu.memory_space<vmem>>, %arg8: memref<128xi32, #tpu.memory_space<vmem>>, %arg9: memref<128xi32, #tpu.memory_space<vmem>>, %arg10: memref<128xi32, #tpu.memory_space<vmem>>, %arg11: memref<128xi32, #tpu.memory_space<vmem>>, %arg12: memref<128x128xf32, #tpu.memory_space<vmem>>, %arg13: memref<128x128xf32, #tpu.memory_space<vmem>>, %arg14: memref<!tpu.dma_semaphore, #tpu.memory_space<semaphore_mem>>, %arg15: memref<!tpu.dma_semaphore, #tpu.memory_space<semaphore_mem>>, %arg16: memref<!tpu.dma_semaphore, #tpu.memory_space<semaphore_mem>>, %arg17: memref<!tpu.dma_semaphore, #tpu.memory_space<semaphore_mem>>, %arg18: memref<!tpu.dma_semaphore, #tpu.memory_space<semaphore_mem>>, %arg19: memref<!tpu.dma_semaphore, #tpu.memory_space<semaphore_mem>>, %arg20: memref<!tpu.dma_semaphore, #tpu.memory_space<semaphore_mem>>, %arg21: memref<!tpu.dma_semaphore, #tpu.memory_space<semaphore_mem>>, %arg22: memref<10240x128xf32, #tpu.memory_space<vmem_shared>>) attributes {dimension_semantics = [#tpu.dimension_semantics<core_parallel>, #tpu.dimension_semantics<subcore_parallel>], iteration_bounds = array<i64: 2, 16>, scalar_prefetch = 0 : i64, scratch_operands = 16 : i64, tpu.core_type = #tpu.core_type<sc_vector_subcore>, window_params = [{transform_indices = #map}, {transform_indices = #map1}, {transform_indices = #map1}, {transform_indices = #map}, {transform_indices = #map2}]} {
    %eq3A = arith.constant 0 : i32
    %eq3A_0 = arith.cmpi eq, %arg0, %eq3A : i32
    %mul3A = arith.constant 15872 : i32
    %mul3A_1 = arith.muli %arg1, %mul3A : i32
    %mul3A_2 = arith.constant 4608 : i32
    %mul3A_3 = arith.muli %arg1, %mul3A_2 : i32
    %add3A = arith.constant 253952 : i32
    %add3A_4 = arith.addi %add3A, %mul3A_3 : i32
    %select_n3A = arith.select %eq3A_0, %mul3A_1, %add3A_4 : i32
    %eq3A_5 = arith.constant 0 : i32
    %eq3A_6 = arith.cmpi eq, %arg0, %eq3A_5 : i32
    %jit3A = arith.constant 124 : i32
    %jit3A_7 = arith.constant 36 : i32
    %select_n3A_8 = arith.select %eq3A_6, %jit3A, %jit3A_7 : i32
    %mul3A_9 = arith.constant 640 : i32
    %mul3A_10 = arith.muli %arg1, %mul3A_9 : i32
    "tpu.region"() ({
      %run_scoped3A = tpu.sem_alloc : memref<!tpu.dma_semaphore, #tpu.memory_space<semaphore_mem>>
      %dma_start3A_239 = arith.constant 0 : i32
      %dma_start3A_240 = tpu.memref_slice %arg22[%mul3A_10, %dma_start3A_239] : memref<10240x128xf32, #tpu.memory_space<vmem_shared>> -> memref<640x128xf32, #tpu.memory_space<vmem_shared>>
      tpu.enqueue_dma source(%arg5 : memref<640x128xf32, #tpu.memory_space<hbm>>) target(%dma_start3A_240 : memref<640x128xf32, #tpu.memory_space<vmem_shared>>) target_semaphore(%run_scoped3A : memref<!tpu.dma_semaphore, #tpu.memory_space<semaphore_mem>>)
      %dma_wait3A_241 = arith.constant 0 : i32
      %dma_wait3A_242 = tpu.memref_slice %arg22[%mul3A_10, %dma_wait3A_241] : memref<10240x128xf32, #tpu.memory_space<vmem_shared>> -> memref<640x128xf32, #tpu.memory_space<vmem_shared>>
      tpu.wait_dma2 semaphore(%run_scoped3A : memref<!tpu.dma_semaphore, #tpu.memory_space<semaphore_mem>>) src(%arg5 : memref<640x128xf32, #tpu.memory_space<hbm>>) dst(%dma_wait3A_242 : memref<640x128xf32, #tpu.memory_space<vmem_shared>>)
      tpu.yield
    }) : () -> ()
    %barrier3A = arith.constant 0 : index
    tpu.barrier barrier_id(%barrier3A)
    "tpu.region"() ({
      %run_scoped3A = tpu.sem_alloc : memref<!tpu.dma_semaphore, #tpu.memory_space<semaphore_mem>>
      %dma_start3A_239 = tpu.memref_slice %arg3[%select_n3A] : memref<338944xi32, #tpu.memory_space<hbm>> -> memref<15872xi32, #tpu.memory_space<hbm>>
      %dma_start3A_240 = tpu.memref_slice %arg3[%select_n3A] : memref<338944xi32, #tpu.memory_space<hbm>> -> memref<15872xi32, #tpu.memory_space<hbm>>
      tpu.enqueue_dma source(%dma_start3A_240 : memref<15872xi32, #tpu.memory_space<hbm>>) target(%arg7 : memref<15872xi32, #tpu.memory_space<vmem>>) target_semaphore(%run_scoped3A : memref<!tpu.dma_semaphore, #tpu.memory_space<semaphore_mem>>)
      %dma_wait3A_241 = tpu.memref_slice %arg3[%select_n3A] : memref<338944xi32, #tpu.memory_space<hbm>> -> memref<15872xi32, #tpu.memory_space<hbm>>
      %dma_wait3A_242 = tpu.memref_slice %arg3[%select_n3A] : memref<338944xi32, #tpu.memory_space<hbm>> -> memref<15872xi32, #tpu.memory_space<hbm>>
      tpu.wait_dma2 semaphore(%run_scoped3A : memref<!tpu.dma_semaphore, #tpu.memory_space<semaphore_mem>>) src(%dma_wait3A_242 : memref<15872xi32, #tpu.memory_space<hbm>>) dst(%arg7 : memref<15872xi32, #tpu.memory_space<vmem>>)
      tpu.yield
    }) : () -> ()
    %add3A_11 = arith.constant 0 : i32
    %add3A_12 = arith.addi %select_n3A, %add3A_11 : i32
    %dma_start3A = tpu.memref_slice %arg4[%add3A_12] : memref<338944xi32, #tpu.memory_space<hbm>> -> memref<128xi32, #tpu.memory_space<hbm>>
    %dma_start3A_13 = tpu.memref_slice %arg4[%add3A_12] : memref<338944xi32, #tpu.memory_space<hbm>> -> memref<128xi32, #tpu.memory_space<hbm>>
    tpu.enqueue_dma source(%dma_start3A_13 : memref<128xi32, #tpu.memory_space<hbm>>) target(%arg8 : memref<128xi32, #tpu.memory_space<vmem>>) target_semaphore(%arg14 : memref<!tpu.dma_semaphore, #tpu.memory_space<semaphore_mem>>)
    %add3A_14 = arith.constant 128 : i32
    %add3A_15 = arith.addi %select_n3A, %add3A_14 : i32
    %dma_start3A_16 = tpu.memref_slice %arg4[%add3A_15] : memref<338944xi32, #tpu.memory_space<hbm>> -> memref<128xi32, #tpu.memory_space<hbm>>
    %dma_start3A_17 = tpu.memref_slice %arg4[%add3A_15] : memref<338944xi32, #tpu.memory_space<hbm>> -> memref<128xi32, #tpu.memory_space<hbm>>
    tpu.enqueue_dma source(%dma_start3A_17 : memref<128xi32, #tpu.memory_space<hbm>>) target(%arg9 : memref<128xi32, #tpu.memory_space<vmem>>) target_semaphore(%arg15 : memref<!tpu.dma_semaphore, #tpu.memory_space<semaphore_mem>>)
    %add3A_18 = arith.constant 256 : i32
    %add3A_19 = arith.addi %select_n3A, %add3A_18 : i32
    %dma_start3A_20 = tpu.memref_slice %arg4[%add3A_19] : memref<338944xi32, #tpu.memory_space<hbm>> -> memref<128xi32, #tpu.memory_space<hbm>>
    %dma_start3A_21 = tpu.memref_slice %arg4[%add3A_19] : memref<338944xi32, #tpu.memory_space<hbm>> -> memref<128xi32, #tpu.memory_space<hbm>>
    tpu.enqueue_dma source(%dma_start3A_21 : memref<128xi32, #tpu.memory_space<hbm>>) target(%arg10 : memref<128xi32, #tpu.memory_space<vmem>>) target_semaphore(%arg16 : memref<!tpu.dma_semaphore, #tpu.memory_space<semaphore_mem>>)
    %add3A_22 = arith.constant 384 : i32
    %add3A_23 = arith.addi %select_n3A, %add3A_22 : i32
    %dma_start3A_24 = tpu.memref_slice %arg4[%add3A_23] : memref<338944xi32, #tpu.memory_space<hbm>> -> memref<128xi32, #tpu.memory_space<hbm>>
    %dma_start3A_25 = tpu.memref_slice %arg4[%add3A_23] : memref<338944xi32, #tpu.memory_space<hbm>> -> memref<128xi32, #tpu.memory_space<hbm>>
    tpu.enqueue_dma source(%dma_start3A_25 : memref<128xi32, #tpu.memory_space<hbm>>) target(%arg11 : memref<128xi32, #tpu.memory_space<vmem>>) target_semaphore(%arg17 : memref<!tpu.dma_semaphore, #tpu.memory_space<semaphore_mem>>)
    %dma_wait3A = tpu.memref_slice %arg4[%select_n3A] : memref<338944xi32, #tpu.memory_space<hbm>> -> memref<128xi32, #tpu.memory_space<hbm>>
    %dma_wait3A_26 = tpu.memref_slice %arg4[%select_n3A] : memref<338944xi32, #tpu.memory_space<hbm>> -> memref<128xi32, #tpu.memory_space<hbm>>
    tpu.wait_dma2 semaphore(%arg14 : memref<!tpu.dma_semaphore, #tpu.memory_space<semaphore_mem>>) src(%dma_wait3A_26 : memref<128xi32, #tpu.memory_space<hbm>>) dst(%arg8 : memref<128xi32, #tpu.memory_space<vmem>>)
    %dma_start3A_27 = arith.constant 0 : i32
    %dma_start3A_28 = tpu.memref_slice %arg7[%dma_start3A_27] : memref<15872xi32, #tpu.memory_space<vmem>> -> memref<128xi32, #tpu.memory_space<vmem>>
    %dma_start3A_29 = arith.constant 0 : i32
    %dma_start3A_30 = arith.constant 0 : i32
    %dma_start3A_31 = tpu.memref_slice %arg2[%dma_start3A_29, %dma_start3A_30] : memref<10240x128xf32, #tpu.memory_space<hbm>> -> memref<10240x128xf32, #tpu.memory_space<hbm>>
    tpu.enqueue_indirect_dma source(%dma_start3A_31 : memref<10240x128xf32, #tpu.memory_space<hbm>>) target(%arg12 : memref<128x128xf32, #tpu.memory_space<vmem>>) offsets(%dma_start3A_28 : memref<128xi32, #tpu.memory_space<vmem>>) semaphore(%arg18 : memref<!tpu.dma_semaphore, #tpu.memory_space<semaphore_mem>>)
    %dma_wait3A_32 = arith.constant 0 : i32
    %dma_wait3A_33 = tpu.memref_slice %arg7[%dma_wait3A_32] : memref<15872xi32, #tpu.memory_space<vmem>> -> memref<128xi32, #tpu.memory_space<vmem>>
    %dma_wait3A_34 = arith.constant 0 : i32
    %dma_wait3A_35 = arith.constant 0 : i32
    %dma_wait3A_36 = tpu.memref_slice %arg2[%dma_wait3A_34, %dma_wait3A_35] : memref<10240x128xf32, #tpu.memory_space<hbm>> -> memref<10240x128xf32, #tpu.memory_space<hbm>>
    tpu.wait_indirect_dma semaphore(%arg18 : memref<!tpu.dma_semaphore, #tpu.memory_space<semaphore_mem>>) src(%dma_wait3A_36 : memref<10240x128xf32, #tpu.memory_space<hbm>>) dst(%arg12 : memref<128x128xf32, #tpu.memory_space<vmem>>)
    %dma_start3A_37 = arith.constant 0 : i32
    %dma_start3A_38 = arith.constant 0 : i32
    %dma_start3A_39 = tpu.memref_slice %arg22[%dma_start3A_37, %dma_start3A_38] : memref<10240x128xf32, #tpu.memory_space<vmem_shared>> -> memref<10240x128xf32, #tpu.memory_space<vmem_shared>>
    tpu.enqueue_indirect_dma source(%arg12 : memref<128x128xf32, #tpu.memory_space<vmem>>) target(%dma_start3A_39 : memref<10240x128xf32, #tpu.memory_space<vmem_shared>>) offsets(%arg8 : memref<128xi32, #tpu.memory_space<vmem>>) semaphore(%arg20 : memref<!tpu.dma_semaphore, #tpu.memory_space<semaphore_mem>>) {add = true}
    %dma_wait3A_40 = tpu.memref_slice %arg4[%select_n3A] : memref<338944xi32, #tpu.memory_space<hbm>> -> memref<128xi32, #tpu.memory_space<hbm>>
    %dma_wait3A_41 = tpu.memref_slice %arg4[%select_n3A] : memref<338944xi32, #tpu.memory_space<hbm>> -> memref<128xi32, #tpu.memory_space<hbm>>
    tpu.wait_dma2 semaphore(%arg15 : memref<!tpu.dma_semaphore, #tpu.memory_space<semaphore_mem>>) src(%dma_wait3A_41 : memref<128xi32, #tpu.memory_space<hbm>>) dst(%arg9 : memref<128xi32, #tpu.memory_space<vmem>>)
    %dma_start3A_42 = arith.constant 128 : i32
    %dma_start3A_43 = tpu.memref_slice %arg7[%dma_start3A_42] : memref<15872xi32, #tpu.memory_space<vmem>> -> memref<128xi32, #tpu.memory_space<vmem>>
    %dma_start3A_44 = arith.constant 0 : i32
    %dma_start3A_45 = arith.constant 0 : i32
    %dma_start3A_46 = tpu.memref_slice %arg2[%dma_start3A_44, %dma_start3A_45] : memref<10240x128xf32, #tpu.memory_space<hbm>> -> memref<10240x128xf32, #tpu.memory_space<hbm>>
    tpu.enqueue_indirect_dma source(%dma_start3A_46 : memref<10240x128xf32, #tpu.memory_space<hbm>>) target(%arg13 : memref<128x128xf32, #tpu.memory_space<vmem>>) offsets(%dma_start3A_43 : memref<128xi32, #tpu.memory_space<vmem>>) semaphore(%arg19 : memref<!tpu.dma_semaphore, #tpu.memory_space<semaphore_mem>>)
    %dma_wait3A_47 = arith.constant 0 : i32
    %dma_wait3A_48 = tpu.memref_slice %arg7[%dma_wait3A_47] : memref<15872xi32, #tpu.memory_space<vmem>> -> memref<128xi32, #tpu.memory_space<vmem>>
    %dma_wait3A_49 = arith.constant 0 : i32
    %dma_wait3A_50 = arith.constant 0 : i32
    %dma_wait3A_51 = tpu.memref_slice %arg2[%dma_wait3A_49, %dma_wait3A_50] : memref<10240x128xf32, #tpu.memory_space<hbm>> -> memref<10240x128xf32, #tpu.memory_space<hbm>>
    tpu.wait_indirect_dma semaphore(%arg19 : memref<!tpu.dma_semaphore, #tpu.memory_space<semaphore_mem>>) src(%dma_wait3A_51 : memref<10240x128xf32, #tpu.memory_space<hbm>>) dst(%arg13 : memref<128x128xf32, #tpu.memory_space<vmem>>)
    %dma_start3A_52 = arith.constant 0 : i32
    %dma_start3A_53 = arith.constant 0 : i32
    %dma_start3A_54 = tpu.memref_slice %arg22[%dma_start3A_52, %dma_start3A_53] : memref<10240x128xf32, #tpu.memory_space<vmem_shared>> -> memref<10240x128xf32, #tpu.memory_space<vmem_shared>>
    tpu.enqueue_indirect_dma source(%arg13 : memref<128x128xf32, #tpu.memory_space<vmem>>) target(%dma_start3A_54 : memref<10240x128xf32, #tpu.memory_space<vmem_shared>>) offsets(%arg9 : memref<128xi32, #tpu.memory_space<vmem>>) semaphore(%arg21 : memref<!tpu.dma_semaphore, #tpu.memory_space<semaphore_mem>>) {add = true}
    %dma_wait3A_55 = arith.constant 0 : i32
    %dma_wait3A_56 = arith.constant 0 : i32
    %dma_wait3A_57 = tpu.memref_slice %arg22[%dma_wait3A_55, %dma_wait3A_56] : memref<10240x128xf32, #tpu.memory_space<vmem_shared>> -> memref<10240x128xf32, #tpu.memory_space<vmem_shared>>
    tpu.wait_indirect_dma semaphore(%arg20 : memref<!tpu.dma_semaphore, #tpu.memory_space<semaphore_mem>>) src(%arg12 : memref<128x128xf32, #tpu.memory_space<vmem>>) dst(%dma_wait3A_57 : memref<10240x128xf32, #tpu.memory_space<vmem_shared>>)
    %add3A_58 = arith.constant 512 : i32
    %add3A_59 = arith.addi %select_n3A, %add3A_58 : i32
    %dma_start3A_60 = tpu.memref_slice %arg4[%add3A_59] : memref<338944xi32, #tpu.memory_space<hbm>> -> memref<128xi32, #tpu.memory_space<hbm>>
    %dma_start3A_61 = tpu.memref_slice %arg4[%add3A_59] : memref<338944xi32, #tpu.memory_space<hbm>> -> memref<128xi32, #tpu.memory_space<hbm>>
    tpu.enqueue_dma source(%dma_start3A_61 : memref<128xi32, #tpu.memory_space<hbm>>) target(%arg8 : memref<128xi32, #tpu.memory_space<vmem>>) target_semaphore(%arg14 : memref<!tpu.dma_semaphore, #tpu.memory_space<semaphore_mem>>)
    %dma_wait3A_62 = tpu.memref_slice %arg4[%select_n3A] : memref<338944xi32, #tpu.memory_space<hbm>> -> memref<128xi32, #tpu.memory_space<hbm>>
    %dma_wait3A_63 = tpu.memref_slice %arg4[%select_n3A] : memref<338944xi32, #tpu.memory_space<hbm>> -> memref<128xi32, #tpu.memory_space<hbm>>
    tpu.wait_dma2 semaphore(%arg16 : memref<!tpu.dma_semaphore, #tpu.memory_space<semaphore_mem>>) src(%dma_wait3A_63 : memref<128xi32, #tpu.memory_space<hbm>>) dst(%arg10 : memref<128xi32, #tpu.memory_space<vmem>>)
    %dma_start3A_64 = arith.constant 256 : i32
    %dma_start3A_65 = tpu.memref_slice %arg7[%dma_start3A_64] : memref<15872xi32, #tpu.memory_space<vmem>> -> memref<128xi32, #tpu.memory_space<vmem>>
    %dma_start3A_66 = arith.constant 0 : i32
    %dma_start3A_67 = arith.constant 0 : i32
    %dma_start3A_68 = tpu.memref_slice %arg2[%dma_start3A_66, %dma_start3A_67] : memref<10240x128xf32, #tpu.memory_space<hbm>> -> memref<10240x128xf32, #tpu.memory_space<hbm>>
    tpu.enqueue_indirect_dma source(%dma_start3A_68 : memref<10240x128xf32, #tpu.memory_space<hbm>>) target(%arg12 : memref<128x128xf32, #tpu.memory_space<vmem>>) offsets(%dma_start3A_65 : memref<128xi32, #tpu.memory_space<vmem>>) semaphore(%arg18 : memref<!tpu.dma_semaphore, #tpu.memory_space<semaphore_mem>>)
    %dma_wait3A_69 = arith.constant 0 : i32
    %dma_wait3A_70 = tpu.memref_slice %arg7[%dma_wait3A_69] : memref<15872xi32, #tpu.memory_space<vmem>> -> memref<128xi32, #tpu.memory_space<vmem>>
    %dma_wait3A_71 = arith.constant 0 : i32
    %dma_wait3A_72 = arith.constant 0 : i32
    %dma_wait3A_73 = tpu.memref_slice %arg2[%dma_wait3A_71, %dma_wait3A_72] : memref<10240x128xf32, #tpu.memory_space<hbm>> -> memref<10240x128xf32, #tpu.memory_space<hbm>>
    tpu.wait_indirect_dma semaphore(%arg18 : memref<!tpu.dma_semaphore, #tpu.memory_space<semaphore_mem>>) src(%dma_wait3A_73 : memref<10240x128xf32, #tpu.memory_space<hbm>>) dst(%arg12 : memref<128x128xf32, #tpu.memory_space<vmem>>)
    %dma_start3A_74 = arith.constant 0 : i32
    %dma_start3A_75 = arith.constant 0 : i32
    %dma_start3A_76 = tpu.memref_slice %arg22[%dma_start3A_74, %dma_start3A_75] : memref<10240x128xf32, #tpu.memory_space<vmem_shared>> -> memref<10240x128xf32, #tpu.memory_space<vmem_shared>>
    tpu.enqueue_indirect_dma source(%arg12 : memref<128x128xf32, #tpu.memory_space<vmem>>) target(%dma_start3A_76 : memref<10240x128xf32, #tpu.memory_space<vmem_shared>>) offsets(%arg10 : memref<128xi32, #tpu.memory_space<vmem>>) semaphore(%arg20 : memref<!tpu.dma_semaphore, #tpu.memory_space<semaphore_mem>>) {add = true}
    %dma_wait3A_77 = arith.constant 0 : i32
    %dma_wait3A_78 = arith.constant 0 : i32
    %dma_wait3A_79 = tpu.memref_slice %arg22[%dma_wait3A_77, %dma_wait3A_78] : memref<10240x128xf32, #tpu.memory_space<vmem_shared>> -> memref<10240x128xf32, #tpu.memory_space<vmem_shared>>
    tpu.wait_indirect_dma semaphore(%arg21 : memref<!tpu.dma_semaphore, #tpu.memory_space<semaphore_mem>>) src(%arg13 : memref<128x128xf32, #tpu.memory_space<vmem>>) dst(%dma_wait3A_79 : memref<10240x128xf32, #tpu.memory_space<vmem_shared>>)
    %add3A_80 = arith.constant 640 : i32
    %add3A_81 = arith.addi %select_n3A, %add3A_80 : i32
    %dma_start3A_82 = tpu.memref_slice %arg4[%add3A_81] : memref<338944xi32, #tpu.memory_space<hbm>> -> memref<128xi32, #tpu.memory_space<hbm>>
    %dma_start3A_83 = tpu.memref_slice %arg4[%add3A_81] : memref<338944xi32, #tpu.memory_space<hbm>> -> memref<128xi32, #tpu.memory_space<hbm>>
    tpu.enqueue_dma source(%dma_start3A_83 : memref<128xi32, #tpu.memory_space<hbm>>) target(%arg9 : memref<128xi32, #tpu.memory_space<vmem>>) target_semaphore(%arg15 : memref<!tpu.dma_semaphore, #tpu.memory_space<semaphore_mem>>)
    %dma_wait3A_84 = tpu.memref_slice %arg4[%select_n3A] : memref<338944xi32, #tpu.memory_space<hbm>> -> memref<128xi32, #tpu.memory_space<hbm>>
    %dma_wait3A_85 = tpu.memref_slice %arg4[%select_n3A] : memref<338944xi32, #tpu.memory_space<hbm>> -> memref<128xi32, #tpu.memory_space<hbm>>
    tpu.wait_dma2 semaphore(%arg17 : memref<!tpu.dma_semaphore, #tpu.memory_space<semaphore_mem>>) src(%dma_wait3A_85 : memref<128xi32, #tpu.memory_space<hbm>>) dst(%arg11 : memref<128xi32, #tpu.memory_space<vmem>>)
    %dma_start3A_86 = arith.constant 384 : i32
    %dma_start3A_87 = tpu.memref_slice %arg7[%dma_start3A_86] : memref<15872xi32, #tpu.memory_space<vmem>> -> memref<128xi32, #tpu.memory_space<vmem>>
    %dma_start3A_88 = arith.constant 0 : i32
    %dma_start3A_89 = arith.constant 0 : i32
    %dma_start3A_90 = tpu.memref_slice %arg2[%dma_start3A_88, %dma_start3A_89] : memref<10240x128xf32, #tpu.memory_space<hbm>> -> memref<10240x128xf32, #tpu.memory_space<hbm>>
    tpu.enqueue_indirect_dma source(%dma_start3A_90 : memref<10240x128xf32, #tpu.memory_space<hbm>>) target(%arg13 : memref<128x128xf32, #tpu.memory_space<vmem>>) offsets(%dma_start3A_87 : memref<128xi32, #tpu.memory_space<vmem>>) semaphore(%arg19 : memref<!tpu.dma_semaphore, #tpu.memory_space<semaphore_mem>>)
    %dma_wait3A_91 = arith.constant 0 : i32
    %dma_wait3A_92 = tpu.memref_slice %arg7[%dma_wait3A_91] : memref<15872xi32, #tpu.memory_space<vmem>> -> memref<128xi32, #tpu.memory_space<vmem>>
    %dma_wait3A_93 = arith.constant 0 : i32
    %dma_wait3A_94 = arith.constant 0 : i32
    %dma_wait3A_95 = tpu.memref_slice %arg2[%dma_wait3A_93, %dma_wait3A_94] : memref<10240x128xf32, #tpu.memory_space<hbm>> -> memref<10240x128xf32, #tpu.memory_space<hbm>>
    tpu.wait_indirect_dma semaphore(%arg19 : memref<!tpu.dma_semaphore, #tpu.memory_space<semaphore_mem>>) src(%dma_wait3A_95 : memref<10240x128xf32, #tpu.memory_space<hbm>>) dst(%arg13 : memref<128x128xf32, #tpu.memory_space<vmem>>)
    %dma_start3A_96 = arith.constant 0 : i32
    %dma_start3A_97 = arith.constant 0 : i32
    %dma_start3A_98 = tpu.memref_slice %arg22[%dma_start3A_96, %dma_start3A_97] : memref<10240x128xf32, #tpu.memory_space<vmem_shared>> -> memref<10240x128xf32, #tpu.memory_space<vmem_shared>>
    tpu.enqueue_indirect_dma source(%arg13 : memref<128x128xf32, #tpu.memory_space<vmem>>) target(%dma_start3A_98 : memref<10240x128xf32, #tpu.memory_space<vmem_shared>>) offsets(%arg11 : memref<128xi32, #tpu.memory_space<vmem>>) semaphore(%arg21 : memref<!tpu.dma_semaphore, #tpu.memory_space<semaphore_mem>>) {add = true}
    %jit3A_99 = arith.constant 4 : i32
    %div3A = arith.divsi %select_n3A_8, %jit3A_99 : i32
    %sign3A = arith.constant 0 : i32
    %sign3A_100 = arith.cmpi sgt, %select_n3A_8, %sign3A : i32
    %sign3A_101 = arith.extui %sign3A_100 : i1 to i32
    %sign3A_102 = arith.constant 0 : i32
    %sign3A_103 = arith.cmpi slt, %select_n3A_8, %sign3A_102 : i32
    %sign3A_104 = arith.extui %sign3A_103 : i1 to i32
    %sign3A_105 = arith.subi %sign3A_101, %sign3A_104 : i32
    %sign3A_106 = arith.constant 0 : i32
    %sign3A_107 = arith.cmpi sgt, %jit3A_99, %sign3A_106 : i32
    %sign3A_108 = arith.extui %sign3A_107 : i1 to i32
    %sign3A_109 = arith.constant 0 : i32
    %sign3A_110 = arith.cmpi slt, %jit3A_99, %sign3A_109 : i32
    %sign3A_111 = arith.extui %sign3A_110 : i1 to i32
    %sign3A_112 = arith.subi %sign3A_108, %sign3A_111 : i32
    %ne3A = arith.cmpi ne, %sign3A_105, %sign3A_112 : i32
    %rem3A = arith.remsi %select_n3A_8, %jit3A_99 : i32
    %ne3A_113 = arith.constant 0 : i32
    %ne3A_114 = arith.cmpi ne, %rem3A, %ne3A_113 : i32
    %and3A = arith.andi %ne3A, %ne3A_114 : i1
    %sub3A = arith.constant 1 : i32
    %sub3A_115 = arith.subi %div3A, %sub3A : i32
    %select_n3A_116 = arith.select %and3A, %sub3A_115, %div3A : i32
    %sub3A_117 = arith.constant 1 : i32
    %sub3A_118 = arith.subi %select_n3A_116, %sub3A_117 : i32
    %while3A = arith.constant 0 : i32
    %while3A_119 = arith.constant 1 : i32
    %while3A_120 = arith.subi %sub3A_118, %while3A_119 : i32
    %while3A_121 = arith.addi %while3A_119, %while3A_120 : i32
    %while3A_122 = arith.constant 1 : i32
    %while3A_123 = arith.divsi %while3A_120, %while3A_122 : i32
    %while3A_124 = arith.muli %while3A_123, %while3A_122 : i32
    %while3A_125 = arith.addi %while3A_119, %while3A_124 : i32
    %while3A_126 = arith.constant 1 : i32
    scf.for %while3A_239 = %while3A_119 to %while3A_125 step %while3A_126  : i32 {
      %mul3A_240 = arith.constant 4 : i32
      %mul3A_241 = arith.muli %while3A_239, %mul3A_240 : i32
      %add3A_242 = arith.constant 0 : i32
      %add3A_243 = arith.addi %mul3A_241, %add3A_242 : i32
      %dma_wait3A_244 = arith.constant 0 : i32
      %dma_wait3A_245 = arith.constant 0 : i32
      %dma_wait3A_246 = tpu.memref_slice %arg22[%dma_wait3A_244, %dma_wait3A_245] : memref<10240x128xf32, #tpu.memory_space<vmem_shared>> -> memref<10240x128xf32, #tpu.memory_space<vmem_shared>>
      tpu.wait_indirect_dma semaphore(%arg20 : memref<!tpu.dma_semaphore, #tpu.memory_space<semaphore_mem>>) src(%arg12 : memref<128x128xf32, #tpu.memory_space<vmem>>) dst(%dma_wait3A_246 : memref<10240x128xf32, #tpu.memory_space<vmem_shared>>)
      %add3A_247 = arith.constant 2 : i32
      %add3A_248 = arith.addi %add3A_243, %add3A_247 : i32
      %mul3A_249 = arith.constant 128 : i32
      %mul3A_250 = arith.muli %add3A_248, %mul3A_249 : i32
      %add3A_251 = arith.addi %select_n3A, %mul3A_250 : i32
      %dma_start3A_252 = tpu.memref_slice %arg4[%add3A_251] : memref<338944xi32, #tpu.memory_space<hbm>> -> memref<128xi32, #tpu.memory_space<hbm>>
      %dma_start3A_253 = tpu.memref_slice %arg4[%add3A_251] : memref<338944xi32, #tpu.memory_space<hbm>> -> memref<128xi32, #tpu.memory_space<hbm>>
      tpu.enqueue_dma source(%dma_start3A_253 : memref<128xi32, #tpu.memory_space<hbm>>) target(%arg10 : memref<128xi32, #tpu.memory_space<vmem>>) target_semaphore(%arg16 : memref<!tpu.dma_semaphore, #tpu.memory_space<semaphore_mem>>)
      %dma_wait3A_254 = tpu.memref_slice %arg4[%select_n3A] : memref<338944xi32, #tpu.memory_space<hbm>> -> memref<128xi32, #tpu.memory_space<hbm>>
      %dma_wait3A_255 = tpu.memref_slice %arg4[%select_n3A] : memref<338944xi32, #tpu.memory_space<hbm>> -> memref<128xi32, #tpu.memory_space<hbm>>
      tpu.wait_dma2 semaphore(%arg14 : memref<!tpu.dma_semaphore, #tpu.memory_space<semaphore_mem>>) src(%dma_wait3A_255 : memref<128xi32, #tpu.memory_space<hbm>>) dst(%arg8 : memref<128xi32, #tpu.memory_space<vmem>>)
      %mul3A_256 = arith.constant 128 : i32
      %mul3A_257 = arith.muli %add3A_243, %mul3A_256 : i32
      %dma_start3A_258 = tpu.memref_slice %arg7[%mul3A_257] : memref<15872xi32, #tpu.memory_space<vmem>> -> memref<128xi32, #tpu.memory_space<vmem>>
      %dma_start3A_259 = arith.constant 0 : i32
      %dma_start3A_260 = arith.constant 0 : i32
      %dma_start3A_261 = tpu.memref_slice %arg2[%dma_start3A_259, %dma_start3A_260] : memref<10240x128xf32, #tpu.memory_space<hbm>> -> memref<10240x128xf32, #tpu.memory_space<hbm>>
      tpu.enqueue_indirect_dma source(%dma_start3A_261 : memref<10240x128xf32, #tpu.memory_space<hbm>>) target(%arg12 : memref<128x128xf32, #tpu.memory_space<vmem>>) offsets(%dma_start3A_258 : memref<128xi32, #tpu.memory_space<vmem>>) semaphore(%arg18 : memref<!tpu.dma_semaphore, #tpu.memory_space<semaphore_mem>>)
      %dma_wait3A_262 = arith.constant 0 : i32
      %dma_wait3A_263 = tpu.memref_slice %arg7[%dma_wait3A_262] : memref<15872xi32, #tpu.memory_space<vmem>> -> memref<128xi32, #tpu.memory_space<vmem>>
      %dma_wait3A_264 = arith.constant 0 : i32
      %dma_wait3A_265 = arith.constant 0 : i32
      %dma_wait3A_266 = tpu.memref_slice %arg2[%dma_wait3A_264, %dma_wait3A_265] : memref<10240x128xf32, #tpu.memory_space<hbm>> -> memref<10240x128xf32, #tpu.memory_space<hbm>>
      tpu.wait_indirect_dma semaphore(%arg18 : memref<!tpu.dma_semaphore, #tpu.memory_space<semaphore_mem>>) src(%dma_wait3A_266 : memref<10240x128xf32, #tpu.memory_space<hbm>>) dst(%arg12 : memref<128x128xf32, #tpu.memory_space<vmem>>)
      %dma_start3A_267 = arith.constant 0 : i32
      %dma_start3A_268 = arith.constant 0 : i32
      %dma_start3A_269 = tpu.memref_slice %arg22[%dma_start3A_267, %dma_start3A_268] : memref<10240x128xf32, #tpu.memory_space<vmem_shared>> -> memref<10240x128xf32, #tpu.memory_space<vmem_shared>>
      tpu.enqueue_indirect_dma source(%arg12 : memref<128x128xf32, #tpu.memory_space<vmem>>) target(%dma_start3A_269 : memref<10240x128xf32, #tpu.memory_space<vmem_shared>>) offsets(%arg8 : memref<128xi32, #tpu.memory_space<vmem>>) semaphore(%arg20 : memref<!tpu.dma_semaphore, #tpu.memory_space<semaphore_mem>>) {add = true}
      %mul3A_270 = arith.constant 4 : i32
      %mul3A_271 = arith.muli %while3A_239, %mul3A_270 : i32
      %add3A_272 = arith.constant 1 : i32
      %add3A_273 = arith.addi %mul3A_271, %add3A_272 : i32
      %dma_wait3A_274 = arith.constant 0 : i32
      %dma_wait3A_275 = arith.constant 0 : i32
      %dma_wait3A_276 = tpu.memref_slice %arg22[%dma_wait3A_274, %dma_wait3A_275] : memref<10240x128xf32, #tpu.memory_space<vmem_shared>> -> memref<10240x128xf32, #tpu.memory_space<vmem_shared>>
      tpu.wait_indirect_dma semaphore(%arg21 : memref<!tpu.dma_semaphore, #tpu.memory_space<semaphore_mem>>) src(%arg13 : memref<128x128xf32, #tpu.memory_space<vmem>>) dst(%dma_wait3A_276 : memref<10240x128xf32, #tpu.memory_space<vmem_shared>>)
      %add3A_277 = arith.constant 2 : i32
      %add3A_278 = arith.addi %add3A_273, %add3A_277 : i32
      %mul3A_279 = arith.constant 128 : i32
      %mul3A_280 = arith.muli %add3A_278, %mul3A_279 : i32
      %add3A_281 = arith.addi %select_n3A, %mul3A_280 : i32
      %dma_start3A_282 = tpu.memref_slice %arg4[%add3A_281] : memref<338944xi32, #tpu.memory_space<hbm>> -> memref<128xi32, #tpu.memory_space<hbm>>
      %dma_start3A_283 = tpu.memref_slice %arg4[%add3A_281] : memref<338944xi32, #tpu.memory_space<hbm>> -> memref<128xi32, #tpu.memory_space<hbm>>
      tpu.enqueue_dma source(%dma_start3A_283 : memref<128xi32, #tpu.memory_space<hbm>>) target(%arg11 : memref<128xi32, #tpu.memory_space<vmem>>) target_semaphore(%arg17 : memref<!tpu.dma_semaphore, #tpu.memory_space<semaphore_mem>>)
      %dma_wait3A_284 = tpu.memref_slice %arg4[%select_n3A] : memref<338944xi32, #tpu.memory_space<hbm>> -> memref<128xi32, #tpu.memory_space<hbm>>
      %dma_wait3A_285 = tpu.memref_slice %arg4[%select_n3A] : memref<338944xi32, #tpu.memory_space<hbm>> -> memref<128xi32, #tpu.memory_space<hbm>>
      tpu.wait_dma2 semaphore(%arg15 : memref<!tpu.dma_semaphore, #tpu.memory_space<semaphore_mem>>) src(%dma_wait3A_285 : memref<128xi32, #tpu.memory_space<hbm>>) dst(%arg9 : memref<128xi32, #tpu.memory_space<vmem>>)
      %mul3A_286 = arith.constant 128 : i32
      %mul3A_287 = arith.muli %add3A_273, %mul3A_286 : i32
      %dma_start3A_288 = tpu.memref_slice %arg7[%mul3A_287] : memref<15872xi32, #tpu.memory_space<vmem>> -> memref<128xi32, #tpu.memory_space<vmem>>
      %dma_start3A_289 = arith.constant 0 : i32
      %dma_start3A_290 = arith.constant 0 : i32
      %dma_start3A_291 = tpu.memref_slice %arg2[%dma_start3A_289, %dma_start3A_290] : memref<10240x128xf32, #tpu.memory_space<hbm>> -> memref<10240x128xf32, #tpu.memory_space<hbm>>
      tpu.enqueue_indirect_dma source(%dma_start3A_291 : memref<10240x128xf32, #tpu.memory_space<hbm>>) target(%arg13 : memref<128x128xf32, #tpu.memory_space<vmem>>) offsets(%dma_start3A_288 : memref<128xi32, #tpu.memory_space<vmem>>) semaphore(%arg19 : memref<!tpu.dma_semaphore, #tpu.memory_space<semaphore_mem>>)
      %dma_wait3A_292 = arith.constant 0 : i32
      %dma_wait3A_293 = tpu.memref_slice %arg7[%dma_wait3A_292] : memref<15872xi32, #tpu.memory_space<vmem>> -> memref<128xi32, #tpu.memory_space<vmem>>
      %dma_wait3A_294 = arith.constant 0 : i32
      %dma_wait3A_295 = arith.constant 0 : i32
      %dma_wait3A_296 = tpu.memref_slice %arg2[%dma_wait3A_294, %dma_wait3A_295] : memref<10240x128xf32, #tpu.memory_space<hbm>> -> memref<10240x128xf32, #tpu.memory_space<hbm>>
      tpu.wait_indirect_dma semaphore(%arg19 : memref<!tpu.dma_semaphore, #tpu.memory_space<semaphore_mem>>) src(%dma_wait3A_296 : memref<10240x128xf32, #tpu.memory_space<hbm>>) dst(%arg13 : memref<128x128xf32, #tpu.memory_space<vmem>>)
      %dma_start3A_297 = arith.constant 0 : i32
      %dma_start3A_298 = arith.constant 0 : i32
      %dma_start3A_299 = tpu.memref_slice %arg22[%dma_start3A_297, %dma_start3A_298] : memref<10240x128xf32, #tpu.memory_space<vmem_shared>> -> memref<10240x128xf32, #tpu.memory_space<vmem_shared>>
      tpu.enqueue_indirect_dma source(%arg13 : memref<128x128xf32, #tpu.memory_space<vmem>>) target(%dma_start3A_299 : memref<10240x128xf32, #tpu.memory_space<vmem_shared>>) offsets(%arg9 : memref<128xi32, #tpu.memory_space<vmem>>) semaphore(%arg21 : memref<!tpu.dma_semaphore, #tpu.memory_space<semaphore_mem>>) {add = true}
      %mul3A_300 = arith.constant 4 : i32
      %mul3A_301 = arith.muli %while3A_239, %mul3A_300 : i32
      %add3A_302 = arith.constant 2 : i32
      %add3A_303 = arith.addi %mul3A_301, %add3A_302 : i32
      %dma_wait3A_304 = arith.constant 0 : i32
      %dma_wait3A_305 = arith.constant 0 : i32
      %dma_wait3A_306 = tpu.memref_slice %arg22[%dma_wait3A_304, %dma_wait3A_305] : memref<10240x128xf32, #tpu.memory_space<vmem_shared>> -> memref<10240x128xf32, #tpu.memory_space<vmem_shared>>
      tpu.wait_indirect_dma semaphore(%arg20 : memref<!tpu.dma_semaphore, #tpu.memory_space<semaphore_mem>>) src(%arg12 : memref<128x128xf32, #tpu.memory_space<vmem>>) dst(%dma_wait3A_306 : memref<10240x128xf32, #tpu.memory_space<vmem_shared>>)
      %add3A_307 = arith.constant 2 : i32
      %add3A_308 = arith.addi %add3A_303, %add3A_307 : i32
      %mul3A_309 = arith.constant 128 : i32
      %mul3A_310 = arith.muli %add3A_308, %mul3A_309 : i32
      %add3A_311 = arith.addi %select_n3A, %mul3A_310 : i32
      %dma_start3A_312 = tpu.memref_slice %arg4[%add3A_311] : memref<338944xi32, #tpu.memory_space<hbm>> -> memref<128xi32, #tpu.memory_space<hbm>>
      %dma_start3A_313 = tpu.memref_slice %arg4[%add3A_311] : memref<338944xi32, #tpu.memory_space<hbm>> -> memref<128xi32, #tpu.memory_space<hbm>>
      tpu.enqueue_dma source(%dma_start3A_313 : memref<128xi32, #tpu.memory_space<hbm>>) target(%arg8 : memref<128xi32, #tpu.memory_space<vmem>>) target_semaphore(%arg14 : memref<!tpu.dma_semaphore, #tpu.memory_space<semaphore_mem>>)
      %dma_wait3A_314 = tpu.memref_slice %arg4[%select_n3A] : memref<338944xi32, #tpu.memory_space<hbm>> -> memref<128xi32, #tpu.memory_space<hbm>>
      %dma_wait3A_315 = tpu.memref_slice %arg4[%select_n3A] : memref<338944xi32, #tpu.memory_space<hbm>> -> memref<128xi32, #tpu.memory_space<hbm>>
      tpu.wait_dma2 semaphore(%arg16 : memref<!tpu.dma_semaphore, #tpu.memory_space<semaphore_mem>>) src(%dma_wait3A_315 : memref<128xi32, #tpu.memory_space<hbm>>) dst(%arg10 : memref<128xi32, #tpu.memory_space<vmem>>)
      %mul3A_316 = arith.constant 128 : i32
      %mul3A_317 = arith.muli %add3A_303, %mul3A_316 : i32
      %dma_start3A_318 = tpu.memref_slice %arg7[%mul3A_317] : memref<15872xi32, #tpu.memory_space<vmem>> -> memref<128xi32, #tpu.memory_space<vmem>>
      %dma_start3A_319 = arith.constant 0 : i32
      %dma_start3A_320 = arith.constant 0 : i32
      %dma_start3A_321 = tpu.memref_slice %arg2[%dma_start3A_319, %dma_start3A_320] : memref<10240x128xf32, #tpu.memory_space<hbm>> -> memref<10240x128xf32, #tpu.memory_space<hbm>>
      tpu.enqueue_indirect_dma source(%dma_start3A_321 : memref<10240x128xf32, #tpu.memory_space<hbm>>) target(%arg12 : memref<128x128xf32, #tpu.memory_space<vmem>>) offsets(%dma_start3A_318 : memref<128xi32, #tpu.memory_space<vmem>>) semaphore(%arg18 : memref<!tpu.dma_semaphore, #tpu.memory_space<semaphore_mem>>)
      %dma_wait3A_322 = arith.constant 0 : i32
      %dma_wait3A_323 = tpu.memref_slice %arg7[%dma_wait3A_322] : memref<15872xi32, #tpu.memory_space<vmem>> -> memref<128xi32, #tpu.memory_space<vmem>>
      %dma_wait3A_324 = arith.constant 0 : i32
      %dma_wait3A_325 = arith.constant 0 : i32
      %dma_wait3A_326 = tpu.memref_slice %arg2[%dma_wait3A_324, %dma_wait3A_325] : memref<10240x128xf32, #tpu.memory_space<hbm>> -> memref<10240x128xf32, #tpu.memory_space<hbm>>
      tpu.wait_indirect_dma semaphore(%arg18 : memref<!tpu.dma_semaphore, #tpu.memory_space<semaphore_mem>>) src(%dma_wait3A_326 : memref<10240x128xf32, #tpu.memory_space<hbm>>) dst(%arg12 : memref<128x128xf32, #tpu.memory_space<vmem>>)
      %dma_start3A_327 = arith.constant 0 : i32
      %dma_start3A_328 = arith.constant 0 : i32
      %dma_start3A_329 = tpu.memref_slice %arg22[%dma_start3A_327, %dma_start3A_328] : memref<10240x128xf32, #tpu.memory_space<vmem_shared>> -> memref<10240x128xf32, #tpu.memory_space<vmem_shared>>
      tpu.enqueue_indirect_dma source(%arg12 : memref<128x128xf32, #tpu.memory_space<vmem>>) target(%dma_start3A_329 : memref<10240x128xf32, #tpu.memory_space<vmem_shared>>) offsets(%arg10 : memref<128xi32, #tpu.memory_space<vmem>>) semaphore(%arg20 : memref<!tpu.dma_semaphore, #tpu.memory_space<semaphore_mem>>) {add = true}
      %mul3A_330 = arith.constant 4 : i32
      %mul3A_331 = arith.muli %while3A_239, %mul3A_330 : i32
      %add3A_332 = arith.constant 3 : i32
      %add3A_333 = arith.addi %mul3A_331, %add3A_332 : i32
      %dma_wait3A_334 = arith.constant 0 : i32
      %dma_wait3A_335 = arith.constant 0 : i32
      %dma_wait3A_336 = tpu.memref_slice %arg22[%dma_wait3A_334, %dma_wait3A_335] : memref<10240x128xf32, #tpu.memory_space<vmem_shared>> -> memref<10240x128xf32, #tpu.memory_space<vmem_shared>>
      tpu.wait_indirect_dma semaphore(%arg21 : memref<!tpu.dma_semaphore, #tpu.memory_space<semaphore_mem>>) src(%arg13 : memref<128x128xf32, #tpu.memory_space<vmem>>) dst(%dma_wait3A_336 : memref<10240x128xf32, #tpu.memory_space<vmem_shared>>)
      %add3A_337 = arith.constant 2 : i32
      %add3A_338 = arith.addi %add3A_333, %add3A_337 : i32
      %mul3A_339 = arith.constant 128 : i32
      %mul3A_340 = arith.muli %add3A_338, %mul3A_339 : i32
      %add3A_341 = arith.addi %select_n3A, %mul3A_340 : i32
      %dma_start3A_342 = tpu.memref_slice %arg4[%add3A_341] : memref<338944xi32, #tpu.memory_space<hbm>> -> memref<128xi32, #tpu.memory_space<hbm>>
      %dma_start3A_343 = tpu.memref_slice %arg4[%add3A_341] : memref<338944xi32, #tpu.memory_space<hbm>> -> memref<128xi32, #tpu.memory_space<hbm>>
      tpu.enqueue_dma source(%dma_start3A_343 : memref<128xi32, #tpu.memory_space<hbm>>) target(%arg9 : memref<128xi32, #tpu.memory_space<vmem>>) target_semaphore(%arg15 : memref<!tpu.dma_semaphore, #tpu.memory_space<semaphore_mem>>)
      %dma_wait3A_344 = tpu.memref_slice %arg4[%select_n3A] : memref<338944xi32, #tpu.memory_space<hbm>> -> memref<128xi32, #tpu.memory_space<hbm>>
      %dma_wait3A_345 = tpu.memref_slice %arg4[%select_n3A] : memref<338944xi32, #tpu.memory_space<hbm>> -> memref<128xi32, #tpu.memory_space<hbm>>
      tpu.wait_dma2 semaphore(%arg17 : memref<!tpu.dma_semaphore, #tpu.memory_space<semaphore_mem>>) src(%dma_wait3A_345 : memref<128xi32, #tpu.memory_space<hbm>>) dst(%arg11 : memref<128xi32, #tpu.memory_space<vmem>>)
      %mul3A_346 = arith.constant 128 : i32
      %mul3A_347 = arith.muli %add3A_333, %mul3A_346 : i32
      %dma_start3A_348 = tpu.memref_slice %arg7[%mul3A_347] : memref<15872xi32, #tpu.memory_space<vmem>> -> memref<128xi32, #tpu.memory_space<vmem>>
      %dma_start3A_349 = arith.constant 0 : i32
      %dma_start3A_350 = arith.constant 0 : i32
      %dma_start3A_351 = tpu.memref_slice %arg2[%dma_start3A_349, %dma_start3A_350] : memref<10240x128xf32, #tpu.memory_space<hbm>> -> memref<10240x128xf32, #tpu.memory_space<hbm>>
      tpu.enqueue_indirect_dma source(%dma_start3A_351 : memref<10240x128xf32, #tpu.memory_space<hbm>>) target(%arg13 : memref<128x128xf32, #tpu.memory_space<vmem>>) offsets(%dma_start3A_348 : memref<128xi32, #tpu.memory_space<vmem>>) semaphore(%arg19 : memref<!tpu.dma_semaphore, #tpu.memory_space<semaphore_mem>>)
      %dma_wait3A_352 = arith.constant 0 : i32
      %dma_wait3A_353 = tpu.memref_slice %arg7[%dma_wait3A_352] : memref<15872xi32, #tpu.memory_space<vmem>> -> memref<128xi32, #tpu.memory_space<vmem>>
      %dma_wait3A_354 = arith.constant 0 : i32
      %dma_wait3A_355 = arith.constant 0 : i32
      %dma_wait3A_356 = tpu.memref_slice %arg2[%dma_wait3A_354, %dma_wait3A_355] : memref<10240x128xf32, #tpu.memory_space<hbm>> -> memref<10240x128xf32, #tpu.memory_space<hbm>>
      tpu.wait_indirect_dma semaphore(%arg19 : memref<!tpu.dma_semaphore, #tpu.memory_space<semaphore_mem>>) src(%dma_wait3A_356 : memref<10240x128xf32, #tpu.memory_space<hbm>>) dst(%arg13 : memref<128x128xf32, #tpu.memory_space<vmem>>)
      %dma_start3A_357 = arith.constant 0 : i32
      %dma_start3A_358 = arith.constant 0 : i32
      %dma_start3A_359 = tpu.memref_slice %arg22[%dma_start3A_357, %dma_start3A_358] : memref<10240x128xf32, #tpu.memory_space<vmem_shared>> -> memref<10240x128xf32, #tpu.memory_space<vmem_shared>>
      tpu.enqueue_indirect_dma source(%arg13 : memref<128x128xf32, #tpu.memory_space<vmem>>) target(%dma_start3A_359 : memref<10240x128xf32, #tpu.memory_space<vmem_shared>>) offsets(%arg11 : memref<128xi32, #tpu.memory_space<vmem>>) semaphore(%arg21 : memref<!tpu.dma_semaphore, #tpu.memory_space<semaphore_mem>>) {add = true}
    }
    %while3A_127 = arith.constant 1 : i32
    scf.for %while3A_239 = %while3A_125 to %while3A_121 step %while3A_127  : i32 {
      %mul3A_240 = arith.constant 4 : i32
      %mul3A_241 = arith.muli %while3A_239, %mul3A_240 : i32
      %add3A_242 = arith.constant 0 : i32
      %add3A_243 = arith.addi %mul3A_241, %add3A_242 : i32
      %dma_wait3A_244 = arith.constant 0 : i32
      %dma_wait3A_245 = arith.constant 0 : i32
      %dma_wait3A_246 = tpu.memref_slice %arg22[%dma_wait3A_244, %dma_wait3A_245] : memref<10240x128xf32, #tpu.memory_space<vmem_shared>> -> memref<10240x128xf32, #tpu.memory_space<vmem_shared>>
      tpu.wait_indirect_dma semaphore(%arg20 : memref<!tpu.dma_semaphore, #tpu.memory_space<semaphore_mem>>) src(%arg12 : memref<128x128xf32, #tpu.memory_space<vmem>>) dst(%dma_wait3A_246 : memref<10240x128xf32, #tpu.memory_space<vmem_shared>>)
      %add3A_247 = arith.constant 2 : i32
      %add3A_248 = arith.addi %add3A_243, %add3A_247 : i32
      %mul3A_249 = arith.constant 128 : i32
      %mul3A_250 = arith.muli %add3A_248, %mul3A_249 : i32
      %add3A_251 = arith.addi %select_n3A, %mul3A_250 : i32
      %dma_start3A_252 = tpu.memref_slice %arg4[%add3A_251] : memref<338944xi32, #tpu.memory_space<hbm>> -> memref<128xi32, #tpu.memory_space<hbm>>
      %dma_start3A_253 = tpu.memref_slice %arg4[%add3A_251] : memref<338944xi32, #tpu.memory_space<hbm>> -> memref<128xi32, #tpu.memory_space<hbm>>
      tpu.enqueue_dma source(%dma_start3A_253 : memref<128xi32, #tpu.memory_space<hbm>>) target(%arg10 : memref<128xi32, #tpu.memory_space<vmem>>) target_semaphore(%arg16 : memref<!tpu.dma_semaphore, #tpu.memory_space<semaphore_mem>>)
      %dma_wait3A_254 = tpu.memref_slice %arg4[%select_n3A] : memref<338944xi32, #tpu.memory_space<hbm>> -> memref<128xi32, #tpu.memory_space<hbm>>
      %dma_wait3A_255 = tpu.memref_slice %arg4[%select_n3A] : memref<338944xi32, #tpu.memory_space<hbm>> -> memref<128xi32, #tpu.memory_space<hbm>>
      tpu.wait_dma2 semaphore(%arg14 : memref<!tpu.dma_semaphore, #tpu.memory_space<semaphore_mem>>) src(%dma_wait3A_255 : memref<128xi32, #tpu.memory_space<hbm>>) dst(%arg8 : memref<128xi32, #tpu.memory_space<vmem>>)
      %mul3A_256 = arith.constant 128 : i32
      %mul3A_257 = arith.muli %add3A_243, %mul3A_256 : i32
      %dma_start3A_258 = tpu.memref_slice %arg7[%mul3A_257] : memref<15872xi32, #tpu.memory_space<vmem>> -> memref<128xi32, #tpu.memory_space<vmem>>
      %dma_start3A_259 = arith.constant 0 : i32
      %dma_start3A_260 = arith.constant 0 : i32
      %dma_start3A_261 = tpu.memref_slice %arg2[%dma_start3A_259, %dma_start3A_260] : memref<10240x128xf32, #tpu.memory_space<hbm>> -> memref<10240x128xf32, #tpu.memory_space<hbm>>
      tpu.enqueue_indirect_dma source(%dma_start3A_261 : memref<10240x128xf32, #tpu.memory_space<hbm>>) target(%arg12 : memref<128x128xf32, #tpu.memory_space<vmem>>) offsets(%dma_start3A_258 : memref<128xi32, #tpu.memory_space<vmem>>) semaphore(%arg18 : memref<!tpu.dma_semaphore, #tpu.memory_space<semaphore_mem>>)
      %dma_wait3A_262 = arith.constant 0 : i32
      %dma_wait3A_263 = tpu.memref_slice %arg7[%dma_wait3A_262] : memref<15872xi32, #tpu.memory_space<vmem>> -> memref<128xi32, #tpu.memory_space<vmem>>
      %dma_wait3A_264 = arith.constant 0 : i32
      %dma_wait3A_265 = arith.constant 0 : i32
      %dma_wait3A_266 = tpu.memref_slice %arg2[%dma_wait3A_264, %dma_wait3A_265] : memref<10240x128xf32, #tpu.memory_space<hbm>> -> memref<10240x128xf32, #tpu.memory_space<hbm>>
      tpu.wait_indirect_dma semaphore(%arg18 : memref<!tpu.dma_semaphore, #tpu.memory_space<semaphore_mem>>) src(%dma_wait3A_266 : memref<10240x128xf32, #tpu.memory_space<hbm>>) dst(%arg12 : memref<128x128xf32, #tpu.memory_space<vmem>>)
      %dma_start3A_267 = arith.constant 0 : i32
      %dma_start3A_268 = arith.constant 0 : i32
      %dma_start3A_269 = tpu.memref_slice %arg22[%dma_start3A_267, %dma_start3A_268] : memref<10240x128xf32, #tpu.memory_space<vmem_shared>> -> memref<10240x128xf32, #tpu.memory_space<vmem_shared>>
      tpu.enqueue_indirect_dma source(%arg12 : memref<128x128xf32, #tpu.memory_space<vmem>>) target(%dma_start3A_269 : memref<10240x128xf32, #tpu.memory_space<vmem_shared>>) offsets(%arg8 : memref<128xi32, #tpu.memory_space<vmem>>) semaphore(%arg20 : memref<!tpu.dma_semaphore, #tpu.memory_space<semaphore_mem>>) {add = true}
      %mul3A_270 = arith.constant 4 : i32
      %mul3A_271 = arith.muli %while3A_239, %mul3A_270 : i32
      %add3A_272 = arith.constant 1 : i32
      %add3A_273 = arith.addi %mul3A_271, %add3A_272 : i32
      %dma_wait3A_274 = arith.constant 0 : i32
      %dma_wait3A_275 = arith.constant 0 : i32
      %dma_wait3A_276 = tpu.memref_slice %arg22[%dma_wait3A_274, %dma_wait3A_275] : memref<10240x128xf32, #tpu.memory_space<vmem_shared>> -> memref<10240x128xf32, #tpu.memory_space<vmem_shared>>
      tpu.wait_indirect_dma semaphore(%arg21 : memref<!tpu.dma_semaphore, #tpu.memory_space<semaphore_mem>>) src(%arg13 : memref<128x128xf32, #tpu.memory_space<vmem>>) dst(%dma_wait3A_276 : memref<10240x128xf32, #tpu.memory_space<vmem_shared>>)
      %add3A_277 = arith.constant 2 : i32
      %add3A_278 = arith.addi %add3A_273, %add3A_277 : i32
      %mul3A_279 = arith.constant 128 : i32
      %mul3A_280 = arith.muli %add3A_278, %mul3A_279 : i32
      %add3A_281 = arith.addi %select_n3A, %mul3A_280 : i32
      %dma_start3A_282 = tpu.memref_slice %arg4[%add3A_281] : memref<338944xi32, #tpu.memory_space<hbm>> -> memref<128xi32, #tpu.memory_space<hbm>>
      %dma_start3A_283 = tpu.memref_slice %arg4[%add3A_281] : memref<338944xi32, #tpu.memory_space<hbm>> -> memref<128xi32, #tpu.memory_space<hbm>>
      tpu.enqueue_dma source(%dma_start3A_283 : memref<128xi32, #tpu.memory_space<hbm>>) target(%arg11 : memref<128xi32, #tpu.memory_space<vmem>>) target_semaphore(%arg17 : memref<!tpu.dma_semaphore, #tpu.memory_space<semaphore_mem>>)
      %dma_wait3A_284 = tpu.memref_slice %arg4[%select_n3A] : memref<338944xi32, #tpu.memory_space<hbm>> -> memref<128xi32, #tpu.memory_space<hbm>>
      %dma_wait3A_285 = tpu.memref_slice %arg4[%select_n3A] : memref<338944xi32, #tpu.memory_space<hbm>> -> memref<128xi32, #tpu.memory_space<hbm>>
      tpu.wait_dma2 semaphore(%arg15 : memref<!tpu.dma_semaphore, #tpu.memory_space<semaphore_mem>>) src(%dma_wait3A_285 : memref<128xi32, #tpu.memory_space<hbm>>) dst(%arg9 : memref<128xi32, #tpu.memory_space<vmem>>)
      %mul3A_286 = arith.constant 128 : i32
      %mul3A_287 = arith.muli %add3A_273, %mul3A_286 : i32
      %dma_start3A_288 = tpu.memref_slice %arg7[%mul3A_287] : memref<15872xi32, #tpu.memory_space<vmem>> -> memref<128xi32, #tpu.memory_space<vmem>>
      %dma_start3A_289 = arith.constant 0 : i32
      %dma_start3A_290 = arith.constant 0 : i32
      %dma_start3A_291 = tpu.memref_slice %arg2[%dma_start3A_289, %dma_start3A_290] : memref<10240x128xf32, #tpu.memory_space<hbm>> -> memref<10240x128xf32, #tpu.memory_space<hbm>>
      tpu.enqueue_indirect_dma source(%dma_start3A_291 : memref<10240x128xf32, #tpu.memory_space<hbm>>) target(%arg13 : memref<128x128xf32, #tpu.memory_space<vmem>>) offsets(%dma_start3A_288 : memref<128xi32, #tpu.memory_space<vmem>>) semaphore(%arg19 : memref<!tpu.dma_semaphore, #tpu.memory_space<semaphore_mem>>)
      %dma_wait3A_292 = arith.constant 0 : i32
      %dma_wait3A_293 = tpu.memref_slice %arg7[%dma_wait3A_292] : memref<15872xi32, #tpu.memory_space<vmem>> -> memref<128xi32, #tpu.memory_space<vmem>>
      %dma_wait3A_294 = arith.constant 0 : i32
      %dma_wait3A_295 = arith.constant 0 : i32
      %dma_wait3A_296 = tpu.memref_slice %arg2[%dma_wait3A_294, %dma_wait3A_295] : memref<10240x128xf32, #tpu.memory_space<hbm>> -> memref<10240x128xf32, #tpu.memory_space<hbm>>
      tpu.wait_indirect_dma semaphore(%arg19 : memref<!tpu.dma_semaphore, #tpu.memory_space<semaphore_mem>>) src(%dma_wait3A_296 : memref<10240x128xf32, #tpu.memory_space<hbm>>) dst(%arg13 : memref<128x128xf32, #tpu.memory_space<vmem>>)
      %dma_start3A_297 = arith.constant 0 : i32
      %dma_start3A_298 = arith.constant 0 : i32
      %dma_start3A_299 = tpu.memref_slice %arg22[%dma_start3A_297, %dma_start3A_298] : memref<10240x128xf32, #tpu.memory_space<vmem_shared>> -> memref<10240x128xf32, #tpu.memory_space<vmem_shared>>
      tpu.enqueue_indirect_dma source(%arg13 : memref<128x128xf32, #tpu.memory_space<vmem>>) target(%dma_start3A_299 : memref<10240x128xf32, #tpu.memory_space<vmem_shared>>) offsets(%arg9 : memref<128xi32, #tpu.memory_space<vmem>>) semaphore(%arg21 : memref<!tpu.dma_semaphore, #tpu.memory_space<semaphore_mem>>) {add = true}
      %mul3A_300 = arith.constant 4 : i32
      %mul3A_301 = arith.muli %while3A_239, %mul3A_300 : i32
      %add3A_302 = arith.constant 2 : i32
      %add3A_303 = arith.addi %mul3A_301, %add3A_302 : i32
      %dma_wait3A_304 = arith.constant 0 : i32
      %dma_wait3A_305 = arith.constant 0 : i32
      %dma_wait3A_306 = tpu.memref_slice %arg22[%dma_wait3A_304, %dma_wait3A_305] : memref<10240x128xf32, #tpu.memory_space<vmem_shared>> -> memref<10240x128xf32, #tpu.memory_space<vmem_shared>>
      tpu.wait_indirect_dma semaphore(%arg20 : memref<!tpu.dma_semaphore, #tpu.memory_space<semaphore_mem>>) src(%arg12 : memref<128x128xf32, #tpu.memory_space<vmem>>) dst(%dma_wait3A_306 : memref<10240x128xf32, #tpu.memory_space<vmem_shared>>)
      %add3A_307 = arith.constant 2 : i32
      %add3A_308 = arith.addi %add3A_303, %add3A_307 : i32
      %mul3A_309 = arith.constant 128 : i32
      %mul3A_310 = arith.muli %add3A_308, %mul3A_309 : i32
      %add3A_311 = arith.addi %select_n3A, %mul3A_310 : i32
      %dma_start3A_312 = tpu.memref_slice %arg4[%add3A_311] : memref<338944xi32, #tpu.memory_space<hbm>> -> memref<128xi32, #tpu.memory_space<hbm>>
      %dma_start3A_313 = tpu.memref_slice %arg4[%add3A_311] : memref<338944xi32, #tpu.memory_space<hbm>> -> memref<128xi32, #tpu.memory_space<hbm>>
      tpu.enqueue_dma source(%dma_start3A_313 : memref<128xi32, #tpu.memory_space<hbm>>) target(%arg8 : memref<128xi32, #tpu.memory_space<vmem>>) target_semaphore(%arg14 : memref<!tpu.dma_semaphore, #tpu.memory_space<semaphore_mem>>)
      %dma_wait3A_314 = tpu.memref_slice %arg4[%select_n3A] : memref<338944xi32, #tpu.memory_space<hbm>> -> memref<128xi32, #tpu.memory_space<hbm>>
      %dma_wait3A_315 = tpu.memref_slice %arg4[%select_n3A] : memref<338944xi32, #tpu.memory_space<hbm>> -> memref<128xi32, #tpu.memory_space<hbm>>
      tpu.wait_dma2 semaphore(%arg16 : memref<!tpu.dma_semaphore, #tpu.memory_space<semaphore_mem>>) src(%dma_wait3A_315 : memref<128xi32, #tpu.memory_space<hbm>>) dst(%arg10 : memref<128xi32, #tpu.memory_space<vmem>>)
      %mul3A_316 = arith.constant 128 : i32
      %mul3A_317 = arith.muli %add3A_303, %mul3A_316 : i32
      %dma_start3A_318 = tpu.memref_slice %arg7[%mul3A_317] : memref<15872xi32, #tpu.memory_space<vmem>> -> memref<128xi32, #tpu.memory_space<vmem>>
      %dma_start3A_319 = arith.constant 0 : i32
      %dma_start3A_320 = arith.constant 0 : i32
      %dma_start3A_321 = tpu.memref_slice %arg2[%dma_start3A_319, %dma_start3A_320] : memref<10240x128xf32, #tpu.memory_space<hbm>> -> memref<10240x128xf32, #tpu.memory_space<hbm>>
      tpu.enqueue_indirect_dma source(%dma_start3A_321 : memref<10240x128xf32, #tpu.memory_space<hbm>>) target(%arg12 : memref<128x128xf32, #tpu.memory_space<vmem>>) offsets(%dma_start3A_318 : memref<128xi32, #tpu.memory_space<vmem>>) semaphore(%arg18 : memref<!tpu.dma_semaphore, #tpu.memory_space<semaphore_mem>>)
      %dma_wait3A_322 = arith.constant 0 : i32
      %dma_wait3A_323 = tpu.memref_slice %arg7[%dma_wait3A_322] : memref<15872xi32, #tpu.memory_space<vmem>> -> memref<128xi32, #tpu.memory_space<vmem>>
      %dma_wait3A_324 = arith.constant 0 : i32
      %dma_wait3A_325 = arith.constant 0 : i32
      %dma_wait3A_326 = tpu.memref_slice %arg2[%dma_wait3A_324, %dma_wait3A_325] : memref<10240x128xf32, #tpu.memory_space<hbm>> -> memref<10240x128xf32, #tpu.memory_space<hbm>>
      tpu.wait_indirect_dma semaphore(%arg18 : memref<!tpu.dma_semaphore, #tpu.memory_space<semaphore_mem>>) src(%dma_wait3A_326 : memref<10240x128xf32, #tpu.memory_space<hbm>>) dst(%arg12 : memref<128x128xf32, #tpu.memory_space<vmem>>)
      %dma_start3A_327 = arith.constant 0 : i32
      %dma_start3A_328 = arith.constant 0 : i32
      %dma_start3A_329 = tpu.memref_slice %arg22[%dma_start3A_327, %dma_start3A_328] : memref<10240x128xf32, #tpu.memory_space<vmem_shared>> -> memref<10240x128xf32, #tpu.memory_space<vmem_shared>>
      tpu.enqueue_indirect_dma source(%arg12 : memref<128x128xf32, #tpu.memory_space<vmem>>) target(%dma_start3A_329 : memref<10240x128xf32, #tpu.memory_space<vmem_shared>>) offsets(%arg10 : memref<128xi32, #tpu.memory_space<vmem>>) semaphore(%arg20 : memref<!tpu.dma_semaphore, #tpu.memory_space<semaphore_mem>>) {add = true}
      %mul3A_330 = arith.constant 4 : i32
      %mul3A_331 = arith.muli %while3A_239, %mul3A_330 : i32
      %add3A_332 = arith.constant 3 : i32
      %add3A_333 = arith.addi %mul3A_331, %add3A_332 : i32
      %dma_wait3A_334 = arith.constant 0 : i32
      %dma_wait3A_335 = arith.constant 0 : i32
      %dma_wait3A_336 = tpu.memref_slice %arg22[%dma_wait3A_334, %dma_wait3A_335] : memref<10240x128xf32, #tpu.memory_space<vmem_shared>> -> memref<10240x128xf32, #tpu.memory_space<vmem_shared>>
      tpu.wait_indirect_dma semaphore(%arg21 : memref<!tpu.dma_semaphore, #tpu.memory_space<semaphore_mem>>) src(%arg13 : memref<128x128xf32, #tpu.memory_space<vmem>>) dst(%dma_wait3A_336 : memref<10240x128xf32, #tpu.memory_space<vmem_shared>>)
      %add3A_337 = arith.constant 2 : i32
      %add3A_338 = arith.addi %add3A_333, %add3A_337 : i32
      %mul3A_339 = arith.constant 128 : i32
      %mul3A_340 = arith.muli %add3A_338, %mul3A_339 : i32
      %add3A_341 = arith.addi %select_n3A, %mul3A_340 : i32
      %dma_start3A_342 = tpu.memref_slice %arg4[%add3A_341] : memref<338944xi32, #tpu.memory_space<hbm>> -> memref<128xi32, #tpu.memory_space<hbm>>
      %dma_start3A_343 = tpu.memref_slice %arg4[%add3A_341] : memref<338944xi32, #tpu.memory_space<hbm>> -> memref<128xi32, #tpu.memory_space<hbm>>
      tpu.enqueue_dma source(%dma_start3A_343 : memref<128xi32, #tpu.memory_space<hbm>>) target(%arg9 : memref<128xi32, #tpu.memory_space<vmem>>) target_semaphore(%arg15 : memref<!tpu.dma_semaphore, #tpu.memory_space<semaphore_mem>>)
      %dma_wait3A_344 = tpu.memref_slice %arg4[%select_n3A] : memref<338944xi32, #tpu.memory_space<hbm>> -> memref<128xi32, #tpu.memory_space<hbm>>
      %dma_wait3A_345 = tpu.memref_slice %arg4[%select_n3A] : memref<338944xi32, #tpu.memory_space<hbm>> -> memref<128xi32, #tpu.memory_space<hbm>>
      tpu.wait_dma2 semaphore(%arg17 : memref<!tpu.dma_semaphore, #tpu.memory_space<semaphore_mem>>) src(%dma_wait3A_345 : memref<128xi32, #tpu.memory_space<hbm>>) dst(%arg11 : memref<128xi32, #tpu.memory_space<vmem>>)
      %mul3A_346 = arith.constant 128 : i32
      %mul3A_347 = arith.muli %add3A_333, %mul3A_346 : i32
      %dma_start3A_348 = tpu.memref_slice %arg7[%mul3A_347] : memref<15872xi32, #tpu.memory_space<vmem>> -> memref<128xi32, #tpu.memory_space<vmem>>
      %dma_start3A_349 = arith.constant 0 : i32
      %dma_start3A_350 = arith.constant 0 : i32
      %dma_start3A_351 = tpu.memref_slice %arg2[%dma_start3A_349, %dma_start3A_350] : memref<10240x128xf32, #tpu.memory_space<hbm>> -> memref<10240x128xf32, #tpu.memory_space<hbm>>
      tpu.enqueue_indirect_dma source(%dma_start3A_351 : memref<10240x128xf32, #tpu.memory_space<hbm>>) target(%arg13 : memref<128x128xf32, #tpu.memory_space<vmem>>) offsets(%dma_start3A_348 : memref<128xi32, #tpu.memory_space<vmem>>) semaphore(%arg19 : memref<!tpu.dma_semaphore, #tpu.memory_space<semaphore_mem>>)
      %dma_wait3A_352 = arith.constant 0 : i32
      %dma_wait3A_353 = tpu.memref_slice %arg7[%dma_wait3A_352] : memref<15872xi32, #tpu.memory_space<vmem>> -> memref<128xi32, #tpu.memory_space<vmem>>
      %dma_wait3A_354 = arith.constant 0 : i32
      %dma_wait3A_355 = arith.constant 0 : i32
      %dma_wait3A_356 = tpu.memref_slice %arg2[%dma_wait3A_354, %dma_wait3A_355] : memref<10240x128xf32, #tpu.memory_space<hbm>> -> memref<10240x128xf32, #tpu.memory_space<hbm>>
      tpu.wait_indirect_dma semaphore(%arg19 : memref<!tpu.dma_semaphore, #tpu.memory_space<semaphore_mem>>) src(%dma_wait3A_356 : memref<10240x128xf32, #tpu.memory_space<hbm>>) dst(%arg13 : memref<128x128xf32, #tpu.memory_space<vmem>>)
      %dma_start3A_357 = arith.constant 0 : i32
      %dma_start3A_358 = arith.constant 0 : i32
      %dma_start3A_359 = tpu.memref_slice %arg22[%dma_start3A_357, %dma_start3A_358] : memref<10240x128xf32, #tpu.memory_space<vmem_shared>> -> memref<10240x128xf32, #tpu.memory_space<vmem_shared>>
      tpu.enqueue_indirect_dma source(%arg13 : memref<128x128xf32, #tpu.memory_space<vmem>>) target(%dma_start3A_359 : memref<10240x128xf32, #tpu.memory_space<vmem_shared>>) offsets(%arg11 : memref<128xi32, #tpu.memory_space<vmem>>) semaphore(%arg21 : memref<!tpu.dma_semaphore, #tpu.memory_space<semaphore_mem>>) {add = true}
    }
    %sub3A_128 = arith.constant 4 : i32
    %sub3A_129 = arith.subi %select_n3A_8, %sub3A_128 : i32
    %add3A_130 = arith.constant 0 : i32
    %add3A_131 = arith.addi %sub3A_129, %add3A_130 : i32
    %dma_wait3A_132 = arith.constant 0 : i32
    %dma_wait3A_133 = arith.constant 0 : i32
    %dma_wait3A_134 = tpu.memref_slice %arg22[%dma_wait3A_132, %dma_wait3A_133] : memref<10240x128xf32, #tpu.memory_space<vmem_shared>> -> memref<10240x128xf32, #tpu.memory_space<vmem_shared>>
    tpu.wait_indirect_dma semaphore(%arg20 : memref<!tpu.dma_semaphore, #tpu.memory_space<semaphore_mem>>) src(%arg12 : memref<128x128xf32, #tpu.memory_space<vmem>>) dst(%dma_wait3A_134 : memref<10240x128xf32, #tpu.memory_space<vmem_shared>>)
    %add3A_135 = arith.constant 2 : i32
    %add3A_136 = arith.addi %add3A_131, %add3A_135 : i32
    %mul3A_137 = arith.constant 128 : i32
    %mul3A_138 = arith.muli %add3A_136, %mul3A_137 : i32
    %add3A_139 = arith.addi %select_n3A, %mul3A_138 : i32
    %dma_start3A_140 = tpu.memref_slice %arg4[%add3A_139] : memref<338944xi32, #tpu.memory_space<hbm>> -> memref<128xi32, #tpu.memory_space<hbm>>
    %dma_start3A_141 = tpu.memref_slice %arg4[%add3A_139] : memref<338944xi32, #tpu.memory_space<hbm>> -> memref<128xi32, #tpu.memory_space<hbm>>
    tpu.enqueue_dma source(%dma_start3A_141 : memref<128xi32, #tpu.memory_space<hbm>>) target(%arg10 : memref<128xi32, #tpu.memory_space<vmem>>) target_semaphore(%arg16 : memref<!tpu.dma_semaphore, #tpu.memory_space<semaphore_mem>>)
    %dma_wait3A_142 = tpu.memref_slice %arg4[%select_n3A] : memref<338944xi32, #tpu.memory_space<hbm>> -> memref<128xi32, #tpu.memory_space<hbm>>
    %dma_wait3A_143 = tpu.memref_slice %arg4[%select_n3A] : memref<338944xi32, #tpu.memory_space<hbm>> -> memref<128xi32, #tpu.memory_space<hbm>>
    tpu.wait_dma2 semaphore(%arg14 : memref<!tpu.dma_semaphore, #tpu.memory_space<semaphore_mem>>) src(%dma_wait3A_143 : memref<128xi32, #tpu.memory_space<hbm>>) dst(%arg8 : memref<128xi32, #tpu.memory_space<vmem>>)
    %mul3A_144 = arith.constant 128 : i32
    %mul3A_145 = arith.muli %add3A_131, %mul3A_144 : i32
    %dma_start3A_146 = tpu.memref_slice %arg7[%mul3A_145] : memref<15872xi32, #tpu.memory_space<vmem>> -> memref<128xi32, #tpu.memory_space<vmem>>
    %dma_start3A_147 = arith.constant 0 : i32
    %dma_start3A_148 = arith.constant 0 : i32
    %dma_start3A_149 = tpu.memref_slice %arg2[%dma_start3A_147, %dma_start3A_148] : memref<10240x128xf32, #tpu.memory_space<hbm>> -> memref<10240x128xf32, #tpu.memory_space<hbm>>
    tpu.enqueue_indirect_dma source(%dma_start3A_149 : memref<10240x128xf32, #tpu.memory_space<hbm>>) target(%arg12 : memref<128x128xf32, #tpu.memory_space<vmem>>) offsets(%dma_start3A_146 : memref<128xi32, #tpu.memory_space<vmem>>) semaphore(%arg18 : memref<!tpu.dma_semaphore, #tpu.memory_space<semaphore_mem>>)
    %dma_wait3A_150 = arith.constant 0 : i32
    %dma_wait3A_151 = tpu.memref_slice %arg7[%dma_wait3A_150] : memref<15872xi32, #tpu.memory_space<vmem>> -> memref<128xi32, #tpu.memory_space<vmem>>
    %dma_wait3A_152 = arith.constant 0 : i32
    %dma_wait3A_153 = arith.constant 0 : i32
    %dma_wait3A_154 = tpu.memref_slice %arg2[%dma_wait3A_152, %dma_wait3A_153] : memref<10240x128xf32, #tpu.memory_space<hbm>> -> memref<10240x128xf32, #tpu.memory_space<hbm>>
    tpu.wait_indirect_dma semaphore(%arg18 : memref<!tpu.dma_semaphore, #tpu.memory_space<semaphore_mem>>) src(%dma_wait3A_154 : memref<10240x128xf32, #tpu.memory_space<hbm>>) dst(%arg12 : memref<128x128xf32, #tpu.memory_space<vmem>>)
    %dma_start3A_155 = arith.constant 0 : i32
    %dma_start3A_156 = arith.constant 0 : i32
    %dma_start3A_157 = tpu.memref_slice %arg22[%dma_start3A_155, %dma_start3A_156] : memref<10240x128xf32, #tpu.memory_space<vmem_shared>> -> memref<10240x128xf32, #tpu.memory_space<vmem_shared>>
    tpu.enqueue_indirect_dma source(%arg12 : memref<128x128xf32, #tpu.memory_space<vmem>>) target(%dma_start3A_157 : memref<10240x128xf32, #tpu.memory_space<vmem_shared>>) offsets(%arg8 : memref<128xi32, #tpu.memory_space<vmem>>) semaphore(%arg20 : memref<!tpu.dma_semaphore, #tpu.memory_space<semaphore_mem>>) {add = true}
    %add3A_158 = arith.constant 1 : i32
    %add3A_159 = arith.addi %sub3A_129, %add3A_158 : i32
    %dma_wait3A_160 = arith.constant 0 : i32
    %dma_wait3A_161 = arith.constant 0 : i32
    %dma_wait3A_162 = tpu.memref_slice %arg22[%dma_wait3A_160, %dma_wait3A_161] : memref<10240x128xf32, #tpu.memory_space<vmem_shared>> -> memref<10240x128xf32, #tpu.memory_space<vmem_shared>>
    tpu.wait_indirect_dma semaphore(%arg21 : memref<!tpu.dma_semaphore, #tpu.memory_space<semaphore_mem>>) src(%arg13 : memref<128x128xf32, #tpu.memory_space<vmem>>) dst(%dma_wait3A_162 : memref<10240x128xf32, #tpu.memory_space<vmem_shared>>)
    %add3A_163 = arith.constant 2 : i32
    %add3A_164 = arith.addi %add3A_159, %add3A_163 : i32
    %mul3A_165 = arith.constant 128 : i32
    %mul3A_166 = arith.muli %add3A_164, %mul3A_165 : i32
    %add3A_167 = arith.addi %select_n3A, %mul3A_166 : i32
    %dma_start3A_168 = tpu.memref_slice %arg4[%add3A_167] : memref<338944xi32, #tpu.memory_space<hbm>> -> memref<128xi32, #tpu.memory_space<hbm>>
    %dma_start3A_169 = tpu.memref_slice %arg4[%add3A_167] : memref<338944xi32, #tpu.memory_space<hbm>> -> memref<128xi32, #tpu.memory_space<hbm>>
    tpu.enqueue_dma source(%dma_start3A_169 : memref<128xi32, #tpu.memory_space<hbm>>) target(%arg11 : memref<128xi32, #tpu.memory_space<vmem>>) target_semaphore(%arg17 : memref<!tpu.dma_semaphore, #tpu.memory_space<semaphore_mem>>)
    %dma_wait3A_170 = tpu.memref_slice %arg4[%select_n3A] : memref<338944xi32, #tpu.memory_space<hbm>> -> memref<128xi32, #tpu.memory_space<hbm>>
    %dma_wait3A_171 = tpu.memref_slice %arg4[%select_n3A] : memref<338944xi32, #tpu.memory_space<hbm>> -> memref<128xi32, #tpu.memory_space<hbm>>
    tpu.wait_dma2 semaphore(%arg15 : memref<!tpu.dma_semaphore, #tpu.memory_space<semaphore_mem>>) src(%dma_wait3A_171 : memref<128xi32, #tpu.memory_space<hbm>>) dst(%arg9 : memref<128xi32, #tpu.memory_space<vmem>>)
    %mul3A_172 = arith.constant 128 : i32
    %mul3A_173 = arith.muli %add3A_159, %mul3A_172 : i32
    %dma_start3A_174 = tpu.memref_slice %arg7[%mul3A_173] : memref<15872xi32, #tpu.memory_space<vmem>> -> memref<128xi32, #tpu.memory_space<vmem>>
    %dma_start3A_175 = arith.constant 0 : i32
    %dma_start3A_176 = arith.constant 0 : i32
    %dma_start3A_177 = tpu.memref_slice %arg2[%dma_start3A_175, %dma_start3A_176] : memref<10240x128xf32, #tpu.memory_space<hbm>> -> memref<10240x128xf32, #tpu.memory_space<hbm>>
    tpu.enqueue_indirect_dma source(%dma_start3A_177 : memref<10240x128xf32, #tpu.memory_space<hbm>>) target(%arg13 : memref<128x128xf32, #tpu.memory_space<vmem>>) offsets(%dma_start3A_174 : memref<128xi32, #tpu.memory_space<vmem>>) semaphore(%arg19 : memref<!tpu.dma_semaphore, #tpu.memory_space<semaphore_mem>>)
    %dma_wait3A_178 = arith.constant 0 : i32
    %dma_wait3A_179 = tpu.memref_slice %arg7[%dma_wait3A_178] : memref<15872xi32, #tpu.memory_space<vmem>> -> memref<128xi32, #tpu.memory_space<vmem>>
    %dma_wait3A_180 = arith.constant 0 : i32
    %dma_wait3A_181 = arith.constant 0 : i32
    %dma_wait3A_182 = tpu.memref_slice %arg2[%dma_wait3A_180, %dma_wait3A_181] : memref<10240x128xf32, #tpu.memory_space<hbm>> -> memref<10240x128xf32, #tpu.memory_space<hbm>>
    tpu.wait_indirect_dma semaphore(%arg19 : memref<!tpu.dma_semaphore, #tpu.memory_space<semaphore_mem>>) src(%dma_wait3A_182 : memref<10240x128xf32, #tpu.memory_space<hbm>>) dst(%arg13 : memref<128x128xf32, #tpu.memory_space<vmem>>)
    %dma_start3A_183 = arith.constant 0 : i32
    %dma_start3A_184 = arith.constant 0 : i32
    %dma_start3A_185 = tpu.memref_slice %arg22[%dma_start3A_183, %dma_start3A_184] : memref<10240x128xf32, #tpu.memory_space<vmem_shared>> -> memref<10240x128xf32, #tpu.memory_space<vmem_shared>>
    tpu.enqueue_indirect_dma source(%arg13 : memref<128x128xf32, #tpu.memory_space<vmem>>) target(%dma_start3A_185 : memref<10240x128xf32, #tpu.memory_space<vmem_shared>>) offsets(%arg9 : memref<128xi32, #tpu.memory_space<vmem>>) semaphore(%arg21 : memref<!tpu.dma_semaphore, #tpu.memory_space<semaphore_mem>>) {add = true}
    %add3A_186 = arith.constant 2 : i32
    %add3A_187 = arith.addi %sub3A_129, %add3A_186 : i32
    %dma_wait3A_188 = arith.constant 0 : i32
    %dma_wait3A_189 = arith.constant 0 : i32
    %dma_wait3A_190 = tpu.memref_slice %arg22[%dma_wait3A_188, %dma_wait3A_189] : memref<10240x128xf32, #tpu.memory_space<vmem_shared>> -> memref<10240x128xf32, #tpu.memory_space<vmem_shared>>
    tpu.wait_indirect_dma semaphore(%arg20 : memref<!tpu.dma_semaphore, #tpu.memory_space<semaphore_mem>>) src(%arg12 : memref<128x128xf32, #tpu.memory_space<vmem>>) dst(%dma_wait3A_190 : memref<10240x128xf32, #tpu.memory_space<vmem_shared>>)
    %dma_wait3A_191 = tpu.memref_slice %arg4[%select_n3A] : memref<338944xi32, #tpu.memory_space<hbm>> -> memref<128xi32, #tpu.memory_space<hbm>>
    %dma_wait3A_192 = tpu.memref_slice %arg4[%select_n3A] : memref<338944xi32, #tpu.memory_space<hbm>> -> memref<128xi32, #tpu.memory_space<hbm>>
    tpu.wait_dma2 semaphore(%arg16 : memref<!tpu.dma_semaphore, #tpu.memory_space<semaphore_mem>>) src(%dma_wait3A_192 : memref<128xi32, #tpu.memory_space<hbm>>) dst(%arg10 : memref<128xi32, #tpu.memory_space<vmem>>)
    %mul3A_193 = arith.constant 128 : i32
    %mul3A_194 = arith.muli %add3A_187, %mul3A_193 : i32
    %dma_start3A_195 = tpu.memref_slice %arg7[%mul3A_194] : memref<15872xi32, #tpu.memory_space<vmem>> -> memref<128xi32, #tpu.memory_space<vmem>>
    %dma_start3A_196 = arith.constant 0 : i32
    %dma_start3A_197 = arith.constant 0 : i32
    %dma_start3A_198 = tpu.memref_slice %arg2[%dma_start3A_196, %dma_start3A_197] : memref<10240x128xf32, #tpu.memory_space<hbm>> -> memref<10240x128xf32, #tpu.memory_space<hbm>>
    tpu.enqueue_indirect_dma source(%dma_start3A_198 : memref<10240x128xf32, #tpu.memory_space<hbm>>) target(%arg12 : memref<128x128xf32, #tpu.memory_space<vmem>>) offsets(%dma_start3A_195 : memref<128xi32, #tpu.memory_space<vmem>>) semaphore(%arg18 : memref<!tpu.dma_semaphore, #tpu.memory_space<semaphore_mem>>)
    %dma_wait3A_199 = arith.constant 0 : i32
    %dma_wait3A_200 = tpu.memref_slice %arg7[%dma_wait3A_199] : memref<15872xi32, #tpu.memory_space<vmem>> -> memref<128xi32, #tpu.memory_space<vmem>>
    %dma_wait3A_201 = arith.constant 0 : i32
    %dma_wait3A_202 = arith.constant 0 : i32
    %dma_wait3A_203 = tpu.memref_slice %arg2[%dma_wait3A_201, %dma_wait3A_202] : memref<10240x128xf32, #tpu.memory_space<hbm>> -> memref<10240x128xf32, #tpu.memory_space<hbm>>
    tpu.wait_indirect_dma semaphore(%arg18 : memref<!tpu.dma_semaphore, #tpu.memory_space<semaphore_mem>>) src(%dma_wait3A_203 : memref<10240x128xf32, #tpu.memory_space<hbm>>) dst(%arg12 : memref<128x128xf32, #tpu.memory_space<vmem>>)
    %dma_start3A_204 = arith.constant 0 : i32
    %dma_start3A_205 = arith.constant 0 : i32
    %dma_start3A_206 = tpu.memref_slice %arg22[%dma_start3A_204, %dma_start3A_205] : memref<10240x128xf32, #tpu.memory_space<vmem_shared>> -> memref<10240x128xf32, #tpu.memory_space<vmem_shared>>
    tpu.enqueue_indirect_dma source(%arg12 : memref<128x128xf32, #tpu.memory_space<vmem>>) target(%dma_start3A_206 : memref<10240x128xf32, #tpu.memory_space<vmem_shared>>) offsets(%arg10 : memref<128xi32, #tpu.memory_space<vmem>>) semaphore(%arg20 : memref<!tpu.dma_semaphore, #tpu.memory_space<semaphore_mem>>) {add = true}
    %add3A_207 = arith.constant 3 : i32
    %add3A_208 = arith.addi %sub3A_129, %add3A_207 : i32
    %dma_wait3A_209 = arith.constant 0 : i32
    %dma_wait3A_210 = arith.constant 0 : i32
    %dma_wait3A_211 = tpu.memref_slice %arg22[%dma_wait3A_209, %dma_wait3A_210] : memref<10240x128xf32, #tpu.memory_space<vmem_shared>> -> memref<10240x128xf32, #tpu.memory_space<vmem_shared>>
    tpu.wait_indirect_dma semaphore(%arg21 : memref<!tpu.dma_semaphore, #tpu.memory_space<semaphore_mem>>) src(%arg13 : memref<128x128xf32, #tpu.memory_space<vmem>>) dst(%dma_wait3A_211 : memref<10240x128xf32, #tpu.memory_space<vmem_shared>>)
    %dma_wait3A_212 = tpu.memref_slice %arg4[%select_n3A] : memref<338944xi32, #tpu.memory_space<hbm>> -> memref<128xi32, #tpu.memory_space<hbm>>
    %dma_wait3A_213 = tpu.memref_slice %arg4[%select_n3A] : memref<338944xi32, #tpu.memory_space<hbm>> -> memref<128xi32, #tpu.memory_space<hbm>>
    tpu.wait_dma2 semaphore(%arg17 : memref<!tpu.dma_semaphore, #tpu.memory_space<semaphore_mem>>) src(%dma_wait3A_213 : memref<128xi32, #tpu.memory_space<hbm>>) dst(%arg11 : memref<128xi32, #tpu.memory_space<vmem>>)
    %mul3A_214 = arith.constant 128 : i32
    %mul3A_215 = arith.muli %add3A_208, %mul3A_214 : i32
    %dma_start3A_216 = tpu.memref_slice %arg7[%mul3A_215] : memref<15872xi32, #tpu.memory_space<vmem>> -> memref<128xi32, #tpu.memory_space<vmem>>
    %dma_start3A_217 = arith.constant 0 : i32
    %dma_start3A_218 = arith.constant 0 : i32
    %dma_start3A_219 = tpu.memref_slice %arg2[%dma_start3A_217, %dma_start3A_218] : memref<10240x128xf32, #tpu.memory_space<hbm>> -> memref<10240x128xf32, #tpu.memory_space<hbm>>
    tpu.enqueue_indirect_dma source(%dma_start3A_219 : memref<10240x128xf32, #tpu.memory_space<hbm>>) target(%arg13 : memref<128x128xf32, #tpu.memory_space<vmem>>) offsets(%dma_start3A_216 : memref<128xi32, #tpu.memory_space<vmem>>) semaphore(%arg19 : memref<!tpu.dma_semaphore, #tpu.memory_space<semaphore_mem>>)
    %dma_wait3A_220 = arith.constant 0 : i32
    %dma_wait3A_221 = tpu.memref_slice %arg7[%dma_wait3A_220] : memref<15872xi32, #tpu.memory_space<vmem>> -> memref<128xi32, #tpu.memory_space<vmem>>
    %dma_wait3A_222 = arith.constant 0 : i32
    %dma_wait3A_223 = arith.constant 0 : i32
    %dma_wait3A_224 = tpu.memref_slice %arg2[%dma_wait3A_222, %dma_wait3A_223] : memref<10240x128xf32, #tpu.memory_space<hbm>> -> memref<10240x128xf32, #tpu.memory_space<hbm>>
    tpu.wait_indirect_dma semaphore(%arg19 : memref<!tpu.dma_semaphore, #tpu.memory_space<semaphore_mem>>) src(%dma_wait3A_224 : memref<10240x128xf32, #tpu.memory_space<hbm>>) dst(%arg13 : memref<128x128xf32, #tpu.memory_space<vmem>>)
    %dma_start3A_225 = arith.constant 0 : i32
    %dma_start3A_226 = arith.constant 0 : i32
    %dma_start3A_227 = tpu.memref_slice %arg22[%dma_start3A_225, %dma_start3A_226] : memref<10240x128xf32, #tpu.memory_space<vmem_shared>> -> memref<10240x128xf32, #tpu.memory_space<vmem_shared>>
    tpu.enqueue_indirect_dma source(%arg13 : memref<128x128xf32, #tpu.memory_space<vmem>>) target(%dma_start3A_227 : memref<10240x128xf32, #tpu.memory_space<vmem_shared>>) offsets(%arg11 : memref<128xi32, #tpu.memory_space<vmem>>) semaphore(%arg21 : memref<!tpu.dma_semaphore, #tpu.memory_space<semaphore_mem>>) {add = true}
    %dma_wait3A_228 = arith.constant 0 : i32
    %dma_wait3A_229 = arith.constant 0 : i32
    %dma_wait3A_230 = tpu.memref_slice %arg22[%dma_wait3A_228, %dma_wait3A_229] : memref<10240x128xf32, #tpu.memory_space<vmem_shared>> -> memref<10240x128xf32, #tpu.memory_space<vmem_shared>>
    tpu.wait_indirect_dma semaphore(%arg20 : memref<!tpu.dma_semaphore, #tpu.memory_space<semaphore_mem>>) src(%arg12 : memref<128x128xf32, #tpu.memory_space<vmem>>) dst(%dma_wait3A_230 : memref<10240x128xf32, #tpu.memory_space<vmem_shared>>)
    %dma_wait3A_231 = arith.constant 0 : i32
    %dma_wait3A_232 = arith.constant 0 : i32
    %dma_wait3A_233 = tpu.memref_slice %arg22[%dma_wait3A_231, %dma_wait3A_232] : memref<10240x128xf32, #tpu.memory_space<vmem_shared>> -> memref<10240x128xf32, #tpu.memory_space<vmem_shared>>
    tpu.wait_indirect_dma semaphore(%arg21 : memref<!tpu.dma_semaphore, #tpu.memory_space<semaphore_mem>>) src(%arg13 : memref<128x128xf32, #tpu.memory_space<vmem>>) dst(%dma_wait3A_233 : memref<10240x128xf32, #tpu.memory_space<vmem_shared>>)
    %barrier3A_234 = arith.constant 0 : index
    tpu.barrier barrier_id(%barrier3A_234)
    %mul3A_235 = arith.constant 640 : i32
    %mul3A_236 = arith.muli %arg1, %mul3A_235 : i32
    %mul3A_237 = arith.constant 640 : i32
    %mul3A_238 = arith.muli %arg1, %mul3A_237 : i32
    "tpu.region"() ({
      %run_scoped3A = tpu.sem_alloc : memref<!tpu.dma_semaphore, #tpu.memory_space<semaphore_mem>>
      %dma_start3A_239 = arith.constant 0 : i32
      %dma_start3A_240 = tpu.memref_slice %arg6[%arg0, %mul3A_238, %dma_start3A_239] : memref<2x10240x128xf32, #tpu.memory_space<hbm>> -> memref<1x640x128xf32, #tpu.memory_space<hbm>>
      %dma_start3A_241 = tpu.memref_squeeze %dma_start3A_240 : memref<1x640x128xf32, #tpu.memory_space<hbm>> -> memref<640x128xf32, #tpu.memory_space<hbm>>
      %dma_start3A_242 = arith.constant 0 : i32
      %dma_start3A_243 = tpu.memref_slice %arg22[%mul3A_236, %dma_start3A_242] : memref<10240x128xf32, #tpu.memory_space<vmem_shared>> -> memref<640x128xf32, #tpu.memory_space<vmem_shared>>
      tpu.enqueue_dma source(%dma_start3A_243 : memref<640x128xf32, #tpu.memory_space<vmem_shared>>) target(%dma_start3A_241 : memref<640x128xf32, #tpu.memory_space<hbm>>) target_semaphore(%run_scoped3A : memref<!tpu.dma_semaphore, #tpu.memory_space<semaphore_mem>>)
      %dma_wait3A_244 = arith.constant 0 : i32
      %dma_wait3A_245 = tpu.memref_slice %arg6[%arg0, %mul3A_238, %dma_wait3A_244] : memref<2x10240x128xf32, #tpu.memory_space<hbm>> -> memref<1x640x128xf32, #tpu.memory_space<hbm>>
      %dma_wait3A_246 = tpu.memref_squeeze %dma_wait3A_245 : memref<1x640x128xf32, #tpu.memory_space<hbm>> -> memref<640x128xf32, #tpu.memory_space<hbm>>
      %dma_wait3A_247 = arith.constant 0 : i32
      %dma_wait3A_248 = tpu.memref_slice %arg22[%mul3A_236, %dma_wait3A_247] : memref<10240x128xf32, #tpu.memory_space<vmem_shared>> -> memref<640x128xf32, #tpu.memory_space<vmem_shared>>
      tpu.wait_dma2 semaphore(%run_scoped3A : memref<!tpu.dma_semaphore, #tpu.memory_space<semaphore_mem>>) src(%dma_wait3A_248 : memref<640x128xf32, #tpu.memory_space<vmem_shared>>) dst(%dma_wait3A_246 : memref<640x128xf32, #tpu.memory_space<hbm>>)
      tpu.yield
    }) : () -> ()
    return
  }
}

#map = affine_map<(d0, d1) -> (0)>
#map1 = affine_map<(d0, d1) -> (0, 0)>
module attributes {stable_mosaic.version = 14 : i64} {
  func.func @_score_kernel(%arg0: i32, %arg1: i32, %arg2: memref<10240xf32, #tpu.memory_space<hbm>>, %arg3: memref<338944xi32, #tpu.memory_space<hbm>>, %arg4: memref<338944xi32, #tpu.memory_space<hbm>>, %arg5: memref<640xf32, #tpu.memory_space<hbm>>, %arg6: memref<2x10240xf32, #tpu.memory_space<hbm>>, %arg7: memref<15872xi32, #tpu.memory_space<vmem>>, %arg8: memref<128xi32, #tpu.memory_space<vmem>>, %arg9: memref<128xi32, #tpu.memory_space<vmem>>, %arg10: memref<128xi32, #tpu.memory_space<vmem>>, %arg11: memref<128xi32, #tpu.memory_space<vmem>>, %arg12: memref<128xf32, #tpu.memory_space<vmem>>, %arg13: memref<128xf32, #tpu.memory_space<vmem>>, %arg14: memref<!tpu.dma_semaphore, #tpu.memory_space<semaphore_mem>>, %arg15: memref<!tpu.dma_semaphore, #tpu.memory_space<semaphore_mem>>, %arg16: memref<!tpu.dma_semaphore, #tpu.memory_space<semaphore_mem>>, %arg17: memref<!tpu.dma_semaphore, #tpu.memory_space<semaphore_mem>>, %arg18: memref<!tpu.dma_semaphore, #tpu.memory_space<semaphore_mem>>, %arg19: memref<!tpu.dma_semaphore, #tpu.memory_space<semaphore_mem>>, %arg20: memref<!tpu.dma_semaphore, #tpu.memory_space<semaphore_mem>>, %arg21: memref<!tpu.dma_semaphore, #tpu.memory_space<semaphore_mem>>, %arg22: memref<10240xf32, #tpu.memory_space<vmem_shared>>) attributes {dimension_semantics = [#tpu.dimension_semantics<core_parallel>, #tpu.dimension_semantics<subcore_parallel>], iteration_bounds = array<i64: 2, 16>, scalar_prefetch = 0 : i64, scratch_operands = 16 : i64, tpu.core_type = #tpu.core_type<sc_vector_subcore>, window_params = [{transform_indices = #map}, {transform_indices = #map}, {transform_indices = #map}, {transform_indices = #map}, {transform_indices = #map1}]} {
    %mul3A = arith.constant 2 : i32
    %mul3A_0 = arith.muli %arg1, %mul3A : i32
    %add3A = arith.addi %mul3A_0, %arg0 : i32
    %mul3A_1 = arith.constant 10240 : i32
    %mul3A_2 = arith.muli %add3A, %mul3A_1 : i32
    %mul3A_3 = arith.constant 640 : i32
    %mul3A_4 = arith.muli %arg1, %mul3A_3 : i32
    "tpu.region"() ({
      %run_scoped3A = tpu.sem_alloc : memref<!tpu.dma_semaphore, #tpu.memory_space<semaphore_mem>>
      %dma_start3A_157 = tpu.memref_slice %arg22[%mul3A_4] : memref<10240xf32, #tpu.memory_space<vmem_shared>> -> memref<640xf32, #tpu.memory_space<vmem_shared>>
      tpu.enqueue_dma source(%arg5 : memref<640xf32, #tpu.memory_space<hbm>>) target(%dma_start3A_157 : memref<640xf32, #tpu.memory_space<vmem_shared>>) target_semaphore(%run_scoped3A : memref<!tpu.dma_semaphore, #tpu.memory_space<semaphore_mem>>)
      %dma_wait3A_158 = tpu.memref_slice %arg22[%mul3A_4] : memref<10240xf32, #tpu.memory_space<vmem_shared>> -> memref<640xf32, #tpu.memory_space<vmem_shared>>
      tpu.wait_dma2 semaphore(%run_scoped3A : memref<!tpu.dma_semaphore, #tpu.memory_space<semaphore_mem>>) src(%arg5 : memref<640xf32, #tpu.memory_space<hbm>>) dst(%dma_wait3A_158 : memref<640xf32, #tpu.memory_space<vmem_shared>>)
      tpu.yield
    }) : () -> ()
    %barrier3A = arith.constant 0 : index
    tpu.barrier barrier_id(%barrier3A)
    "tpu.region"() ({
      %run_scoped3A = tpu.sem_alloc : memref<!tpu.dma_semaphore, #tpu.memory_space<semaphore_mem>>
      %dma_start3A_157 = tpu.memref_slice %arg3[%mul3A_2] : memref<338944xi32, #tpu.memory_space<hbm>> -> memref<15872xi32, #tpu.memory_space<hbm>>
      %dma_start3A_158 = tpu.memref_slice %arg3[%mul3A_2] : memref<338944xi32, #tpu.memory_space<hbm>> -> memref<15872xi32, #tpu.memory_space<hbm>>
      tpu.enqueue_dma source(%dma_start3A_158 : memref<15872xi32, #tpu.memory_space<hbm>>) target(%arg7 : memref<15872xi32, #tpu.memory_space<vmem>>) target_semaphore(%run_scoped3A : memref<!tpu.dma_semaphore, #tpu.memory_space<semaphore_mem>>)
      %dma_wait3A_159 = tpu.memref_slice %arg3[%mul3A_2] : memref<338944xi32, #tpu.memory_space<hbm>> -> memref<15872xi32, #tpu.memory_space<hbm>>
      %dma_wait3A_160 = tpu.memref_slice %arg3[%mul3A_2] : memref<338944xi32, #tpu.memory_space<hbm>> -> memref<15872xi32, #tpu.memory_space<hbm>>
      tpu.wait_dma2 semaphore(%run_scoped3A : memref<!tpu.dma_semaphore, #tpu.memory_space<semaphore_mem>>) src(%dma_wait3A_160 : memref<15872xi32, #tpu.memory_space<hbm>>) dst(%arg7 : memref<15872xi32, #tpu.memory_space<vmem>>)
      tpu.yield
    }) : () -> ()
    %add3A_5 = arith.constant 0 : i32
    %add3A_6 = arith.addi %mul3A_2, %add3A_5 : i32
    %dma_start3A = tpu.memref_slice %arg4[%add3A_6] : memref<338944xi32, #tpu.memory_space<hbm>> -> memref<128xi32, #tpu.memory_space<hbm>>
    %dma_start3A_7 = tpu.memref_slice %arg4[%add3A_6] : memref<338944xi32, #tpu.memory_space<hbm>> -> memref<128xi32, #tpu.memory_space<hbm>>
    tpu.enqueue_dma source(%dma_start3A_7 : memref<128xi32, #tpu.memory_space<hbm>>) target(%arg8 : memref<128xi32, #tpu.memory_space<vmem>>) target_semaphore(%arg14 : memref<!tpu.dma_semaphore, #tpu.memory_space<semaphore_mem>>)
    %add3A_8 = arith.constant 128 : i32
    %add3A_9 = arith.addi %mul3A_2, %add3A_8 : i32
    %dma_start3A_10 = tpu.memref_slice %arg4[%add3A_9] : memref<338944xi32, #tpu.memory_space<hbm>> -> memref<128xi32, #tpu.memory_space<hbm>>
    %dma_start3A_11 = tpu.memref_slice %arg4[%add3A_9] : memref<338944xi32, #tpu.memory_space<hbm>> -> memref<128xi32, #tpu.memory_space<hbm>>
    tpu.enqueue_dma source(%dma_start3A_11 : memref<128xi32, #tpu.memory_space<hbm>>) target(%arg9 : memref<128xi32, #tpu.memory_space<vmem>>) target_semaphore(%arg15 : memref<!tpu.dma_semaphore, #tpu.memory_space<semaphore_mem>>)
    %add3A_12 = arith.constant 256 : i32
    %add3A_13 = arith.addi %mul3A_2, %add3A_12 : i32
    %dma_start3A_14 = tpu.memref_slice %arg4[%add3A_13] : memref<338944xi32, #tpu.memory_space<hbm>> -> memref<128xi32, #tpu.memory_space<hbm>>
    %dma_start3A_15 = tpu.memref_slice %arg4[%add3A_13] : memref<338944xi32, #tpu.memory_space<hbm>> -> memref<128xi32, #tpu.memory_space<hbm>>
    tpu.enqueue_dma source(%dma_start3A_15 : memref<128xi32, #tpu.memory_space<hbm>>) target(%arg10 : memref<128xi32, #tpu.memory_space<vmem>>) target_semaphore(%arg16 : memref<!tpu.dma_semaphore, #tpu.memory_space<semaphore_mem>>)
    %add3A_16 = arith.constant 384 : i32
    %add3A_17 = arith.addi %mul3A_2, %add3A_16 : i32
    %dma_start3A_18 = tpu.memref_slice %arg4[%add3A_17] : memref<338944xi32, #tpu.memory_space<hbm>> -> memref<128xi32, #tpu.memory_space<hbm>>
    %dma_start3A_19 = tpu.memref_slice %arg4[%add3A_17] : memref<338944xi32, #tpu.memory_space<hbm>> -> memref<128xi32, #tpu.memory_space<hbm>>
    tpu.enqueue_dma source(%dma_start3A_19 : memref<128xi32, #tpu.memory_space<hbm>>) target(%arg11 : memref<128xi32, #tpu.memory_space<vmem>>) target_semaphore(%arg17 : memref<!tpu.dma_semaphore, #tpu.memory_space<semaphore_mem>>)
    %dma_wait3A = tpu.memref_slice %arg4[%mul3A_2] : memref<338944xi32, #tpu.memory_space<hbm>> -> memref<128xi32, #tpu.memory_space<hbm>>
    %dma_wait3A_20 = tpu.memref_slice %arg4[%mul3A_2] : memref<338944xi32, #tpu.memory_space<hbm>> -> memref<128xi32, #tpu.memory_space<hbm>>
    tpu.wait_dma2 semaphore(%arg14 : memref<!tpu.dma_semaphore, #tpu.memory_space<semaphore_mem>>) src(%dma_wait3A_20 : memref<128xi32, #tpu.memory_space<hbm>>) dst(%arg8 : memref<128xi32, #tpu.memory_space<vmem>>)
    %dma_start3A_21 = arith.constant 0 : i32
    %dma_start3A_22 = tpu.memref_slice %arg7[%dma_start3A_21] : memref<15872xi32, #tpu.memory_space<vmem>> -> memref<128xi32, #tpu.memory_space<vmem>>
    %dma_start3A_23 = arith.constant 0 : i32
    %dma_start3A_24 = tpu.memref_slice %arg2[%dma_start3A_23] : memref<10240xf32, #tpu.memory_space<hbm>> -> memref<10240xf32, #tpu.memory_space<hbm>>
    tpu.enqueue_indirect_dma source(%dma_start3A_24 : memref<10240xf32, #tpu.memory_space<hbm>>) target(%arg12 : memref<128xf32, #tpu.memory_space<vmem>>) offsets(%dma_start3A_22 : memref<128xi32, #tpu.memory_space<vmem>>) semaphore(%arg18 : memref<!tpu.dma_semaphore, #tpu.memory_space<semaphore_mem>>)
    %dma_wait3A_25 = arith.constant 0 : i32
    %dma_wait3A_26 = tpu.memref_slice %arg7[%dma_wait3A_25] : memref<15872xi32, #tpu.memory_space<vmem>> -> memref<128xi32, #tpu.memory_space<vmem>>
    %dma_wait3A_27 = arith.constant 0 : i32
    %dma_wait3A_28 = tpu.memref_slice %arg2[%dma_wait3A_27] : memref<10240xf32, #tpu.memory_space<hbm>> -> memref<10240xf32, #tpu.memory_space<hbm>>
    tpu.wait_indirect_dma semaphore(%arg18 : memref<!tpu.dma_semaphore, #tpu.memory_space<semaphore_mem>>) src(%dma_wait3A_28 : memref<10240xf32, #tpu.memory_space<hbm>>) dst(%arg12 : memref<128xf32, #tpu.memory_space<vmem>>)
    %dma_start3A_29 = arith.constant 0 : i32
    %dma_start3A_30 = tpu.memref_slice %arg22[%dma_start3A_29] : memref<10240xf32, #tpu.memory_space<vmem_shared>> -> memref<10240xf32, #tpu.memory_space<vmem_shared>>
    tpu.enqueue_indirect_dma source(%arg12 : memref<128xf32, #tpu.memory_space<vmem>>) target(%dma_start3A_30 : memref<10240xf32, #tpu.memory_space<vmem_shared>>) offsets(%arg8 : memref<128xi32, #tpu.memory_space<vmem>>) semaphore(%arg20 : memref<!tpu.dma_semaphore, #tpu.memory_space<semaphore_mem>>) {add = true}
    %dma_wait3A_31 = tpu.memref_slice %arg4[%mul3A_2] : memref<338944xi32, #tpu.memory_space<hbm>> -> memref<128xi32, #tpu.memory_space<hbm>>
    %dma_wait3A_32 = tpu.memref_slice %arg4[%mul3A_2] : memref<338944xi32, #tpu.memory_space<hbm>> -> memref<128xi32, #tpu.memory_space<hbm>>
    tpu.wait_dma2 semaphore(%arg15 : memref<!tpu.dma_semaphore, #tpu.memory_space<semaphore_mem>>) src(%dma_wait3A_32 : memref<128xi32, #tpu.memory_space<hbm>>) dst(%arg9 : memref<128xi32, #tpu.memory_space<vmem>>)
    %dma_start3A_33 = arith.constant 128 : i32
    %dma_start3A_34 = tpu.memref_slice %arg7[%dma_start3A_33] : memref<15872xi32, #tpu.memory_space<vmem>> -> memref<128xi32, #tpu.memory_space<vmem>>
    %dma_start3A_35 = arith.constant 0 : i32
    %dma_start3A_36 = tpu.memref_slice %arg2[%dma_start3A_35] : memref<10240xf32, #tpu.memory_space<hbm>> -> memref<10240xf32, #tpu.memory_space<hbm>>
    tpu.enqueue_indirect_dma source(%dma_start3A_36 : memref<10240xf32, #tpu.memory_space<hbm>>) target(%arg13 : memref<128xf32, #tpu.memory_space<vmem>>) offsets(%dma_start3A_34 : memref<128xi32, #tpu.memory_space<vmem>>) semaphore(%arg19 : memref<!tpu.dma_semaphore, #tpu.memory_space<semaphore_mem>>)
    %dma_wait3A_37 = arith.constant 0 : i32
    %dma_wait3A_38 = tpu.memref_slice %arg7[%dma_wait3A_37] : memref<15872xi32, #tpu.memory_space<vmem>> -> memref<128xi32, #tpu.memory_space<vmem>>
    %dma_wait3A_39 = arith.constant 0 : i32
    %dma_wait3A_40 = tpu.memref_slice %arg2[%dma_wait3A_39] : memref<10240xf32, #tpu.memory_space<hbm>> -> memref<10240xf32, #tpu.memory_space<hbm>>
    tpu.wait_indirect_dma semaphore(%arg19 : memref<!tpu.dma_semaphore, #tpu.memory_space<semaphore_mem>>) src(%dma_wait3A_40 : memref<10240xf32, #tpu.memory_space<hbm>>) dst(%arg13 : memref<128xf32, #tpu.memory_space<vmem>>)
    %dma_start3A_41 = arith.constant 0 : i32
    %dma_start3A_42 = tpu.memref_slice %arg22[%dma_start3A_41] : memref<10240xf32, #tpu.memory_space<vmem_shared>> -> memref<10240xf32, #tpu.memory_space<vmem_shared>>
    tpu.enqueue_indirect_dma source(%arg13 : memref<128xf32, #tpu.memory_space<vmem>>) target(%dma_start3A_42 : memref<10240xf32, #tpu.memory_space<vmem_shared>>) offsets(%arg9 : memref<128xi32, #tpu.memory_space<vmem>>) semaphore(%arg21 : memref<!tpu.dma_semaphore, #tpu.memory_space<semaphore_mem>>) {add = true}
    %dma_wait3A_43 = arith.constant 0 : i32
    %dma_wait3A_44 = tpu.memref_slice %arg22[%dma_wait3A_43] : memref<10240xf32, #tpu.memory_space<vmem_shared>> -> memref<10240xf32, #tpu.memory_space<vmem_shared>>
    tpu.wait_indirect_dma semaphore(%arg20 : memref<!tpu.dma_semaphore, #tpu.memory_space<semaphore_mem>>) src(%arg12 : memref<128xf32, #tpu.memory_space<vmem>>) dst(%dma_wait3A_44 : memref<10240xf32, #tpu.memory_space<vmem_shared>>)
    %add3A_45 = arith.constant 512 : i32
    %add3A_46 = arith.addi %mul3A_2, %add3A_45 : i32
    %dma_start3A_47 = tpu.memref_slice %arg4[%add3A_46] : memref<338944xi32, #tpu.memory_space<hbm>> -> memref<128xi32, #tpu.memory_space<hbm>>
    %dma_start3A_48 = tpu.memref_slice %arg4[%add3A_46] : memref<338944xi32, #tpu.memory_space<hbm>> -> memref<128xi32, #tpu.memory_space<hbm>>
    tpu.enqueue_dma source(%dma_start3A_48 : memref<128xi32, #tpu.memory_space<hbm>>) target(%arg8 : memref<128xi32, #tpu.memory_space<vmem>>) target_semaphore(%arg14 : memref<!tpu.dma_semaphore, #tpu.memory_space<semaphore_mem>>)
    %dma_wait3A_49 = tpu.memref_slice %arg4[%mul3A_2] : memref<338944xi32, #tpu.memory_space<hbm>> -> memref<128xi32, #tpu.memory_space<hbm>>
    %dma_wait3A_50 = tpu.memref_slice %arg4[%mul3A_2] : memref<338944xi32, #tpu.memory_space<hbm>> -> memref<128xi32, #tpu.memory_space<hbm>>
    tpu.wait_dma2 semaphore(%arg16 : memref<!tpu.dma_semaphore, #tpu.memory_space<semaphore_mem>>) src(%dma_wait3A_50 : memref<128xi32, #tpu.memory_space<hbm>>) dst(%arg10 : memref<128xi32, #tpu.memory_space<vmem>>)
    %dma_start3A_51 = arith.constant 256 : i32
    %dma_start3A_52 = tpu.memref_slice %arg7[%dma_start3A_51] : memref<15872xi32, #tpu.memory_space<vmem>> -> memref<128xi32, #tpu.memory_space<vmem>>
    %dma_start3A_53 = arith.constant 0 : i32
    %dma_start3A_54 = tpu.memref_slice %arg2[%dma_start3A_53] : memref<10240xf32, #tpu.memory_space<hbm>> -> memref<10240xf32, #tpu.memory_space<hbm>>
    tpu.enqueue_indirect_dma source(%dma_start3A_54 : memref<10240xf32, #tpu.memory_space<hbm>>) target(%arg12 : memref<128xf32, #tpu.memory_space<vmem>>) offsets(%dma_start3A_52 : memref<128xi32, #tpu.memory_space<vmem>>) semaphore(%arg18 : memref<!tpu.dma_semaphore, #tpu.memory_space<semaphore_mem>>)
    %dma_wait3A_55 = arith.constant 0 : i32
    %dma_wait3A_56 = tpu.memref_slice %arg7[%dma_wait3A_55] : memref<15872xi32, #tpu.memory_space<vmem>> -> memref<128xi32, #tpu.memory_space<vmem>>
    %dma_wait3A_57 = arith.constant 0 : i32
    %dma_wait3A_58 = tpu.memref_slice %arg2[%dma_wait3A_57] : memref<10240xf32, #tpu.memory_space<hbm>> -> memref<10240xf32, #tpu.memory_space<hbm>>
    tpu.wait_indirect_dma semaphore(%arg18 : memref<!tpu.dma_semaphore, #tpu.memory_space<semaphore_mem>>) src(%dma_wait3A_58 : memref<10240xf32, #tpu.memory_space<hbm>>) dst(%arg12 : memref<128xf32, #tpu.memory_space<vmem>>)
    %dma_start3A_59 = arith.constant 0 : i32
    %dma_start3A_60 = tpu.memref_slice %arg22[%dma_start3A_59] : memref<10240xf32, #tpu.memory_space<vmem_shared>> -> memref<10240xf32, #tpu.memory_space<vmem_shared>>
    tpu.enqueue_indirect_dma source(%arg12 : memref<128xf32, #tpu.memory_space<vmem>>) target(%dma_start3A_60 : memref<10240xf32, #tpu.memory_space<vmem_shared>>) offsets(%arg10 : memref<128xi32, #tpu.memory_space<vmem>>) semaphore(%arg20 : memref<!tpu.dma_semaphore, #tpu.memory_space<semaphore_mem>>) {add = true}
    %dma_wait3A_61 = arith.constant 0 : i32
    %dma_wait3A_62 = tpu.memref_slice %arg22[%dma_wait3A_61] : memref<10240xf32, #tpu.memory_space<vmem_shared>> -> memref<10240xf32, #tpu.memory_space<vmem_shared>>
    tpu.wait_indirect_dma semaphore(%arg21 : memref<!tpu.dma_semaphore, #tpu.memory_space<semaphore_mem>>) src(%arg13 : memref<128xf32, #tpu.memory_space<vmem>>) dst(%dma_wait3A_62 : memref<10240xf32, #tpu.memory_space<vmem_shared>>)
    %add3A_63 = arith.constant 640 : i32
    %add3A_64 = arith.addi %mul3A_2, %add3A_63 : i32
    %dma_start3A_65 = tpu.memref_slice %arg4[%add3A_64] : memref<338944xi32, #tpu.memory_space<hbm>> -> memref<128xi32, #tpu.memory_space<hbm>>
    %dma_start3A_66 = tpu.memref_slice %arg4[%add3A_64] : memref<338944xi32, #tpu.memory_space<hbm>> -> memref<128xi32, #tpu.memory_space<hbm>>
    tpu.enqueue_dma source(%dma_start3A_66 : memref<128xi32, #tpu.memory_space<hbm>>) target(%arg9 : memref<128xi32, #tpu.memory_space<vmem>>) target_semaphore(%arg15 : memref<!tpu.dma_semaphore, #tpu.memory_space<semaphore_mem>>)
    %dma_wait3A_67 = tpu.memref_slice %arg4[%mul3A_2] : memref<338944xi32, #tpu.memory_space<hbm>> -> memref<128xi32, #tpu.memory_space<hbm>>
    %dma_wait3A_68 = tpu.memref_slice %arg4[%mul3A_2] : memref<338944xi32, #tpu.memory_space<hbm>> -> memref<128xi32, #tpu.memory_space<hbm>>
    tpu.wait_dma2 semaphore(%arg17 : memref<!tpu.dma_semaphore, #tpu.memory_space<semaphore_mem>>) src(%dma_wait3A_68 : memref<128xi32, #tpu.memory_space<hbm>>) dst(%arg11 : memref<128xi32, #tpu.memory_space<vmem>>)
    %dma_start3A_69 = arith.constant 384 : i32
    %dma_start3A_70 = tpu.memref_slice %arg7[%dma_start3A_69] : memref<15872xi32, #tpu.memory_space<vmem>> -> memref<128xi32, #tpu.memory_space<vmem>>
    %dma_start3A_71 = arith.constant 0 : i32
    %dma_start3A_72 = tpu.memref_slice %arg2[%dma_start3A_71] : memref<10240xf32, #tpu.memory_space<hbm>> -> memref<10240xf32, #tpu.memory_space<hbm>>
    tpu.enqueue_indirect_dma source(%dma_start3A_72 : memref<10240xf32, #tpu.memory_space<hbm>>) target(%arg13 : memref<128xf32, #tpu.memory_space<vmem>>) offsets(%dma_start3A_70 : memref<128xi32, #tpu.memory_space<vmem>>) semaphore(%arg19 : memref<!tpu.dma_semaphore, #tpu.memory_space<semaphore_mem>>)
    %dma_wait3A_73 = arith.constant 0 : i32
    %dma_wait3A_74 = tpu.memref_slice %arg7[%dma_wait3A_73] : memref<15872xi32, #tpu.memory_space<vmem>> -> memref<128xi32, #tpu.memory_space<vmem>>
    %dma_wait3A_75 = arith.constant 0 : i32
    %dma_wait3A_76 = tpu.memref_slice %arg2[%dma_wait3A_75] : memref<10240xf32, #tpu.memory_space<hbm>> -> memref<10240xf32, #tpu.memory_space<hbm>>
    tpu.wait_indirect_dma semaphore(%arg19 : memref<!tpu.dma_semaphore, #tpu.memory_space<semaphore_mem>>) src(%dma_wait3A_76 : memref<10240xf32, #tpu.memory_space<hbm>>) dst(%arg13 : memref<128xf32, #tpu.memory_space<vmem>>)
    %dma_start3A_77 = arith.constant 0 : i32
    %dma_start3A_78 = tpu.memref_slice %arg22[%dma_start3A_77] : memref<10240xf32, #tpu.memory_space<vmem_shared>> -> memref<10240xf32, #tpu.memory_space<vmem_shared>>
    tpu.enqueue_indirect_dma source(%arg13 : memref<128xf32, #tpu.memory_space<vmem>>) target(%dma_start3A_78 : memref<10240xf32, #tpu.memory_space<vmem_shared>>) offsets(%arg11 : memref<128xi32, #tpu.memory_space<vmem>>) semaphore(%arg21 : memref<!tpu.dma_semaphore, #tpu.memory_space<semaphore_mem>>) {add = true}
    %scan3A = arith.constant 0 : i32
    %scan3A_79 = arith.constant 1 : i32
    %scan3A_80 = arith.constant 18 : i32
    %scan3A_81 = arith.addi %scan3A_79, %scan3A_80 : i32
    %scan3A_82 = arith.constant 1 : i32
    scf.for %scan3A_157 = %scan3A_79 to %scan3A_81 step %scan3A_82  : i32 {
      %mul3A_158 = arith.constant 4 : i32
      %mul3A_159 = arith.muli %scan3A_157, %mul3A_158 : i32
      %add3A_160 = arith.constant 0 : i32
      %add3A_161 = arith.addi %mul3A_159, %add3A_160 : i32
      %dma_wait3A_162 = arith.constant 0 : i32
      %dma_wait3A_163 = tpu.memref_slice %arg22[%dma_wait3A_162] : memref<10240xf32, #tpu.memory_space<vmem_shared>> -> memref<10240xf32, #tpu.memory_space<vmem_shared>>
      tpu.wait_indirect_dma semaphore(%arg20 : memref<!tpu.dma_semaphore, #tpu.memory_space<semaphore_mem>>) src(%arg12 : memref<128xf32, #tpu.memory_space<vmem>>) dst(%dma_wait3A_163 : memref<10240xf32, #tpu.memory_space<vmem_shared>>)
      %add3A_164 = arith.constant 2 : i32
      %add3A_165 = arith.addi %add3A_161, %add3A_164 : i32
      %mul3A_166 = arith.constant 128 : i32
      %mul3A_167 = arith.muli %add3A_165, %mul3A_166 : i32
      %add3A_168 = arith.addi %mul3A_2, %mul3A_167 : i32
      %dma_start3A_169 = tpu.memref_slice %arg4[%add3A_168] : memref<338944xi32, #tpu.memory_space<hbm>> -> memref<128xi32, #tpu.memory_space<hbm>>
      %dma_start3A_170 = tpu.memref_slice %arg4[%add3A_168] : memref<338944xi32, #tpu.memory_space<hbm>> -> memref<128xi32, #tpu.memory_space<hbm>>
      tpu.enqueue_dma source(%dma_start3A_170 : memref<128xi32, #tpu.memory_space<hbm>>) target(%arg10 : memref<128xi32, #tpu.memory_space<vmem>>) target_semaphore(%arg16 : memref<!tpu.dma_semaphore, #tpu.memory_space<semaphore_mem>>)
      %dma_wait3A_171 = tpu.memref_slice %arg4[%mul3A_2] : memref<338944xi32, #tpu.memory_space<hbm>> -> memref<128xi32, #tpu.memory_space<hbm>>
      %dma_wait3A_172 = tpu.memref_slice %arg4[%mul3A_2] : memref<338944xi32, #tpu.memory_space<hbm>> -> memref<128xi32, #tpu.memory_space<hbm>>
      tpu.wait_dma2 semaphore(%arg14 : memref<!tpu.dma_semaphore, #tpu.memory_space<semaphore_mem>>) src(%dma_wait3A_172 : memref<128xi32, #tpu.memory_space<hbm>>) dst(%arg8 : memref<128xi32, #tpu.memory_space<vmem>>)
      %mul3A_173 = arith.constant 128 : i32
      %mul3A_174 = arith.muli %add3A_161, %mul3A_173 : i32
      %dma_start3A_175 = tpu.memref_slice %arg7[%mul3A_174] : memref<15872xi32, #tpu.memory_space<vmem>> -> memref<128xi32, #tpu.memory_space<vmem>>
      %dma_start3A_176 = arith.constant 0 : i32
      %dma_start3A_177 = tpu.memref_slice %arg2[%dma_start3A_176] : memref<10240xf32, #tpu.memory_space<hbm>> -> memref<10240xf32, #tpu.memory_space<hbm>>
      tpu.enqueue_indirect_dma source(%dma_start3A_177 : memref<10240xf32, #tpu.memory_space<hbm>>) target(%arg12 : memref<128xf32, #tpu.memory_space<vmem>>) offsets(%dma_start3A_175 : memref<128xi32, #tpu.memory_space<vmem>>) semaphore(%arg18 : memref<!tpu.dma_semaphore, #tpu.memory_space<semaphore_mem>>)
      %dma_wait3A_178 = arith.constant 0 : i32
      %dma_wait3A_179 = tpu.memref_slice %arg7[%dma_wait3A_178] : memref<15872xi32, #tpu.memory_space<vmem>> -> memref<128xi32, #tpu.memory_space<vmem>>
      %dma_wait3A_180 = arith.constant 0 : i32
      %dma_wait3A_181 = tpu.memref_slice %arg2[%dma_wait3A_180] : memref<10240xf32, #tpu.memory_space<hbm>> -> memref<10240xf32, #tpu.memory_space<hbm>>
      tpu.wait_indirect_dma semaphore(%arg18 : memref<!tpu.dma_semaphore, #tpu.memory_space<semaphore_mem>>) src(%dma_wait3A_181 : memref<10240xf32, #tpu.memory_space<hbm>>) dst(%arg12 : memref<128xf32, #tpu.memory_space<vmem>>)
      %dma_start3A_182 = arith.constant 0 : i32
      %dma_start3A_183 = tpu.memref_slice %arg22[%dma_start3A_182] : memref<10240xf32, #tpu.memory_space<vmem_shared>> -> memref<10240xf32, #tpu.memory_space<vmem_shared>>
      tpu.enqueue_indirect_dma source(%arg12 : memref<128xf32, #tpu.memory_space<vmem>>) target(%dma_start3A_183 : memref<10240xf32, #tpu.memory_space<vmem_shared>>) offsets(%arg8 : memref<128xi32, #tpu.memory_space<vmem>>) semaphore(%arg20 : memref<!tpu.dma_semaphore, #tpu.memory_space<semaphore_mem>>) {add = true}
      %mul3A_184 = arith.constant 4 : i32
      %mul3A_185 = arith.muli %scan3A_157, %mul3A_184 : i32
      %add3A_186 = arith.constant 1 : i32
      %add3A_187 = arith.addi %mul3A_185, %add3A_186 : i32
      %dma_wait3A_188 = arith.constant 0 : i32
      %dma_wait3A_189 = tpu.memref_slice %arg22[%dma_wait3A_188] : memref<10240xf32, #tpu.memory_space<vmem_shared>> -> memref<10240xf32, #tpu.memory_space<vmem_shared>>
      tpu.wait_indirect_dma semaphore(%arg21 : memref<!tpu.dma_semaphore, #tpu.memory_space<semaphore_mem>>) src(%arg13 : memref<128xf32, #tpu.memory_space<vmem>>) dst(%dma_wait3A_189 : memref<10240xf32, #tpu.memory_space<vmem_shared>>)
      %add3A_190 = arith.constant 2 : i32
      %add3A_191 = arith.addi %add3A_187, %add3A_190 : i32
      %mul3A_192 = arith.constant 128 : i32
      %mul3A_193 = arith.muli %add3A_191, %mul3A_192 : i32
      %add3A_194 = arith.addi %mul3A_2, %mul3A_193 : i32
      %dma_start3A_195 = tpu.memref_slice %arg4[%add3A_194] : memref<338944xi32, #tpu.memory_space<hbm>> -> memref<128xi32, #tpu.memory_space<hbm>>
      %dma_start3A_196 = tpu.memref_slice %arg4[%add3A_194] : memref<338944xi32, #tpu.memory_space<hbm>> -> memref<128xi32, #tpu.memory_space<hbm>>
      tpu.enqueue_dma source(%dma_start3A_196 : memref<128xi32, #tpu.memory_space<hbm>>) target(%arg11 : memref<128xi32, #tpu.memory_space<vmem>>) target_semaphore(%arg17 : memref<!tpu.dma_semaphore, #tpu.memory_space<semaphore_mem>>)
      %dma_wait3A_197 = tpu.memref_slice %arg4[%mul3A_2] : memref<338944xi32, #tpu.memory_space<hbm>> -> memref<128xi32, #tpu.memory_space<hbm>>
      %dma_wait3A_198 = tpu.memref_slice %arg4[%mul3A_2] : memref<338944xi32, #tpu.memory_space<hbm>> -> memref<128xi32, #tpu.memory_space<hbm>>
      tpu.wait_dma2 semaphore(%arg15 : memref<!tpu.dma_semaphore, #tpu.memory_space<semaphore_mem>>) src(%dma_wait3A_198 : memref<128xi32, #tpu.memory_space<hbm>>) dst(%arg9 : memref<128xi32, #tpu.memory_space<vmem>>)
      %mul3A_199 = arith.constant 128 : i32
      %mul3A_200 = arith.muli %add3A_187, %mul3A_199 : i32
      %dma_start3A_201 = tpu.memref_slice %arg7[%mul3A_200] : memref<15872xi32, #tpu.memory_space<vmem>> -> memref<128xi32, #tpu.memory_space<vmem>>
      %dma_start3A_202 = arith.constant 0 : i32
      %dma_start3A_203 = tpu.memref_slice %arg2[%dma_start3A_202] : memref<10240xf32, #tpu.memory_space<hbm>> -> memref<10240xf32, #tpu.memory_space<hbm>>
      tpu.enqueue_indirect_dma source(%dma_start3A_203 : memref<10240xf32, #tpu.memory_space<hbm>>) target(%arg13 : memref<128xf32, #tpu.memory_space<vmem>>) offsets(%dma_start3A_201 : memref<128xi32, #tpu.memory_space<vmem>>) semaphore(%arg19 : memref<!tpu.dma_semaphore, #tpu.memory_space<semaphore_mem>>)
      %dma_wait3A_204 = arith.constant 0 : i32
      %dma_wait3A_205 = tpu.memref_slice %arg7[%dma_wait3A_204] : memref<15872xi32, #tpu.memory_space<vmem>> -> memref<128xi32, #tpu.memory_space<vmem>>
      %dma_wait3A_206 = arith.constant 0 : i32
      %dma_wait3A_207 = tpu.memref_slice %arg2[%dma_wait3A_206] : memref<10240xf32, #tpu.memory_space<hbm>> -> memref<10240xf32, #tpu.memory_space<hbm>>
      tpu.wait_indirect_dma semaphore(%arg19 : memref<!tpu.dma_semaphore, #tpu.memory_space<semaphore_mem>>) src(%dma_wait3A_207 : memref<10240xf32, #tpu.memory_space<hbm>>) dst(%arg13 : memref<128xf32, #tpu.memory_space<vmem>>)
      %dma_start3A_208 = arith.constant 0 : i32
      %dma_start3A_209 = tpu.memref_slice %arg22[%dma_start3A_208] : memref<10240xf32, #tpu.memory_space<vmem_shared>> -> memref<10240xf32, #tpu.memory_space<vmem_shared>>
      tpu.enqueue_indirect_dma source(%arg13 : memref<128xf32, #tpu.memory_space<vmem>>) target(%dma_start3A_209 : memref<10240xf32, #tpu.memory_space<vmem_shared>>) offsets(%arg9 : memref<128xi32, #tpu.memory_space<vmem>>) semaphore(%arg21 : memref<!tpu.dma_semaphore, #tpu.memory_space<semaphore_mem>>) {add = true}
      %mul3A_210 = arith.constant 4 : i32
      %mul3A_211 = arith.muli %scan3A_157, %mul3A_210 : i32
      %add3A_212 = arith.constant 2 : i32
      %add3A_213 = arith.addi %mul3A_211, %add3A_212 : i32
      %dma_wait3A_214 = arith.constant 0 : i32
      %dma_wait3A_215 = tpu.memref_slice %arg22[%dma_wait3A_214] : memref<10240xf32, #tpu.memory_space<vmem_shared>> -> memref<10240xf32, #tpu.memory_space<vmem_shared>>
      tpu.wait_indirect_dma semaphore(%arg20 : memref<!tpu.dma_semaphore, #tpu.memory_space<semaphore_mem>>) src(%arg12 : memref<128xf32, #tpu.memory_space<vmem>>) dst(%dma_wait3A_215 : memref<10240xf32, #tpu.memory_space<vmem_shared>>)
      %add3A_216 = arith.constant 2 : i32
      %add3A_217 = arith.addi %add3A_213, %add3A_216 : i32
      %mul3A_218 = arith.constant 128 : i32
      %mul3A_219 = arith.muli %add3A_217, %mul3A_218 : i32
      %add3A_220 = arith.addi %mul3A_2, %mul3A_219 : i32
      %dma_start3A_221 = tpu.memref_slice %arg4[%add3A_220] : memref<338944xi32, #tpu.memory_space<hbm>> -> memref<128xi32, #tpu.memory_space<hbm>>
      %dma_start3A_222 = tpu.memref_slice %arg4[%add3A_220] : memref<338944xi32, #tpu.memory_space<hbm>> -> memref<128xi32, #tpu.memory_space<hbm>>
      tpu.enqueue_dma source(%dma_start3A_222 : memref<128xi32, #tpu.memory_space<hbm>>) target(%arg8 : memref<128xi32, #tpu.memory_space<vmem>>) target_semaphore(%arg14 : memref<!tpu.dma_semaphore, #tpu.memory_space<semaphore_mem>>)
      %dma_wait3A_223 = tpu.memref_slice %arg4[%mul3A_2] : memref<338944xi32, #tpu.memory_space<hbm>> -> memref<128xi32, #tpu.memory_space<hbm>>
      %dma_wait3A_224 = tpu.memref_slice %arg4[%mul3A_2] : memref<338944xi32, #tpu.memory_space<hbm>> -> memref<128xi32, #tpu.memory_space<hbm>>
      tpu.wait_dma2 semaphore(%arg16 : memref<!tpu.dma_semaphore, #tpu.memory_space<semaphore_mem>>) src(%dma_wait3A_224 : memref<128xi32, #tpu.memory_space<hbm>>) dst(%arg10 : memref<128xi32, #tpu.memory_space<vmem>>)
      %mul3A_225 = arith.constant 128 : i32
      %mul3A_226 = arith.muli %add3A_213, %mul3A_225 : i32
      %dma_start3A_227 = tpu.memref_slice %arg7[%mul3A_226] : memref<15872xi32, #tpu.memory_space<vmem>> -> memref<128xi32, #tpu.memory_space<vmem>>
      %dma_start3A_228 = arith.constant 0 : i32
      %dma_start3A_229 = tpu.memref_slice %arg2[%dma_start3A_228] : memref<10240xf32, #tpu.memory_space<hbm>> -> memref<10240xf32, #tpu.memory_space<hbm>>
      tpu.enqueue_indirect_dma source(%dma_start3A_229 : memref<10240xf32, #tpu.memory_space<hbm>>) target(%arg12 : memref<128xf32, #tpu.memory_space<vmem>>) offsets(%dma_start3A_227 : memref<128xi32, #tpu.memory_space<vmem>>) semaphore(%arg18 : memref<!tpu.dma_semaphore, #tpu.memory_space<semaphore_mem>>)
      %dma_wait3A_230 = arith.constant 0 : i32
      %dma_wait3A_231 = tpu.memref_slice %arg7[%dma_wait3A_230] : memref<15872xi32, #tpu.memory_space<vmem>> -> memref<128xi32, #tpu.memory_space<vmem>>
      %dma_wait3A_232 = arith.constant 0 : i32
      %dma_wait3A_233 = tpu.memref_slice %arg2[%dma_wait3A_232] : memref<10240xf32, #tpu.memory_space<hbm>> -> memref<10240xf32, #tpu.memory_space<hbm>>
      tpu.wait_indirect_dma semaphore(%arg18 : memref<!tpu.dma_semaphore, #tpu.memory_space<semaphore_mem>>) src(%dma_wait3A_233 : memref<10240xf32, #tpu.memory_space<hbm>>) dst(%arg12 : memref<128xf32, #tpu.memory_space<vmem>>)
      %dma_start3A_234 = arith.constant 0 : i32
      %dma_start3A_235 = tpu.memref_slice %arg22[%dma_start3A_234] : memref<10240xf32, #tpu.memory_space<vmem_shared>> -> memref<10240xf32, #tpu.memory_space<vmem_shared>>
      tpu.enqueue_indirect_dma source(%arg12 : memref<128xf32, #tpu.memory_space<vmem>>) target(%dma_start3A_235 : memref<10240xf32, #tpu.memory_space<vmem_shared>>) offsets(%arg10 : memref<128xi32, #tpu.memory_space<vmem>>) semaphore(%arg20 : memref<!tpu.dma_semaphore, #tpu.memory_space<semaphore_mem>>) {add = true}
      %mul3A_236 = arith.constant 4 : i32
      %mul3A_237 = arith.muli %scan3A_157, %mul3A_236 : i32
      %add3A_238 = arith.constant 3 : i32
      %add3A_239 = arith.addi %mul3A_237, %add3A_238 : i32
      %dma_wait3A_240 = arith.constant 0 : i32
      %dma_wait3A_241 = tpu.memref_slice %arg22[%dma_wait3A_240] : memref<10240xf32, #tpu.memory_space<vmem_shared>> -> memref<10240xf32, #tpu.memory_space<vmem_shared>>
      tpu.wait_indirect_dma semaphore(%arg21 : memref<!tpu.dma_semaphore, #tpu.memory_space<semaphore_mem>>) src(%arg13 : memref<128xf32, #tpu.memory_space<vmem>>) dst(%dma_wait3A_241 : memref<10240xf32, #tpu.memory_space<vmem_shared>>)
      %add3A_242 = arith.constant 2 : i32
      %add3A_243 = arith.addi %add3A_239, %add3A_242 : i32
      %mul3A_244 = arith.constant 128 : i32
      %mul3A_245 = arith.muli %add3A_243, %mul3A_244 : i32
      %add3A_246 = arith.addi %mul3A_2, %mul3A_245 : i32
      %dma_start3A_247 = tpu.memref_slice %arg4[%add3A_246] : memref<338944xi32, #tpu.memory_space<hbm>> -> memref<128xi32, #tpu.memory_space<hbm>>
      %dma_start3A_248 = tpu.memref_slice %arg4[%add3A_246] : memref<338944xi32, #tpu.memory_space<hbm>> -> memref<128xi32, #tpu.memory_space<hbm>>
      tpu.enqueue_dma source(%dma_start3A_248 : memref<128xi32, #tpu.memory_space<hbm>>) target(%arg9 : memref<128xi32, #tpu.memory_space<vmem>>) target_semaphore(%arg15 : memref<!tpu.dma_semaphore, #tpu.memory_space<semaphore_mem>>)
      %dma_wait3A_249 = tpu.memref_slice %arg4[%mul3A_2] : memref<338944xi32, #tpu.memory_space<hbm>> -> memref<128xi32, #tpu.memory_space<hbm>>
      %dma_wait3A_250 = tpu.memref_slice %arg4[%mul3A_2] : memref<338944xi32, #tpu.memory_space<hbm>> -> memref<128xi32, #tpu.memory_space<hbm>>
      tpu.wait_dma2 semaphore(%arg17 : memref<!tpu.dma_semaphore, #tpu.memory_space<semaphore_mem>>) src(%dma_wait3A_250 : memref<128xi32, #tpu.memory_space<hbm>>) dst(%arg11 : memref<128xi32, #tpu.memory_space<vmem>>)
      %mul3A_251 = arith.constant 128 : i32
      %mul3A_252 = arith.muli %add3A_239, %mul3A_251 : i32
      %dma_start3A_253 = tpu.memref_slice %arg7[%mul3A_252] : memref<15872xi32, #tpu.memory_space<vmem>> -> memref<128xi32, #tpu.memory_space<vmem>>
      %dma_start3A_254 = arith.constant 0 : i32
      %dma_start3A_255 = tpu.memref_slice %arg2[%dma_start3A_254] : memref<10240xf32, #tpu.memory_space<hbm>> -> memref<10240xf32, #tpu.memory_space<hbm>>
      tpu.enqueue_indirect_dma source(%dma_start3A_255 : memref<10240xf32, #tpu.memory_space<hbm>>) target(%arg13 : memref<128xf32, #tpu.memory_space<vmem>>) offsets(%dma_start3A_253 : memref<128xi32, #tpu.memory_space<vmem>>) semaphore(%arg19 : memref<!tpu.dma_semaphore, #tpu.memory_space<semaphore_mem>>)
      %dma_wait3A_256 = arith.constant 0 : i32
      %dma_wait3A_257 = tpu.memref_slice %arg7[%dma_wait3A_256] : memref<15872xi32, #tpu.memory_space<vmem>> -> memref<128xi32, #tpu.memory_space<vmem>>
      %dma_wait3A_258 = arith.constant 0 : i32
      %dma_wait3A_259 = tpu.memref_slice %arg2[%dma_wait3A_258] : memref<10240xf32, #tpu.memory_space<hbm>> -> memref<10240xf32, #tpu.memory_space<hbm>>
      tpu.wait_indirect_dma semaphore(%arg19 : memref<!tpu.dma_semaphore, #tpu.memory_space<semaphore_mem>>) src(%dma_wait3A_259 : memref<10240xf32, #tpu.memory_space<hbm>>) dst(%arg13 : memref<128xf32, #tpu.memory_space<vmem>>)
      %dma_start3A_260 = arith.constant 0 : i32
      %dma_start3A_261 = tpu.memref_slice %arg22[%dma_start3A_260] : memref<10240xf32, #tpu.memory_space<vmem_shared>> -> memref<10240xf32, #tpu.memory_space<vmem_shared>>
      tpu.enqueue_indirect_dma source(%arg13 : memref<128xf32, #tpu.memory_space<vmem>>) target(%dma_start3A_261 : memref<10240xf32, #tpu.memory_space<vmem_shared>>) offsets(%arg11 : memref<128xi32, #tpu.memory_space<vmem>>) semaphore(%arg21 : memref<!tpu.dma_semaphore, #tpu.memory_space<semaphore_mem>>) {add = true}
    }
    %scan3A_83 = arith.constant 18 : i32
    %dma_wait3A_84 = arith.constant 0 : i32
    %dma_wait3A_85 = tpu.memref_slice %arg22[%dma_wait3A_84] : memref<10240xf32, #tpu.memory_space<vmem_shared>> -> memref<10240xf32, #tpu.memory_space<vmem_shared>>
    tpu.wait_indirect_dma semaphore(%arg20 : memref<!tpu.dma_semaphore, #tpu.memory_space<semaphore_mem>>) src(%arg12 : memref<128xf32, #tpu.memory_space<vmem>>) dst(%dma_wait3A_85 : memref<10240xf32, #tpu.memory_space<vmem_shared>>)
    %add3A_86 = arith.constant 9984 : i32
    %add3A_87 = arith.addi %mul3A_2, %add3A_86 : i32
    %dma_start3A_88 = tpu.memref_slice %arg4[%add3A_87] : memref<338944xi32, #tpu.memory_space<hbm>> -> memref<128xi32, #tpu.memory_space<hbm>>
    %dma_start3A_89 = tpu.memref_slice %arg4[%add3A_87] : memref<338944xi32, #tpu.memory_space<hbm>> -> memref<128xi32, #tpu.memory_space<hbm>>
    tpu.enqueue_dma source(%dma_start3A_89 : memref<128xi32, #tpu.memory_space<hbm>>) target(%arg10 : memref<128xi32, #tpu.memory_space<vmem>>) target_semaphore(%arg16 : memref<!tpu.dma_semaphore, #tpu.memory_space<semaphore_mem>>)
    %dma_wait3A_90 = tpu.memref_slice %arg4[%mul3A_2] : memref<338944xi32, #tpu.memory_space<hbm>> -> memref<128xi32, #tpu.memory_space<hbm>>
    %dma_wait3A_91 = tpu.memref_slice %arg4[%mul3A_2] : memref<338944xi32, #tpu.memory_space<hbm>> -> memref<128xi32, #tpu.memory_space<hbm>>
    tpu.wait_dma2 semaphore(%arg14 : memref<!tpu.dma_semaphore, #tpu.memory_space<semaphore_mem>>) src(%dma_wait3A_91 : memref<128xi32, #tpu.memory_space<hbm>>) dst(%arg8 : memref<128xi32, #tpu.memory_space<vmem>>)
    %dma_start3A_92 = arith.constant 9728 : i32
    %dma_start3A_93 = tpu.memref_slice %arg7[%dma_start3A_92] : memref<15872xi32, #tpu.memory_space<vmem>> -> memref<128xi32, #tpu.memory_space<vmem>>
    %dma_start3A_94 = arith.constant 0 : i32
    %dma_start3A_95 = tpu.memref_slice %arg2[%dma_start3A_94] : memref<10240xf32, #tpu.memory_space<hbm>> -> memref<10240xf32, #tpu.memory_space<hbm>>
    tpu.enqueue_indirect_dma source(%dma_start3A_95 : memref<10240xf32, #tpu.memory_space<hbm>>) target(%arg12 : memref<128xf32, #tpu.memory_space<vmem>>) offsets(%dma_start3A_93 : memref<128xi32, #tpu.memory_space<vmem>>) semaphore(%arg18 : memref<!tpu.dma_semaphore, #tpu.memory_space<semaphore_mem>>)
    %dma_wait3A_96 = arith.constant 0 : i32
    %dma_wait3A_97 = tpu.memref_slice %arg7[%dma_wait3A_96] : memref<15872xi32, #tpu.memory_space<vmem>> -> memref<128xi32, #tpu.memory_space<vmem>>
    %dma_wait3A_98 = arith.constant 0 : i32
    %dma_wait3A_99 = tpu.memref_slice %arg2[%dma_wait3A_98] : memref<10240xf32, #tpu.memory_space<hbm>> -> memref<10240xf32, #tpu.memory_space<hbm>>
    tpu.wait_indirect_dma semaphore(%arg18 : memref<!tpu.dma_semaphore, #tpu.memory_space<semaphore_mem>>) src(%dma_wait3A_99 : memref<10240xf32, #tpu.memory_space<hbm>>) dst(%arg12 : memref<128xf32, #tpu.memory_space<vmem>>)
    %dma_start3A_100 = arith.constant 0 : i32
    %dma_start3A_101 = tpu.memref_slice %arg22[%dma_start3A_100] : memref<10240xf32, #tpu.memory_space<vmem_shared>> -> memref<10240xf32, #tpu.memory_space<vmem_shared>>
    tpu.enqueue_indirect_dma source(%arg12 : memref<128xf32, #tpu.memory_space<vmem>>) target(%dma_start3A_101 : memref<10240xf32, #tpu.memory_space<vmem_shared>>) offsets(%arg8 : memref<128xi32, #tpu.memory_space<vmem>>) semaphore(%arg20 : memref<!tpu.dma_semaphore, #tpu.memory_space<semaphore_mem>>) {add = true}
    %dma_wait3A_102 = arith.constant 0 : i32
    %dma_wait3A_103 = tpu.memref_slice %arg22[%dma_wait3A_102] : memref<10240xf32, #tpu.memory_space<vmem_shared>> -> memref<10240xf32, #tpu.memory_space<vmem_shared>>
    tpu.wait_indirect_dma semaphore(%arg21 : memref<!tpu.dma_semaphore, #tpu.memory_space<semaphore_mem>>) src(%arg13 : memref<128xf32, #tpu.memory_space<vmem>>) dst(%dma_wait3A_103 : memref<10240xf32, #tpu.memory_space<vmem_shared>>)
    %add3A_104 = arith.constant 10112 : i32
    %add3A_105 = arith.addi %mul3A_2, %add3A_104 : i32
    %dma_start3A_106 = tpu.memref_slice %arg4[%add3A_105] : memref<338944xi32, #tpu.memory_space<hbm>> -> memref<128xi32, #tpu.memory_space<hbm>>
    %dma_start3A_107 = tpu.memref_slice %arg4[%add3A_105] : memref<338944xi32, #tpu.memory_space<hbm>> -> memref<128xi32, #tpu.memory_space<hbm>>
    tpu.enqueue_dma source(%dma_start3A_107 : memref<128xi32, #tpu.memory_space<hbm>>) target(%arg11 : memref<128xi32, #tpu.memory_space<vmem>>) target_semaphore(%arg17 : memref<!tpu.dma_semaphore, #tpu.memory_space<semaphore_mem>>)
    %dma_wait3A_108 = tpu.memref_slice %arg4[%mul3A_2] : memref<338944xi32, #tpu.memory_space<hbm>> -> memref<128xi32, #tpu.memory_space<hbm>>
    %dma_wait3A_109 = tpu.memref_slice %arg4[%mul3A_2] : memref<338944xi32, #tpu.memory_space<hbm>> -> memref<128xi32, #tpu.memory_space<hbm>>
    tpu.wait_dma2 semaphore(%arg15 : memref<!tpu.dma_semaphore, #tpu.memory_space<semaphore_mem>>) src(%dma_wait3A_109 : memref<128xi32, #tpu.memory_space<hbm>>) dst(%arg9 : memref<128xi32, #tpu.memory_space<vmem>>)
    %dma_start3A_110 = arith.constant 9856 : i32
    %dma_start3A_111 = tpu.memref_slice %arg7[%dma_start3A_110] : memref<15872xi32, #tpu.memory_space<vmem>> -> memref<128xi32, #tpu.memory_space<vmem>>
    %dma_start3A_112 = arith.constant 0 : i32
    %dma_start3A_113 = tpu.memref_slice %arg2[%dma_start3A_112] : memref<10240xf32, #tpu.memory_space<hbm>> -> memref<10240xf32, #tpu.memory_space<hbm>>
    tpu.enqueue_indirect_dma source(%dma_start3A_113 : memref<10240xf32, #tpu.memory_space<hbm>>) target(%arg13 : memref<128xf32, #tpu.memory_space<vmem>>) offsets(%dma_start3A_111 : memref<128xi32, #tpu.memory_space<vmem>>) semaphore(%arg19 : memref<!tpu.dma_semaphore, #tpu.memory_space<semaphore_mem>>)
    %dma_wait3A_114 = arith.constant 0 : i32
    %dma_wait3A_115 = tpu.memref_slice %arg7[%dma_wait3A_114] : memref<15872xi32, #tpu.memory_space<vmem>> -> memref<128xi32, #tpu.memory_space<vmem>>
    %dma_wait3A_116 = arith.constant 0 : i32
    %dma_wait3A_117 = tpu.memref_slice %arg2[%dma_wait3A_116] : memref<10240xf32, #tpu.memory_space<hbm>> -> memref<10240xf32, #tpu.memory_space<hbm>>
    tpu.wait_indirect_dma semaphore(%arg19 : memref<!tpu.dma_semaphore, #tpu.memory_space<semaphore_mem>>) src(%dma_wait3A_117 : memref<10240xf32, #tpu.memory_space<hbm>>) dst(%arg13 : memref<128xf32, #tpu.memory_space<vmem>>)
    %dma_start3A_118 = arith.constant 0 : i32
    %dma_start3A_119 = tpu.memref_slice %arg22[%dma_start3A_118] : memref<10240xf32, #tpu.memory_space<vmem_shared>> -> memref<10240xf32, #tpu.memory_space<vmem_shared>>
    tpu.enqueue_indirect_dma source(%arg13 : memref<128xf32, #tpu.memory_space<vmem>>) target(%dma_start3A_119 : memref<10240xf32, #tpu.memory_space<vmem_shared>>) offsets(%arg9 : memref<128xi32, #tpu.memory_space<vmem>>) semaphore(%arg21 : memref<!tpu.dma_semaphore, #tpu.memory_space<semaphore_mem>>) {add = true}
    %dma_wait3A_120 = arith.constant 0 : i32
    %dma_wait3A_121 = tpu.memref_slice %arg22[%dma_wait3A_120] : memref<10240xf32, #tpu.memory_space<vmem_shared>> -> memref<10240xf32, #tpu.memory_space<vmem_shared>>
    tpu.wait_indirect_dma semaphore(%arg20 : memref<!tpu.dma_semaphore, #tpu.memory_space<semaphore_mem>>) src(%arg12 : memref<128xf32, #tpu.memory_space<vmem>>) dst(%dma_wait3A_121 : memref<10240xf32, #tpu.memory_space<vmem_shared>>)
    %dma_wait3A_122 = tpu.memref_slice %arg4[%mul3A_2] : memref<338944xi32, #tpu.memory_space<hbm>> -> memref<128xi32, #tpu.memory_space<hbm>>
    %dma_wait3A_123 = tpu.memref_slice %arg4[%mul3A_2] : memref<338944xi32, #tpu.memory_space<hbm>> -> memref<128xi32, #tpu.memory_space<hbm>>
    tpu.wait_dma2 semaphore(%arg16 : memref<!tpu.dma_semaphore, #tpu.memory_space<semaphore_mem>>) src(%dma_wait3A_123 : memref<128xi32, #tpu.memory_space<hbm>>) dst(%arg10 : memref<128xi32, #tpu.memory_space<vmem>>)
    %dma_start3A_124 = arith.constant 9984 : i32
    %dma_start3A_125 = tpu.memref_slice %arg7[%dma_start3A_124] : memref<15872xi32, #tpu.memory_space<vmem>> -> memref<128xi32, #tpu.memory_space<vmem>>
    %dma_start3A_126 = arith.constant 0 : i32
    %dma_start3A_127 = tpu.memref_slice %arg2[%dma_start3A_126] : memref<10240xf32, #tpu.memory_space<hbm>> -> memref<10240xf32, #tpu.memory_space<hbm>>
    tpu.enqueue_indirect_dma source(%dma_start3A_127 : memref<10240xf32, #tpu.memory_space<hbm>>) target(%arg12 : memref<128xf32, #tpu.memory_space<vmem>>) offsets(%dma_start3A_125 : memref<128xi32, #tpu.memory_space<vmem>>) semaphore(%arg18 : memref<!tpu.dma_semaphore, #tpu.memory_space<semaphore_mem>>)
    %dma_wait3A_128 = arith.constant 0 : i32
    %dma_wait3A_129 = tpu.memref_slice %arg7[%dma_wait3A_128] : memref<15872xi32, #tpu.memory_space<vmem>> -> memref<128xi32, #tpu.memory_space<vmem>>
    %dma_wait3A_130 = arith.constant 0 : i32
    %dma_wait3A_131 = tpu.memref_slice %arg2[%dma_wait3A_130] : memref<10240xf32, #tpu.memory_space<hbm>> -> memref<10240xf32, #tpu.memory_space<hbm>>
    tpu.wait_indirect_dma semaphore(%arg18 : memref<!tpu.dma_semaphore, #tpu.memory_space<semaphore_mem>>) src(%dma_wait3A_131 : memref<10240xf32, #tpu.memory_space<hbm>>) dst(%arg12 : memref<128xf32, #tpu.memory_space<vmem>>)
    %dma_start3A_132 = arith.constant 0 : i32
    %dma_start3A_133 = tpu.memref_slice %arg22[%dma_start3A_132] : memref<10240xf32, #tpu.memory_space<vmem_shared>> -> memref<10240xf32, #tpu.memory_space<vmem_shared>>
    tpu.enqueue_indirect_dma source(%arg12 : memref<128xf32, #tpu.memory_space<vmem>>) target(%dma_start3A_133 : memref<10240xf32, #tpu.memory_space<vmem_shared>>) offsets(%arg10 : memref<128xi32, #tpu.memory_space<vmem>>) semaphore(%arg20 : memref<!tpu.dma_semaphore, #tpu.memory_space<semaphore_mem>>) {add = true}
    %dma_wait3A_134 = arith.constant 0 : i32
    %dma_wait3A_135 = tpu.memref_slice %arg22[%dma_wait3A_134] : memref<10240xf32, #tpu.memory_space<vmem_shared>> -> memref<10240xf32, #tpu.memory_space<vmem_shared>>
    tpu.wait_indirect_dma semaphore(%arg21 : memref<!tpu.dma_semaphore, #tpu.memory_space<semaphore_mem>>) src(%arg13 : memref<128xf32, #tpu.memory_space<vmem>>) dst(%dma_wait3A_135 : memref<10240xf32, #tpu.memory_space<vmem_shared>>)
    %dma_wait3A_136 = tpu.memref_slice %arg4[%mul3A_2] : memref<338944xi32, #tpu.memory_space<hbm>> -> memref<128xi32, #tpu.memory_space<hbm>>
    %dma_wait3A_137 = tpu.memref_slice %arg4[%mul3A_2] : memref<338944xi32, #tpu.memory_space<hbm>> -> memref<128xi32, #tpu.memory_space<hbm>>
    tpu.wait_dma2 semaphore(%arg17 : memref<!tpu.dma_semaphore, #tpu.memory_space<semaphore_mem>>) src(%dma_wait3A_137 : memref<128xi32, #tpu.memory_space<hbm>>) dst(%arg11 : memref<128xi32, #tpu.memory_space<vmem>>)
    %dma_start3A_138 = arith.constant 10112 : i32
    %dma_start3A_139 = tpu.memref_slice %arg7[%dma_start3A_138] : memref<15872xi32, #tpu.memory_space<vmem>> -> memref<128xi32, #tpu.memory_space<vmem>>
    %dma_start3A_140 = arith.constant 0 : i32
    %dma_start3A_141 = tpu.memref_slice %arg2[%dma_start3A_140] : memref<10240xf32, #tpu.memory_space<hbm>> -> memref<10240xf32, #tpu.memory_space<hbm>>
    tpu.enqueue_indirect_dma source(%dma_start3A_141 : memref<10240xf32, #tpu.memory_space<hbm>>) target(%arg13 : memref<128xf32, #tpu.memory_space<vmem>>) offsets(%dma_start3A_139 : memref<128xi32, #tpu.memory_space<vmem>>) semaphore(%arg19 : memref<!tpu.dma_semaphore, #tpu.memory_space<semaphore_mem>>)
    %dma_wait3A_142 = arith.constant 0 : i32
    %dma_wait3A_143 = tpu.memref_slice %arg7[%dma_wait3A_142] : memref<15872xi32, #tpu.memory_space<vmem>> -> memref<128xi32, #tpu.memory_space<vmem>>
    %dma_wait3A_144 = arith.constant 0 : i32
    %dma_wait3A_145 = tpu.memref_slice %arg2[%dma_wait3A_144] : memref<10240xf32, #tpu.memory_space<hbm>> -> memref<10240xf32, #tpu.memory_space<hbm>>
    tpu.wait_indirect_dma semaphore(%arg19 : memref<!tpu.dma_semaphore, #tpu.memory_space<semaphore_mem>>) src(%dma_wait3A_145 : memref<10240xf32, #tpu.memory_space<hbm>>) dst(%arg13 : memref<128xf32, #tpu.memory_space<vmem>>)
    %dma_start3A_146 = arith.constant 0 : i32
    %dma_start3A_147 = tpu.memref_slice %arg22[%dma_start3A_146] : memref<10240xf32, #tpu.memory_space<vmem_shared>> -> memref<10240xf32, #tpu.memory_space<vmem_shared>>
    tpu.enqueue_indirect_dma source(%arg13 : memref<128xf32, #tpu.memory_space<vmem>>) target(%dma_start3A_147 : memref<10240xf32, #tpu.memory_space<vmem_shared>>) offsets(%arg11 : memref<128xi32, #tpu.memory_space<vmem>>) semaphore(%arg21 : memref<!tpu.dma_semaphore, #tpu.memory_space<semaphore_mem>>) {add = true}
    %dma_wait3A_148 = arith.constant 0 : i32
    %dma_wait3A_149 = tpu.memref_slice %arg22[%dma_wait3A_148] : memref<10240xf32, #tpu.memory_space<vmem_shared>> -> memref<10240xf32, #tpu.memory_space<vmem_shared>>
    tpu.wait_indirect_dma semaphore(%arg20 : memref<!tpu.dma_semaphore, #tpu.memory_space<semaphore_mem>>) src(%arg12 : memref<128xf32, #tpu.memory_space<vmem>>) dst(%dma_wait3A_149 : memref<10240xf32, #tpu.memory_space<vmem_shared>>)
    %dma_wait3A_150 = arith.constant 0 : i32
    %dma_wait3A_151 = tpu.memref_slice %arg22[%dma_wait3A_150] : memref<10240xf32, #tpu.memory_space<vmem_shared>> -> memref<10240xf32, #tpu.memory_space<vmem_shared>>
    tpu.wait_indirect_dma semaphore(%arg21 : memref<!tpu.dma_semaphore, #tpu.memory_space<semaphore_mem>>) src(%arg13 : memref<128xf32, #tpu.memory_space<vmem>>) dst(%dma_wait3A_151 : memref<10240xf32, #tpu.memory_space<vmem_shared>>)
    %barrier3A_152 = arith.constant 0 : index
    tpu.barrier barrier_id(%barrier3A_152)
    %mul3A_153 = arith.constant 640 : i32
    %mul3A_154 = arith.muli %arg1, %mul3A_153 : i32
    %mul3A_155 = arith.constant 640 : i32
    %mul3A_156 = arith.muli %arg1, %mul3A_155 : i32
    "tpu.region"() ({
      %run_scoped3A = tpu.sem_alloc : memref<!tpu.dma_semaphore, #tpu.memory_space<semaphore_mem>>
      %dma_start3A_157 = tpu.memref_slice %arg6[%arg0, %mul3A_156] : memref<2x10240xf32, #tpu.memory_space<hbm>> -> memref<1x640xf32, #tpu.memory_space<hbm>>
      %dma_start3A_158 = tpu.memref_squeeze %dma_start3A_157 : memref<1x640xf32, #tpu.memory_space<hbm>> -> memref<640xf32, #tpu.memory_space<hbm>>
      %dma_start3A_159 = tpu.memref_slice %arg22[%mul3A_154] : memref<10240xf32, #tpu.memory_space<vmem_shared>> -> memref<640xf32, #tpu.memory_space<vmem_shared>>
      tpu.enqueue_dma source(%dma_start3A_159 : memref<640xf32, #tpu.memory_space<vmem_shared>>) target(%dma_start3A_158 : memref<640xf32, #tpu.memory_space<hbm>>) target_semaphore(%run_scoped3A : memref<!tpu.dma_semaphore, #tpu.memory_space<semaphore_mem>>)
      %dma_wait3A_160 = tpu.memref_slice %arg6[%arg0, %mul3A_156] : memref<2x10240xf32, #tpu.memory_space<hbm>> -> memref<1x640xf32, #tpu.memory_space<hbm>>
      %dma_wait3A_161 = tpu.memref_squeeze %dma_wait3A_160 : memref<1x640xf32, #tpu.memory_space<hbm>> -> memref<640xf32, #tpu.memory_space<hbm>>
      %dma_wait3A_162 = tpu.memref_slice %arg22[%mul3A_154] : memref<10240xf32, #tpu.memory_space<vmem_shared>> -> memref<640xf32, #tpu.memory_space<vmem_shared>>
      tpu.wait_dma2 semaphore(%run_scoped3A : memref<!tpu.dma_semaphore, #tpu.memory_space<semaphore_mem>>) src(%dma_wait3A_162 : memref<640xf32, #tpu.memory_space<vmem_shared>>) dst(%dma_wait3A_161 : memref<640xf32, #tpu.memory_space<hbm>>)
      tpu.yield
    }) : () -> ()
    return
  }
}

module attributes {stable_mosaic.version = 14 : i64} {
  func.func @_mm_body(%arg0: i32, %arg1: memref<2048x128xf32, #tpu.memory_space<vmem>>, %arg2: memref<2048x128xf32, #tpu.memory_space<vmem>>, %arg3: memref<2048x128xf32, #tpu.memory_space<vmem>>, %arg4: memref<128x256xf32, #tpu.memory_space<vmem>>, %arg5: memref<128x256xf32, #tpu.memory_space<vmem>>, %arg6: memref<1x256xf32, #tpu.memory_space<vmem>>, %arg7: memref<1x256xf32, #tpu.memory_space<vmem>>, %arg8: memref<1x256xf32, #tpu.memory_space<vmem>>, %arg9: memref<1x1xf32, #tpu.memory_space<vmem>>, %arg10: memref<2048x256xf32, #tpu.memory_space<vmem>>, %arg11: memref<2048xf32, #tpu.memory_space<vmem>>, %arg12: memref<2048xf32, #tpu.memory_space<vmem>>) attributes {dimension_semantics = [#tpu.dimension_semantics<arbitrary>], iteration_bounds = array<i64: 5>, scalar_prefetch = 0 : i64, scratch_operands = 0 : i64, tpu.core_type = #tpu.core_type<tc>, window_params = [{transform_indices = @transform_0, window_bounds = array<i64: 2048, 128>}, {transform_indices = @transform_1, window_bounds = array<i64: 2048, 128>}, {transform_indices = @transform_2, window_bounds = array<i64: 2048, 128>}, {pipeline_mode = #tpu.pipeline_mode<synchronous>, transform_indices = @transform_3, window_bounds = array<i64: 128, 256>}, {pipeline_mode = #tpu.pipeline_mode<synchronous>, transform_indices = @transform_4, window_bounds = array<i64: 128, 256>}, {pipeline_mode = #tpu.pipeline_mode<synchronous>, transform_indices = @transform_5, window_bounds = array<i64: 1, 256>}, {pipeline_mode = #tpu.pipeline_mode<synchronous>, transform_indices = @transform_6, window_bounds = array<i64: 1, 256>}, {pipeline_mode = #tpu.pipeline_mode<synchronous>, transform_indices = @transform_7, window_bounds = array<i64: 1, 256>}, {pipeline_mode = #tpu.pipeline_mode<synchronous>, transform_indices = @transform_8, window_bounds = array<i64: 1, 1>}, {transform_indices = @transform_9, window_bounds = array<i64: 2048, 256>}, {transform_indices = @transform_10, window_bounds = array<i64: 2048>}, {transform_indices = @transform_11, window_bounds = array<i64: 2048>}]} {
    %get3A = arith.constant 0 : index
    %get3A_0 = arith.constant 0 : index
    %get3A_1 = vector.load %arg2[%get3A, %get3A_0] : memref<2048x128xf32, #tpu.memory_space<vmem>>, vector<2048x128xf32>
    %get3A_2 = arith.constant 0 : index
    %get3A_3 = arith.constant 0 : index
    %get3A_4 = vector.load %arg3[%get3A_2, %get3A_3] : memref<2048x128xf32, #tpu.memory_space<vmem>>, vector<2048x128xf32>
    %add3A = arith.addf %get3A_1, %get3A_4 : vector<2048x128xf32>
    %convert_element_type3A = arith.truncf %add3A : vector<2048x128xf32> to vector<2048x128xbf16>
    %get3A_5 = arith.constant 0 : index
    %get3A_6 = arith.constant 0 : index
    %get3A_7 = vector.load %arg4[%get3A_5, %get3A_6] : memref<128x256xf32, #tpu.memory_space<vmem>>, vector<128x256xf32>
    %convert_element_type3A_8 = arith.truncf %get3A_7 : vector<128x256xf32> to vector<128x256xbf16>
    %dot_general3A = arith.constant dense<0.000000e+00> : vector<2048x256xf32>
    %dot_general3A_9 = tpu.matmul %convert_element_type3A, %convert_element_type3A_8, %dot_general3A {dimension_numbers = #tpu.dot_dimension_numbers<[1], [0], [0], [1], [0, 0, 1, 1], [], []>, transpose_lhs_hint = false} : vector<2048x128xbf16>, vector<128x256xbf16>, vector<2048x256xf32> -> vector<2048x256xf32>
    %get3A_10 = arith.constant 0 : index
    %get3A_11 = arith.constant 0 : index
    %get3A_12 = vector.load %arg1[%get3A_10, %get3A_11] : memref<2048x128xf32, #tpu.memory_space<vmem>>, vector<2048x128xf32>
    %convert_element_type3A_13 = arith.truncf %get3A_12 : vector<2048x128xf32> to vector<2048x128xbf16>
    %get3A_14 = arith.constant 0 : index
    %get3A_15 = arith.constant 0 : index
    %get3A_16 = vector.load %arg5[%get3A_14, %get3A_15] : memref<128x256xf32, #tpu.memory_space<vmem>>, vector<128x256xf32>
    %convert_element_type3A_17 = arith.truncf %get3A_16 : vector<128x256xf32> to vector<128x256xbf16>
    %dot_general3A_18 = arith.constant dense<0.000000e+00> : vector<2048x256xf32>
    %dot_general3A_19 = tpu.matmul %convert_element_type3A_13, %convert_element_type3A_17, %dot_general3A_18 {dimension_numbers = #tpu.dot_dimension_numbers<[1], [0], [0], [1], [0, 0, 1, 1], [], []>, transpose_lhs_hint = false} : vector<2048x128xbf16>, vector<128x256xbf16>, vector<2048x256xf32> -> vector<2048x256xf32>
    %add3A_20 = arith.addf %dot_general3A_9, %dot_general3A_19 : vector<2048x256xf32>
    %get3A_21 = arith.constant 0 : index
    %get3A_22 = arith.constant 0 : index
    %get3A_23 = vector.load %arg6[%get3A_21, %get3A_22] : memref<1x256xf32, #tpu.memory_space<vmem>>, vector<1x256xf32>
    %add3A_24 = vector.broadcast %get3A_23 : vector<1x256xf32> to vector<2048x256xf32>
    %add3A_25 = arith.addf %add3A_20, %add3A_24 : vector<2048x256xf32>
    %max3A = arith.constant 0.000000e+00 : f32
    %max3A_26 = vector.broadcast %max3A : f32 to vector<2048x256xf32>
    %max3A_27 = arith.maximumf %add3A_25, %max3A_26 : vector<2048x256xf32>
    %swap3A = arith.constant 0 : index
    %swap3A_28 = arith.constant 0 : index
    %swap3A_29 = vector.load %arg10[%swap3A, %swap3A_28] : memref<2048x256xf32, #tpu.memory_space<vmem>>, vector<2048x256xf32>
    tpu.vector_store %arg10[%swap3A, %swap3A_28], %max3A_27 {strides = array<i32>} : memref<2048x256xf32, #tpu.memory_space<vmem>>, vector<2048x256xf32>,
    %get3A_30 = arith.constant 0 : index
    %get3A_31 = arith.constant 0 : index
    %get3A_32 = vector.load %arg7[%get3A_30, %get3A_31] : memref<1x256xf32, #tpu.memory_space<vmem>>, vector<1x256xf32>
    %mul3A = vector.broadcast %get3A_32 : vector<1x256xf32> to vector<2048x256xf32>
    %mul3A_33 = arith.mulf %max3A_27, %mul3A : vector<2048x256xf32>
    %reduce_sum3A = arith.constant dense<0.000000e+00> : vector<2048xf32>
    %reduce_sum3A_34 = vector.multi_reduction <add>, %mul3A_33, %reduce_sum3A [1] : vector<2048x256xf32> to vector<2048xf32>
    %swap3A_35 = arith.constant 0 : index
    %swap3A_36 = vector.load %arg11[%swap3A_35] : memref<2048xf32, #tpu.memory_space<vmem>>, vector<2048xf32>
    tpu.vector_store %arg11[%swap3A_35], %reduce_sum3A_34 {strides = array<i32>} : memref<2048xf32, #tpu.memory_space<vmem>>, vector<2048xf32>,
    %get3A_37 = arith.constant 0 : index
    %get3A_38 = arith.constant 0 : index
    %get3A_39 = vector.load %arg8[%get3A_37, %get3A_38] : memref<1x256xf32, #tpu.memory_space<vmem>>, vector<1x256xf32>
    %mul3A_40 = vector.broadcast %get3A_39 : vector<1x256xf32> to vector<2048x256xf32>
    %mul3A_41 = arith.mulf %max3A_27, %mul3A_40 : vector<2048x256xf32>
    %reduce_sum3A_42 = arith.constant dense<0.000000e+00> : vector<2048xf32>
    %reduce_sum3A_43 = vector.multi_reduction <add>, %mul3A_41, %reduce_sum3A_42 [1] : vector<2048x256xf32> to vector<2048xf32>
    %get3A_44 = arith.constant 0 : index
    %get3A_45 = arith.constant 0 : index
    %get3A_46 = vector.load %arg9[%get3A_44, %get3A_45] : memref<1x1xf32, #tpu.memory_space<vmem>>, vector<1x1xf32>
    %get3A_47 = vector.extract %get3A_46[0, 0] : f32 from vector<1x1xf32>
    %add3A_48 = vector.broadcast %get3A_47 : f32 to vector<2048xf32>
    %add3A_49 = arith.addf %reduce_sum3A_43, %add3A_48 : vector<2048xf32>
    %swap3A_50 = arith.constant 0 : index
    %swap3A_51 = vector.load %arg12[%swap3A_50] : memref<2048xf32, #tpu.memory_space<vmem>>, vector<2048xf32>
    tpu.vector_store %arg12[%swap3A_50], %add3A_49 {strides = array<i32>} : memref<2048xf32, #tpu.memory_space<vmem>>, vector<2048xf32>,
    return
  }
  func.func @transform_0(%arg0: i32) -> (i32, i32) {
    %c0_i32 = arith.constant 0 : i32
    %c0_i32_0 = arith.constant 0 : i32
    return %arg0, %c0_i32 : i32, i32
  }
  func.func @transform_1(%arg0: i32) -> (i32, i32) {
    %c0_i32 = arith.constant 0 : i32
    %c0_i32_0 = arith.constant 0 : i32
    return %arg0, %c0_i32 : i32, i32
  }
  func.func @transform_2(%arg0: i32) -> (i32, i32) {
    %c0_i32 = arith.constant 0 : i32
    %c0_i32_0 = arith.constant 0 : i32
    return %arg0, %c0_i32 : i32, i32
  }
  func.func @transform_3(%arg0: i32) -> (i32, i32) {
    %c0_i32 = arith.constant 0 : i32
    %c0_i32_0 = arith.constant 0 : i32
    %c0_i32_1 = arith.constant 0 : i32
    return %c0_i32, %c0_i32_0 : i32, i32
  }
  func.func @transform_4(%arg0: i32) -> (i32, i32) {
    %c0_i32 = arith.constant 0 : i32
    %c0_i32_0 = arith.constant 0 : i32
    %c0_i32_1 = arith.constant 0 : i32
    return %c0_i32, %c0_i32_0 : i32, i32
  }
  func.func @transform_5(%arg0: i32) -> (i32, i32) {
    %c0_i32 = arith.constant 0 : i32
    %c0_i32_0 = arith.constant 0 : i32
    %c0_i32_1 = arith.constant 0 : i32
    return %c0_i32, %c0_i32_0 : i32, i32
  }
  func.func @transform_6(%arg0: i32) -> (i32, i32) {
    %c0_i32 = arith.constant 0 : i32
    %c0_i32_0 = arith.constant 0 : i32
    %c0_i32_1 = arith.constant 0 : i32
    return %c0_i32, %c0_i32_0 : i32, i32
  }
  func.func @transform_7(%arg0: i32) -> (i32, i32) {
    %c0_i32 = arith.constant 0 : i32
    %c0_i32_0 = arith.constant 0 : i32
    %c0_i32_1 = arith.constant 0 : i32
    return %c0_i32, %c0_i32_0 : i32, i32
  }
  func.func @transform_8(%arg0: i32) -> (i32, i32) {
    %c0_i32 = arith.constant 0 : i32
    %c0_i32_0 = arith.constant 0 : i32
    %c0_i32_1 = arith.constant 0 : i32
    return %c0_i32, %c0_i32_0 : i32, i32
  }
  func.func @transform_9(%arg0: i32) -> (i32, i32) {
    %c0_i32 = arith.constant 0 : i32
    %c0_i32_0 = arith.constant 0 : i32
    return %arg0, %c0_i32 : i32, i32
  }
  func.func @transform_10(%arg0: i32) -> i32 {
    %c0_i32 = arith.constant 0 : i32
    return %arg0 : i32
  }
  func.func @transform_11(%arg0: i32) -> i32 {
    %c0_i32 = arith.constant 0 : i32
    return %arg0 : i32
  }
}

module attributes {stable_mosaic.version = 14 : i64} {
  func.func @_fin_body(%arg0: memref<2x10240xf32, #tpu.memory_space<vmem>>, %arg1: memref<1x10240xf32, #tpu.memory_space<vmem>>, %arg2: memref<2x2500x128xi32, #tpu.memory_space<vmem>>, %arg3: memref<10240x256xf32, #tpu.memory_space<any>>, %arg4: memref<256x256xf32, #tpu.memory_space<vmem>>, %arg5: memref<256x256xf32, #tpu.memory_space<vmem>>, %arg6: memref<1x256xf32, #tpu.memory_space<vmem>>, %arg7: memref<1x256xf32, #tpu.memory_space<vmem>>, %arg8: memref<1x256xf32, #tpu.memory_space<vmem>>, %arg9: memref<1x1xf32, #tpu.memory_space<vmem>>, %arg10: memref<256x256xf32, #tpu.memory_space<vmem>>, %arg11: memref<256x256xf32, #tpu.memory_space<vmem>>, %arg12: memref<1x256xf32, #tpu.memory_space<vmem>>, %arg13: memref<1x256xf32, #tpu.memory_space<vmem>>, %arg14: memref<1x256xf32, #tpu.memory_space<vmem>>, %arg15: memref<1x1xf32, #tpu.memory_space<vmem>>, %arg16: memref<256x2xf32, #tpu.memory_space<vmem>>, %arg17: memref<1x2xf32, #tpu.memory_space<vmem>>, %arg18: memref<1x2xf32, #tpu.memory_space<vmem>>, %arg19: memref<1x256xf32, #tpu.memory_space<vmem>>, %arg20: memref<!tpu.dma_semaphore, #tpu.memory_space<semaphore_mem>>) attributes {dimension_semantics = [], scalar_prefetch = 0 : i64, scratch_operands = 2 : i64, tpu.core_type = #tpu.core_type<tc>} {
    %get3A = arith.constant 0 : index
    %get3A_0 = arith.constant 0 : index
    %get3A_1 = vector.load %arg0[%get3A, %get3A_0] : memref<2x10240xf32, #tpu.memory_space<vmem>>, vector<1x10240xf32>
    %get3A_2 = arith.constant 1 : index
    %get3A_3 = arith.constant 0 : index
    %get3A_4 = vector.load %arg0[%get3A_2, %get3A_3] : memref<2x10240xf32, #tpu.memory_space<vmem>>, vector<1x10240xf32>
    %add3A = arith.addf %get3A_1, %get3A_4 : vector<1x10240xf32>
    %get3A_5 = arith.constant 0 : index
    %get3A_6 = arith.constant 0 : index
    %get3A_7 = vector.load %arg1[%get3A_5, %get3A_6] : memref<1x10240xf32, #tpu.memory_space<vmem>>, vector<1x10240xf32>
    %add3A_8 = arith.addf %add3A, %get3A_7 : vector<1x10240xf32>
    %iota3A = tpu.iota {dimensions = array<i32: 1>} : vector<1x10240xi32>
    %lt3A = arith.constant 10000 : i32
    %lt3A_9 = vector.broadcast %lt3A : i32 to vector<1x10240xi32>
    %lt3A_10 = arith.cmpi slt, %iota3A, %lt3A_9 : vector<1x10240xi32>
    %jit3A = arith.constant 0xFF800000 : f32
    %broadcast_in_dim3A = vector.broadcast %jit3A : f32 to vector<1x10240xf32>
    %select_n3A = arith.select %lt3A_10, %add3A_8, %broadcast_in_dim3A : vector<1x10240xi1>, vector<1x10240xf32>
    %reduce_max3A = vector.shape_cast %select_n3A : vector<1x10240xf32> to vector<1x1x10240xf32>
    %reduce_max3A_11 = arith.constant dense<0xFF800000> : vector<1xf32>
    %reduce_max3A_12 = vector.multi_reduction <maximumf>, %reduce_max3A, %reduce_max3A_11 [1, 2] : vector<1x1x10240xf32> to vector<1xf32>
    %reduce_max3A_13 = vector.shape_cast %reduce_max3A_12 : vector<1xf32> to vector<1x1x1xf32>
    %reduce_max3A_14 = vector.extract %reduce_max3A_13[0, 0, 0] : f32 from vector<1x1x1xf32>
    %ge3A = vector.broadcast %reduce_max3A_14 : f32 to vector<1x10240xf32>
    %ge3A_15 = arith.cmpf oge, %select_n3A, %ge3A : vector<1x10240xf32>
    %jit3A_16 = arith.constant 10240 : i32
    %broadcast_in_dim3A_17 = vector.broadcast %jit3A_16 : i32 to vector<1x10240xi32>
    %select_n3A_18 = arith.select %ge3A_15, %iota3A, %broadcast_in_dim3A_17 : vector<1x10240xi1>, vector<1x10240xi32>
    %reduce_min3A = vector.shape_cast %select_n3A_18 : vector<1x10240xi32> to vector<1x1x10240xi32>
    %reduce_min3A_19 = arith.constant dense<2147483647> : vector<1xi32>
    %reduce_min3A_20 = vector.multi_reduction <minsi>, %reduce_min3A, %reduce_min3A_19 [1, 2] : vector<1x1x10240xi32> to vector<1xi32>
    %reduce_min3A_21 = vector.shape_cast %reduce_min3A_20 : vector<1xi32> to vector<1x1x1xi32>
    %reduce_min3A_22 = vector.extract %reduce_min3A_21[0, 0, 0] : i32 from vector<1x1x1xi32>
    %dma_start3A = arith.constant 0 : i32
    %dma_start3A_23 = tpu.memref_slice %arg3[%reduce_min3A_22, %dma_start3A] : memref<10240x256xf32, #tpu.memory_space<any>> -> memref<1x256xf32, #tpu.memory_space<any>>
    tpu.enqueue_dma source(%dma_start3A_23 : memref<1x256xf32, #tpu.memory_space<any>>) target(%arg19 : memref<1x256xf32, #tpu.memory_space<vmem>>) target_semaphore(%arg20 : memref<!tpu.dma_semaphore, #tpu.memory_space<semaphore_mem>>)
    %dma_wait3A = arith.constant 0 : i32
    %dma_wait3A_24 = tpu.memref_slice %arg3[%reduce_min3A_22, %dma_wait3A] : memref<10240x256xf32, #tpu.memory_space<any>> -> memref<1x256xf32, #tpu.memory_space<any>>
    tpu.wait_dma2 semaphore(%arg20 : memref<!tpu.dma_semaphore, #tpu.memory_space<semaphore_mem>>) src(%dma_wait3A_24 : memref<1x256xf32, #tpu.memory_space<any>>) dst(%arg19 : memref<1x256xf32, #tpu.memory_space<vmem>>)
    %get3A_25 = arith.constant 0 : index
    %get3A_26 = arith.constant 0 : index
    %get3A_27 = vector.load %arg19[%get3A_25, %get3A_26] : memref<1x256xf32, #tpu.memory_space<vmem>>, vector<1x256xf32>
    %broadcast_in_dim3A_28 = vector.broadcast %reduce_max3A_14 : f32 to vector<1x1xf32>
    %tanh3A = math.tanh %broadcast_in_dim3A_28 : vector<1x1xf32>
    %mul3A = vector.broadcast %tanh3A : vector<1x1xf32> to vector<1x256xf32>
    %mul3A_29 = arith.mulf %get3A_27, %mul3A : vector<1x256xf32>
    %get3A_30 = arith.constant 0 : index
    %get3A_31 = arith.constant 0 : index
    %get3A_32 = arith.constant 0 : index
    %get3A_33 = vector.load %arg2[%get3A_30, %get3A_31, %get3A_32] : memref<2x2500x128xi32, #tpu.memory_space<vmem>>, vector<1x2500x128xi32>
    %get3A_34 = vector.shape_cast %get3A_33 : vector<1x2500x128xi32> to vector<2500x128xi32>
    %eq3A = vector.broadcast %reduce_min3A_22 : i32 to vector<2500x128xi32>
    %eq3A_35 = arith.cmpi eq, %get3A_34, %eq3A : vector<2500x128xi32>
    %get3A_36 = arith.constant 1 : index
    %get3A_37 = arith.constant 0 : index
    %get3A_38 = arith.constant 0 : index
    %get3A_39 = vector.load %arg2[%get3A_36, %get3A_37, %get3A_38] : memref<2x2500x128xi32, #tpu.memory_space<vmem>>, vector<1x2500x128xi32>
    %get3A_40 = vector.shape_cast %get3A_39 : vector<1x2500x128xi32> to vector<2500x128xi32>
    %eq3A_41 = vector.broadcast %reduce_min3A_22 : i32 to vector<2500x128xi32>
    %eq3A_42 = arith.cmpi eq, %get3A_40, %eq3A_41 : vector<2500x128xi32>
    %and3A = arith.andi %eq3A_35, %eq3A_42 : vector<2500x128xi1>
    %jit3A_43 = arith.constant 1.000000e+00 : f32
    %jit3A_44 = arith.constant 0.000000e+00 : f32
    %broadcast_in_dim3A_45 = vector.broadcast %jit3A_43 : f32 to vector<2500x128xf32>
    %broadcast_in_dim3A_46 = vector.broadcast %jit3A_44 : f32 to vector<2500x128xf32>
    %select_n3A_47 = arith.select %and3A, %broadcast_in_dim3A_45, %broadcast_in_dim3A_46 : vector<2500x128xi1>, vector<2500x128xf32>
    %reduce_sum3A = vector.shape_cast %select_n3A_47 : vector<2500x128xf32> to vector<1x2500x128xf32>
    %reduce_sum3A_48 = arith.constant dense<0.000000e+00> : vector<1xf32>
    %reduce_sum3A_49 = vector.multi_reduction <add>, %reduce_sum3A, %reduce_sum3A_48 [1, 2] : vector<1x2500x128xf32> to vector<1xf32>
    %reduce_sum3A_50 = vector.shape_cast %reduce_sum3A_49 : vector<1xf32> to vector<1x1x1xf32>
    %reduce_sum3A_51 = vector.extract %reduce_sum3A_50[0, 0, 0] : f32 from vector<1x1x1xf32>
    %get3A_52 = arith.constant 0 : index
    %get3A_53 = arith.constant 0 : index
    %get3A_54 = vector.load %arg4[%get3A_52, %get3A_53] : memref<256x256xf32, #tpu.memory_space<vmem>>, vector<256x256xf32>
    %get3A_55 = arith.constant 0 : index
    %get3A_56 = arith.constant 0 : index
    %get3A_57 = vector.load %arg5[%get3A_55, %get3A_56] : memref<256x256xf32, #tpu.memory_space<vmem>>, vector<256x256xf32>
    %get3A_58 = arith.constant 0 : index
    %get3A_59 = arith.constant 0 : index
    %get3A_60 = vector.load %arg6[%get3A_58, %get3A_59] : memref<1x256xf32, #tpu.memory_space<vmem>>, vector<1x256xf32>
    %get3A_61 = arith.constant 0 : index
    %get3A_62 = arith.constant 0 : index
    %get3A_63 = vector.load %arg7[%get3A_61, %get3A_62] : memref<1x256xf32, #tpu.memory_space<vmem>>, vector<1x256xf32>
    %get3A_64 = arith.constant 0 : index
    %get3A_65 = arith.constant 0 : index
    %get3A_66 = vector.load %arg8[%get3A_64, %get3A_65] : memref<1x256xf32, #tpu.memory_space<vmem>>, vector<1x256xf32>
    %get3A_67 = arith.constant 0 : index
    %get3A_68 = arith.constant 0 : index
    %get3A_69 = vector.load %arg9[%get3A_67, %get3A_68] : memref<1x1xf32, #tpu.memory_space<vmem>>, vector<1x1xf32>
    %get3A_70 = vector.extract %get3A_69[0, 0] : f32 from vector<1x1xf32>
    %dot_general3A = arith.constant dense<0.000000e+00> : vector<1x256xf32>
    %dot_general3A_71 = tpu.matmul %mul3A_29, %get3A_54, %dot_general3A {dimension_numbers = #tpu.dot_dimension_numbers<[1], [0], [0], [1], [0, 0, 1, 1], [], []>, transpose_lhs_hint = false} : vector<1x256xf32>, vector<256x256xf32>, vector<1x256xf32> -> vector<1x256xf32>
    %mul3A_72 = vector.broadcast %reduce_sum3A_51 : f32 to vector<1x256xf32>
    %mul3A_73 = arith.mulf %mul3A_72, %dot_general3A_71 : vector<1x256xf32>
    %dot_general3A_74 = arith.constant dense<0.000000e+00> : vector<1x256xf32>
    %dot_general3A_75 = tpu.matmul %mul3A_29, %get3A_57, %dot_general3A_74 {dimension_numbers = #tpu.dot_dimension_numbers<[1], [0], [0], [1], [0, 0, 1, 1], [], []>, transpose_lhs_hint = false} : vector<1x256xf32>, vector<256x256xf32>, vector<1x256xf32> -> vector<1x256xf32>
    %add3A_76 = arith.addf %mul3A_73, %dot_general3A_75 : vector<1x256xf32>
    %add3A_77 = arith.addf %add3A_76, %get3A_60 : vector<1x256xf32>
    %max3A = arith.constant 0.000000e+00 : f32
    %max3A_78 = vector.broadcast %max3A : f32 to vector<1x256xf32>
    %max3A_79 = arith.maximumf %add3A_77, %max3A_78 : vector<1x256xf32>
    %mul3A_80 = arith.mulf %max3A_79, %get3A_63 : vector<1x256xf32>
    %reduce_sum3A_81 = vector.shape_cast %mul3A_80 : vector<1x256xf32> to vector<1x1x256xf32>
    %reduce_sum3A_82 = arith.constant dense<0.000000e+00> : vector<1xf32>
    %reduce_sum3A_83 = vector.multi_reduction <add>, %reduce_sum3A_81, %reduce_sum3A_82 [1, 2] : vector<1x1x256xf32> to vector<1xf32>
    %reduce_sum3A_84 = vector.shape_cast %reduce_sum3A_83 : vector<1xf32> to vector<1x1x1xf32>
    %reduce_sum3A_85 = vector.extract %reduce_sum3A_84[0, 0, 0] : f32 from vector<1x1x1xf32>
    %mul3A_86 = arith.mulf %reduce_sum3A_51, %reduce_sum3A_85 : f32
    %mul3A_87 = arith.mulf %max3A_79, %get3A_66 : vector<1x256xf32>
    %reduce_sum3A_88 = vector.shape_cast %mul3A_87 : vector<1x256xf32> to vector<1x1x256xf32>
    %reduce_sum3A_89 = arith.constant dense<0.000000e+00> : vector<1xf32>
    %reduce_sum3A_90 = vector.multi_reduction <add>, %reduce_sum3A_88, %reduce_sum3A_89 [1, 2] : vector<1x1x256xf32> to vector<1xf32>
    %reduce_sum3A_91 = vector.shape_cast %reduce_sum3A_90 : vector<1xf32> to vector<1x1x1xf32>
    %reduce_sum3A_92 = vector.extract %reduce_sum3A_91[0, 0, 0] : f32 from vector<1x1x1xf32>
    %add3A_93 = arith.addf %mul3A_86, %reduce_sum3A_92 : f32
    %add3A_94 = arith.addf %add3A_93, %get3A_70 : f32
    %broadcast_in_dim3A_95 = vector.broadcast %add3A_94 : f32 to vector<1x1xf32>
    %tanh3A_96 = math.tanh %broadcast_in_dim3A_95 : vector<1x1xf32>
    %mul3A_97 = vector.broadcast %tanh3A_96 : vector<1x1xf32> to vector<1x256xf32>
    %mul3A_98 = arith.mulf %max3A_79, %mul3A_97 : vector<1x256xf32>
    %get3A_99 = arith.constant 0 : index
    %get3A_100 = arith.constant 0 : index
    %get3A_101 = vector.load %arg10[%get3A_99, %get3A_100] : memref<256x256xf32, #tpu.memory_space<vmem>>, vector<256x256xf32>
    %get3A_102 = arith.constant 0 : index
    %get3A_103 = arith.constant 0 : index
    %get3A_104 = vector.load %arg11[%get3A_102, %get3A_103] : memref<256x256xf32, #tpu.memory_space<vmem>>, vector<256x256xf32>
    %get3A_105 = arith.constant 0 : index
    %get3A_106 = arith.constant 0 : index
    %get3A_107 = vector.load %arg12[%get3A_105, %get3A_106] : memref<1x256xf32, #tpu.memory_space<vmem>>, vector<1x256xf32>
    %get3A_108 = arith.constant 0 : index
    %get3A_109 = arith.constant 0 : index
    %get3A_110 = vector.load %arg13[%get3A_108, %get3A_109] : memref<1x256xf32, #tpu.memory_space<vmem>>, vector<1x256xf32>
    %get3A_111 = arith.constant 0 : index
    %get3A_112 = arith.constant 0 : index
    %get3A_113 = vector.load %arg14[%get3A_111, %get3A_112] : memref<1x256xf32, #tpu.memory_space<vmem>>, vector<1x256xf32>
    %get3A_114 = arith.constant 0 : index
    %get3A_115 = arith.constant 0 : index
    %get3A_116 = vector.load %arg15[%get3A_114, %get3A_115] : memref<1x1xf32, #tpu.memory_space<vmem>>, vector<1x1xf32>
    %get3A_117 = vector.extract %get3A_116[0, 0] : f32 from vector<1x1xf32>
    %dot_general3A_118 = arith.constant dense<0.000000e+00> : vector<1x256xf32>
    %dot_general3A_119 = tpu.matmul %mul3A_98, %get3A_101, %dot_general3A_118 {dimension_numbers = #tpu.dot_dimension_numbers<[1], [0], [0], [1], [0, 0, 1, 1], [], []>, transpose_lhs_hint = false} : vector<1x256xf32>, vector<256x256xf32>, vector<1x256xf32> -> vector<1x256xf32>
    %mul3A_120 = vector.broadcast %reduce_sum3A_51 : f32 to vector<1x256xf32>
    %mul3A_121 = arith.mulf %mul3A_120, %dot_general3A_119 : vector<1x256xf32>
    %dot_general3A_122 = arith.constant dense<0.000000e+00> : vector<1x256xf32>
    %dot_general3A_123 = tpu.matmul %mul3A_98, %get3A_104, %dot_general3A_122 {dimension_numbers = #tpu.dot_dimension_numbers<[1], [0], [0], [1], [0, 0, 1, 1], [], []>, transpose_lhs_hint = false} : vector<1x256xf32>, vector<256x256xf32>, vector<1x256xf32> -> vector<1x256xf32>
    %add3A_124 = arith.addf %mul3A_121, %dot_general3A_123 : vector<1x256xf32>
    %add3A_125 = arith.addf %add3A_124, %get3A_107 : vector<1x256xf32>
    %max3A_126 = arith.constant 0.000000e+00 : f32
    %max3A_127 = vector.broadcast %max3A_126 : f32 to vector<1x256xf32>
    %max3A_128 = arith.maximumf %add3A_125, %max3A_127 : vector<1x256xf32>
    %mul3A_129 = arith.mulf %max3A_128, %get3A_110 : vector<1x256xf32>
    %reduce_sum3A_130 = vector.shape_cast %mul3A_129 : vector<1x256xf32> to vector<1x1x256xf32>
    %reduce_sum3A_131 = arith.constant dense<0.000000e+00> : vector<1xf32>
    %reduce_sum3A_132 = vector.multi_reduction <add>, %reduce_sum3A_130, %reduce_sum3A_131 [1, 2] : vector<1x1x256xf32> to vector<1xf32>
    %reduce_sum3A_133 = vector.shape_cast %reduce_sum3A_132 : vector<1xf32> to vector<1x1x1xf32>
    %reduce_sum3A_134 = vector.extract %reduce_sum3A_133[0, 0, 0] : f32 from vector<1x1x1xf32>
    %mul3A_135 = arith.mulf %reduce_sum3A_51, %reduce_sum3A_134 : f32
    %mul3A_136 = arith.mulf %max3A_128, %get3A_113 : vector<1x256xf32>
    %reduce_sum3A_137 = vector.shape_cast %mul3A_136 : vector<1x256xf32> to vector<1x1x256xf32>
    %reduce_sum3A_138 = arith.constant dense<0.000000e+00> : vector<1xf32>
    %reduce_sum3A_139 = vector.multi_reduction <add>, %reduce_sum3A_137, %reduce_sum3A_138 [1, 2] : vector<1x1x256xf32> to vector<1xf32>
    %reduce_sum3A_140 = vector.shape_cast %reduce_sum3A_139 : vector<1xf32> to vector<1x1x1xf32>
    %reduce_sum3A_141 = vector.extract %reduce_sum3A_140[0, 0, 0] : f32 from vector<1x1x1xf32>
    %add3A_142 = arith.addf %mul3A_135, %reduce_sum3A_141 : f32
    %add3A_143 = arith.addf %add3A_142, %get3A_117 : f32
    %broadcast_in_dim3A_144 = vector.broadcast %add3A_143 : f32 to vector<1x1xf32>
    %tanh3A_145 = math.tanh %broadcast_in_dim3A_144 : vector<1x1xf32>
    %mul3A_146 = vector.broadcast %tanh3A_145 : vector<1x1xf32> to vector<1x256xf32>
    %mul3A_147 = arith.mulf %max3A_128, %mul3A_146 : vector<1x256xf32>
    %add3A_148 = arith.addf %mul3A_29, %mul3A_98 : vector<1x256xf32>
    %add3A_149 = arith.addf %add3A_148, %mul3A_147 : vector<1x256xf32>
    %get3A_150 = arith.constant 0 : index
    %get3A_151 = arith.constant 0 : index
    %get3A_152 = vector.load %arg16[%get3A_150, %get3A_151] : memref<256x2xf32, #tpu.memory_space<vmem>>, vector<256x2xf32>
    %dot_general3A_153 = arith.constant dense<0.000000e+00> : vector<1x2xf32>
    %dot_general3A_154 = tpu.matmul %add3A_149, %get3A_152, %dot_general3A_153 {dimension_numbers = #tpu.dot_dimension_numbers<[1], [0], [0], [1], [0, 0, 1, 1], [], []>, transpose_lhs_hint = false} : vector<1x256xf32>, vector<256x2xf32>, vector<1x2xf32> -> vector<1x2xf32>
    %get3A_155 = arith.constant 0 : index
    %get3A_156 = arith.constant 0 : index
    %get3A_157 = vector.load %arg17[%get3A_155, %get3A_156] : memref<1x2xf32, #tpu.memory_space<vmem>>, vector<1x2xf32>
    %add3A_158 = arith.addf %dot_general3A_154, %get3A_157 : vector<1x2xf32>
    %swap3A = arith.constant 0 : index
    %swap3A_159 = arith.constant 0 : index
    %swap3A_160 = vector.load %arg18[%swap3A, %swap3A_159] : memref<1x2xf32, #tpu.memory_space<vmem>>, vector<1x2xf32>
    tpu.vector_store %arg18[%swap3A, %swap3A_159], %add3A_158 {strides = array<i32>} : memref<1x2xf32, #tpu.memory_space<vmem>>, vector<1x2xf32>,
    return
  }
}

</mosaic_0001>

<sc_bundles>
// kernel: kernel.6.cloned.1.call-start
scs
__scs_entry_jumppad:
0x0: {  	(pc) =	sbr.rel $0x88, $3  }
0x1: {  	(tag) =	ssettag $0x0;
	lr =	simm.s32 $0x1  }
0x2: {  	[smem:$0x3F8B] =	sst lr;
	_ =	strace $0xD0000000  }
0x3: {  	_ = 	snop  }
0x4: {  	_ = 	snop  }
0x5: {  	_ = 	snop  }
0x6: {  	_ = 	snop  }
0x7: {  	_ = 	snop  }
__scs_overlays_trampoline_lowered:
0x8: {  	[smem:$0x3F9A] =	sst s0  }
0x9: {  	[smem:$0x3F9B] =	sst s1  }
0xa: {  	[smem:$0x3F9C] =	sst s2  }
0xb: {  	[smem:$0x3F9D] =	sst s3  }
0xc: {  	[smem:$0x3F9E] =	sst s4  }
0xd: {  	[smem:$0x3F9F] =	sst s5  }
0xe: {  	[smem:$0x3FA0] =	sst s6  }
0xf: {  	[smem:$0x3FA1] =	sst s7  }
0x10: {  	[smem:$0x3FA2] =	sst s8  }
0x11: {  	[smem:$0x3FA3] =	sst s9;
	s0 =	simm.s32 @!p0 $0x0  }
0x12: {  	s1 =	sld [smem:$0x3F89];
	s0 =	simm.s32 @p0 $0x1  }
0x13: {  	[smem:$0x3FA4] =	sst s0;
	s0 =	simm.s32 @!p1 $0x0  }
0x14: {  	s2 =	sld [smem:$0x3F88];
	s0 =	simm.s32 @p1 $0x1  }
0x15: {  	[smem:$0x3FA5] =	sst s0;
	s0 =	simm.s32 @!p2 $0x0  }
0x16: {  	s3 =	sld [smem:$0x3FDB];
	s0 =	simm.s32 @p2 $0x1  }
0x17: {  	s4 =	simm.s32 $0x1BF5;
	[smem:$0x3FA7] =	sst s0  }
0x18: {  	s0 =	sld [smem:$0x3F8A];
	_ =	swait.ge [sflag:s4], $0x0  }
0x19: {  	s7 =	sld [smem:$0x3F8B]  }
0x1a: {  	s8 =	sadd.s32 $0xFFFFE003, lr  }
0x1b: {  	s9 =	sadd.s32 $0xFFFFFEF7, lr;
	s5 =	simm.s32 $0xFFFFFFFF;
	p2 =	slt.u32 s8, $0xFFFFF086  }
0x1c: {  	p1 =	slt.u32 s9, $0xF7A;
	s5 =	simm.s32 @!p2 $0x0  }
0x1d: {  	s5 =	simm.s32 @p1 $0x1;
	p0 =	seq.s32 s7, s2  }
0x1e: {  	s7 =	smul.u32 @!p0 $0xF7A, s2;
	p2 =	seq.s32 @!p0 s5, $0x0  }
0x1f: {  	s9 =	smul.u32 $0xF7A, s1;
	s8 =	simm.s32 @!p0 $0x1BF5;
	p2 =	por !p2, p0  }
0x20: {  	[sflag:s8] =	ssyncset.s32 @!p0 $0xFFFFF086;
	s6 =	sadd.s32 @!p0 s3, s7;
	s7 =	simm.s32 @!p0 $0x108  }
0x21: {  	s3 =	sadd.s32 s3, s9;
	s6 =	sadd.s32 @!p0 $0x88, s6;
	s7 =	simm.s32 @p2 $0x1082  }
0x22: {  	[simem:s7], [sflag:s8] =	dma.local @!p0 [hbm:s6], $0xF7A  }
0x23: {  	s9 =	sor.u32 $0xD0000000, s2;
	s6 =	simm.s32 $0x108;
	_ =	swait.ge @!p0 [sflag:s8], $0x0  }
0x24: {  	s3 =	sadd.s32 $0x88, s3;
	s6 =	simm.s32 @!p1 $0x1082;
	[sflag:s4] =	ssyncset.s32 $0xFFFFF086  }
0x25: {  	[simem:s6], [sflag:s4] =	dma.local [hbm:s3], $0xF7A  }
0x26: {  	[smem:$0x3F8B] =	sst s1;
	(tag) =	ssettag s2;
	_ =	strace s9  }
0x27: {  	s1 =	sld [smem:$0x3F9B]  }
0x28: {  	s2 =	sld [smem:$0x3F9C]  }
0x29: {  	s4 =	sld [smem:$0x3F9E]  }
0x2a: {  	p0 =	seq.s32 s5, $0x0;
	s5 =	sld [smem:$0x3F9F]  }
0x2b: {  	s6 =	sld [smem:$0x3FA0]  }
0x2c: {  	s7 =	sld [smem:$0x3FA1]  }
0x2d: {  	s3 =	simm.s32 $0x108;
	s8 =	sld [smem:$0x3FA2]  }
0x2e: {  	s3 =	simm.s32 @!p0 $0x1082;
	s9 =	sld [smem:$0x3FA3]  }
0x2f: {  	lr =	sadd.s32 s0, s3;
	s0 =	sld [smem:$0x3F9A]  }
0x30: {  	s3 =	sld [smem:$0x3F9D]  }
0x31: {  	[smem:$0x3FA6] =	sst s10  }
0x32: {  	s10 =	sld [smem:$0x3FA4];
	_ =	sdelay $0x3  }
0x33: {  	p0 =	seq.s32 s10, $0x1;
	s10 =	sld [smem:$0x3FA6];
	_ =	sdelay $0x3  }
0x34: {  	[smem:$0x3FA6] =	sst s10  }
0x35: {  	s10 =	sld [smem:$0x3FA5];
	_ =	sdelay $0x3  }
0x36: {  	p1 =	seq.s32 s10, $0x1;
	s10 =	sld [smem:$0x3FA6];
	_ =	sdelay $0x3  }
0x37: {  	[smem:$0x3FA6] =	sst s10  }
0x38: {  	s10 =	sld [smem:$0x3FA7]  }
0x39: {  	_ = 	snop;
	(pc) =	sbr.ind lr, $3  }
0x3a: {  	_ = 	snop  }
0x3b: {  	_ = 	snop  }
0x3c: {  	p2 =	seq.s32 s10, $0x1;
	s10 =	sld [smem:$0x3FA6]  }
0x3d: {  	_ =	shalt  }
0x3e: {  	_ =	shalt  }
0x3f: {  	_ =	shalt  }
0x40: {  	_ =	shalt  }
0x41: {  	_ =	shalt  }
0x42: {  	_ =	shalt  }
0x43: {  	_ =	shalt  }
0x44: {  	_ =	shalt  }
0x45: {  	_ =	shalt  }
0x46: {  	_ =	shalt  }
0x47: {  	_ =	shalt  }
0x48: {  	_ =	shalt  }
0x49: {  	_ =	shalt  }
0x4a: {  	_ =	shalt  }
0x4b: {  	_ =	shalt  }
0x4c: {  	_ =	shalt  }
0x4d: {  	_ =	shalt  }
0x4e: {  	_ =	shalt  }
0x4f: {  	_ =	shalt  }
0x50: {  	_ =	shalt  }
0x51: {  	_ =	shalt  }
0x52: {  	_ =	shalt  }
0x53: {  	_ =	shalt  }
0x54: {  	_ =	shalt  }
0x55: {  	_ =	shalt  }
0x56: {  	_ =	shalt  }
0x57: {  	_ =	shalt  }
0x58: {  	_ =	shalt  }
0x59: {  	_ =	shalt  }
0x5a: {  	_ =	shalt  }
0x5b: {  	_ =	shalt  }
0x5c: {  	_ =	shalt  }
0x5d: {  	_ =	shalt  }
0x5e: {  	_ =	shalt  }
0x5f: {  	_ =	shalt  }
0x60: {  	_ =	shalt  }
0x61: {  	_ =	shalt  }
0x62: {  	_ =	shalt  }
0x63: {  	_ =	shalt  }
0x64: {  	_ =	shalt  }
0x65: {  	_ =	shalt  }
0x66: {  	_ =	shalt  }
0x67: {  	_ =	shalt  }
0x68: {  	_ =	shalt  }
0x69: {  	_ =	shalt  }
0x6a: {  	_ =	shalt  }
0x6b: {  	_ =	shalt  }
0x6c: {  	_ =	shalt  }
0x6d: {  	_ =	shalt  }
0x6e: {  	_ =	shalt  }
0x6f: {  	_ =	shalt  }
0x70: {  	_ =	shalt  }
0x71: {  	_ =	shalt  }
0x72: {  	_ =	shalt  }
0x73: {  	_ =	shalt  }
0x74: {  	_ =	shalt  }
0x75: {  	_ =	shalt  }
0x76: {  	_ =	shalt  }
0x77: {  	_ =	shalt  }
0x78: {  	_ =	shalt  }
0x79: {  	_ =	shalt  }
0x7a: {  	_ =	shalt  }
0x7b: {  	_ =	shalt  }
0x7c: {  	_ =	shalt  }
0x7d: {  	_ =	shalt  }
0x7e: {  	_ =	shalt  }
0x7f: {  	_ =	shalt  }
0x80: {  	_ =	shalt  }
0x81: {  	_ =	shalt  }
0x82: {  	_ =	shalt  }
0x83: {  	_ =	shalt  }
0x84: {  	_ =	shalt  }
0x85: {  	_ =	shalt  }
0x86: {  	_ =	shalt  }
0x87: {  	_ =	shalt  }
.Lfunc_end0:
.L_simem_size_0:
called_computation_lowered:
.L_overlay_start_0:
0x88: {  	s2 =	sld [smem:$0x3FD9]  }
0x89: {  	s3 =	sld [smem:$0x3FFE];
	_ =	sdelay $0x1  }
0x8a: {  	s1 =	srdreg.scid  }
0x8b: {  	s0 =	sand.u32 $0x1, s1  }
0x8c: {  	s16 =	sshll.u32 s0, $0xA;
	s2 =	sadd.s32 s3, s2  }
0x8d: {  	s2 =	sadd.s32 s2, s16  }
0x8e: {  	[smem:$0x3FB2] =	sst s2  }
0x8f: {  	_ = 	snop  }
0x90: {  	(tm) =	ssettm $0x1  }
0x91: {  	s17 =	sld [smem:$0x3FFB];
	_ =	sdelay $0x3  }
0x92: {  	_ =	strace s17  }
0x93: {  	s2 =	sld [smem:$0x3FFC];
	_ =	sdelay $0x3  }
0x94: {  	_ =	strace s2  }
0x95: {  	s2 =	sld [smem:$0x3FFD];
	_ =	sdelay $0x3  }
0x96: {  	_ =	strace s2  }
0x97: {  	_ =	strace $0x8FFFFFFF  }
0x98: {  	s18 =	sld [smem:$0x3FDB];
	_ =	sdelay $0x1  }
0x99: {  	s19 =	simm.s32 $_scs_section_size  }
0x9a: {  	s4 =	simm.s32 $_size__tile_overlayer_lowered;
	s5 =	simm.s32 $_tile_overlayer_lowered  }
0x9b: {  	s22 =	simm.s32 $0x1BFF;
	s21 =	sshll.u32 s5, $0x1;
	s2 =	sadd.s32 s19, s18  }
0x9c: {  	s6 =	simm.s32 $0x0;
	s20 =	sshll.u32 s4, $0x1;
	s4 =	sadd.s32 s21, s2  }
0x9d: {  	[timem:s6], [sflag:s22] =	dma.local [hbm:s4], s20  }
0x9e: {  	_ =	swait.ge [sflag:s22], s20  }
0x9f: {  	s3 =	ssub.s32 $0x0, s20;
	[sflag:s22] =	ssyncset.done $0x0  }
0xa0: {  	[sflag:s22] =	ssyncadd.s32 s3;
	_ =	sdelay $0x1  }
0xa1: {  	s23 =	simm.s32 $0x1B8B  }
0xa2: {  	_ =	swait.ge [sflag:s23], $0x1  }
0xa3: {  	[sflag:s23] =	ssyncset.done $0x0  }
0xa4: {  	s25 =	simm.s32 $0x1B8E;
	s24 =	sld [smem:$0x3FFE];
	[sflag:s23] =	ssyncadd.s32 $0xFFFFFFFF  }
0xa5: {  	s26 =	simm.s32 $execute0_lowered;
	[smem:$0x3FD2] =	sst s25  }
0xa6: {  	s4 =	sshll.u32 s26, $0x1;
	_ =	strace $0x80000046;
	[dreg:$0x1] =	wrdreg $0xFFFFFFFF  }
0xa7: {  	s28 =	simm.s32 $_size_execute0_lowered;
	s2 =	sadd.s32 s2, s4;
	[dreg:$0x0] =	wrdreg $0x0  }
0xa8: {  	s4 =	sshll.u32 s28, $0x1;
	[dreg:$0x2] =	wrdreg s2  }
0xa9: {  	[dreg:$0x3] =	wrdreg s4  }
0xaa: {  	[dreg:$0x4] =	wrdreg $0xC0  }
0xab: {  	_ =	task [dreg:s6], $0x5FFFF  }
0xac: {  	[dreg:$0x1] =	wrdreg $0xFFFFFFFF  }
0xad: {  	[dreg:$0x0] =	wrdreg $0x60  }
0xae: {  	[dreg:$0x2] =	wrdreg s24  }
0xaf: {  	[dreg:$0x3] =	wrdreg $0xC0000  }
0xb0: {  	[dreg:$0x4] =	wrdreg $0x9  }
0xb1: {  	_ =	task.clear_ibuf [dreg:s6], $0x5FFFF;
	_ =	strace $0x90000046  }
0xb2: {  	s29 =	simm.s32 $0x9;
	_ =	strace $0x80000048  }
0xb3: {  	_ =	swait.ge [sflag:s29], $0x1  }
0xb4: {  	[sflag:s29] =	ssyncadd.s32 $0xFFFFFFFF  }
0xb5: {  	_ =	strace $0x90000048  }
0xb6: {  	_ =	sfence  }
0xb7: {  	s30 =	sld [smem:$0x0];
	_ =	sdelay $0x2  }
0xb8: {  	s31 =	sshll.u32 s1, $0xD;
	s1 =	sshrl.u32 s1, $0x2  }
0xb9: {  	s3 =	sand.u32 $0x4000, s31;
	s1 =	sadd.s32 s1, s30  }
0xba: {  	s0 =	sor.u32 s3, s0;
	s1 =	sshll.u32 s1, $0x11  }
0xbb: {  	s0 =	sor.u32 s1, s0  }
0xbc: {  	s0 =	sadd.s32 $0x8F2B, s0  }
0xbd: {  	[sflag:s0] =	ssyncadd.remote.s32 $0x1  }
0xbe: {  	_ =	sfence.sel $0xFFFF  }
0xbf: {  	[dreg:$0x0] =	wrdreg $0xFFFFFFFF;
	(pc) =	sbr.abs _section_cstart, $3  }
0xc0: {  	[dreg:$0x1] =	wrdreg $0xFFFFFFFF  }
0xc1: {  	_ =	task.clear_ibuf [dreg:s6], $0x2FFFF;
	_ =	strace $0x9FFFFFFF  }
0xc2: {  	(tm) =	ssettm $0x7FFFFFFF  }
0xc3: {  	_ =	shalt  }
tec
execute0_lowered:
.L_overlay_start_1:
0x0: {  	(tag) =	ssettag $0x1  }
0x1: {  	s0 =	rddreg [dreg:$0x0]  }
0x2: {  	s12 =	stileid.u32;
	s1 =	srdreg.scid  }
0x3: {  	s2 =	rddreg [dreg:$0x1];
	s3 =	smul.u32 $0x1200, s12  }
0x4: {  	s28 =	simm.s32 $0x9;
	s29 =	simm.s32 $0x3E00;
	s4 =	smul.u32 $0x3E00, s12  }
0x5: {  	s30 =	simm.s32 $0x3E80;
	s31 =	simm.s32 $0x3F00;
	s7 =	smul.u32 $0x14000, s12  }
0x6: {  	s1 =	sand.u32 $0x1, s1;
	s10 =	sadd.s32 $0xDE00, s0;
	s11 =	smul.u32 $0x50000, s12  }
0x7: {  	s13 =	sadd.s32 $0x40400, s0;
	s25 =	sshll.u32 s12, $0x6;
	p0 =	seq.s32 s1, $0x0  }
0x8: {  	s6 =	smul.u32 $0x140000, s1;
	s1 =	ssub.s32 $0x2, s1;
	s5 =	sadd.s32 $0x3E000, s3  }
0x9: {  	s3 =	simm.s32 $0x0;
	s23 =	sshrl.u32 s1, $0x1;
	s24 =	sshrl.u32 s11, $0x2  }
0xa: {  	s5 =	smov.u32 @p0 s4;
	[smem:$0x7FF] =	sst s3;
	s4 =	sadd.s32 $0x18400, s0  }
0xb: {  	s6 =	sadd.s32 s7, s6;
	s1 =	ssub.s32 s1, s23;
	s7 =	sadd.s32 s24, s2  }
0xc: {  	s8 =	sshrl.u32 s5, $0x3;
	_ =	strace $0x80000047;
	[dreg:$0x4] =	wrdreg s13  }
0xd: {  	s6 =	sshrl.u32 s6, $0x3;
	[dreg:$0x5] =	wrdreg s7;
	s7 =	sor.u32 $0x1C09, s25  }
0xe: {  	s22 =	smax.u32 s1, $0x1;
	s1 =	simm.s32 $0x3F80;
	s9 =	sadd.s32 s8, s0  }
0xf: {  	s0 =	sadd.s32 s6, s0;
	[dreg:$0x13] =	wrdreg s22;
	s9 =	sadd.s32 $0x3800, s9  }
0x10: {  	s0 =	sadd.s32 $0x42C00, s0;
	[dreg:$0x6] =	wrdreg s9;
	s9 =	sadd.s32 s10, s8  }
0x11: {  	s6 =	simm.s32 $0x7C;
	[dreg:$0x12] =	wrdreg s0;
	s12 =	sadd.s32 $0x10, s9  }
0x12: {  	s6 =	simm.s32 @!p0 $0x24;
	s13 =	sadd.s32 $0x20, s9;
	[dreg:$0x7] =	wrdreg s12  }
0x13: {  	s26 =	sshll.u32 s6, $0x7;
	s15 =	sadd.s32 $0x30, s9;
	[dreg:$0x8] =	wrdreg s13  }
0x14: {  	s21 =	sshll.u32 s6, $0x9;
	s16 =	sadd.s32 $0x40, s9;
	[dreg:$0xa] =	wrdreg s15  }
0x15: {  	s0 =	simm.s32 $0x1;
	s14 =	sadd.s32 $0xFFFFFF00, s26;
	[dreg:$0xb] =	wrdreg s16  }
0x16: {  	s6 =	simm.s32 $0x4000;
	s17 =	sadd.s32 $0x50, s9;
	[dreg:$0x9] =	wrdreg s14  }
0x17: {  	s18 =	sadd.s32 $0xFFFFFF80, s26;
	s19 =	sadd.s32 $0x3E00, s26;
	[dreg:$0xc] =	wrdreg s17  }
0x18: {  	s8 =	sadd.s32 $0x3E80, s26;
	s23 =	sadd.s32 $0xFFFFF000, s21;
	[dreg:$0xd] =	wrdreg s18  }
0x19: {  	s24 =	sadd.s32 $0x90, s9;
	s25 =	sadd.s32 $0x80, s9;
	[dreg:$0x3] =	wrdreg s23  }
0x1a: {  	s26 =	sadd.s32 $0x70, s9;
	s11 =	sadd.s32 s5, s14;
	[dreg:$0x14] =	wrdreg s24  }
0x1b: {  	s5 =	sadd.s32 s5, s18;
	s20 =	sand.u32 $0x3C80, s8;
	[dreg:$0x15] =	wrdreg s25  }
0x1c: {  	[dreg:$0x16] =	wrdreg s26;
	s16 =	sadd.s32 $0x60, s9;
	s8 =	simm.s32 $0x5  }
0x1d: {  	s13 =	simm.s32 $0x6;
	s14 =	simm.s32 $0x7;
	s15 =	simm.s32 $0x3  }
0x1e: {  	s17 =	simm.s32 $0x8;
	s12 =	simm.s32 $0x4;
	s11 =	sshrl.u32 s11, $0x3  }
0x1f: {  	s5 =	sshrl.u32 s5, $0x3;
	[dreg:$0x11] =	wrdreg s20;
	s11 =	sadd.s32 s10, s11  }
0x20: {  	s18 =	simm.s32 $0x0;
	s5 =	sadd.s32 s10, s5;
	[dreg:$0xe] =	wrdreg s11  }
0x21: {  	s10 =	simm.s32 $0x2;
	s11 =	sand.u32 $0x3C00, s19;
	[dreg:$0x10] =	wrdreg s5  }
0x22: {  	s5 =	simm.s32 $0x80;
	[dreg:$0xf] =	wrdreg s11;
	s11 =	simm.s32 $0x8000  }
.LBB2_1:
0x23: {  	s19 =	rddreg [dreg:$0x5]  }
0x24: {  	s20 =	rddreg [dreg:$0x4];
	s19 =	sshrl.u32 s19, $0x3  }
0x25: {  	[spmem:s19], [sflag:s7] =	dma.local [hbm:s20], $0x2800  }
0x26: {  	_ =	swait.ge [sflag:s28], $0x2800  }
0x27: {  	[sflag:s28] =	ssyncset.done $0x0  }
0x28: {  	[sflag:s28] =	ssyncadd.s32 $0xFFFFD800  }
0x29: {  	[bflag:$0x0] =	sbarrier.arrive $0xFFFF  }
0x2a: {  	s25 =	rddreg [dreg:$0x6]  }
0x2b: {  	[tilespmem:s3], [sflag:$0x9] =	stream.linear.gather [hbm4b:s25+s3], $0x3E00, $0x38;
	v63 =	vld [tilespmem:$0x0]  }
0x2c: {  	_ =	swait.ge [sflag:s28], $0x3E00  }
0x2d: {  	[sflag:s28] =	ssyncset.done $0x0  }
0x2e: {  	[sflag:s28] =	ssyncadd.s32 $0xFFFFC200  }
0x2f: {  	[tilespmem:s29], [sflag:$0x1] =	stream.linear.gather [hbm4b:s9+s3], $0x80, $0x38;
	v63 =	vld [tilespmem:$0x0]  }
0x30: {  	s26 =	rddreg [dreg:$0x7]  }
0x31: {  	[tilespmem:s30], [sflag:$0x2] =	stream.linear.gather [hbm4b:s26+s3], $0x80, $0x38;
	v63 =	vld [tilespmem:$0x0]  }
0x32: {  	s21 =	rddreg [dreg:$0x8]  }
0x33: {  	[tilespmem:s31], [sflag:$0x3] =	stream.linear.gather [hbm4b:s21+s3], $0x80, $0x38;
	v63 =	vld [tilespmem:$0x0]  }
0x34: {  	s22 =	rddreg [dreg:$0xa]  }
0x35: {  	[tilespmem:s1], [sflag:$0x4] =	stream.linear.gather [hbm4b:s22+s3], $0x80, $0x38;
	v63 =	vld [tilespmem:$0x0]  }
0x36: {  	_ =	swait.ge [sflag:s0], $0x80  }
0x37: {  	[sflag:s0] =	ssyncset.done $0x0  }
0x38: {  	[sflag:s0] =	ssyncadd.s32 $0xFFFFFF80  }
0x39: {  	[tilespmem:s6], [sflag:$0x5] =	stream.indirect.gather [hbm4b:s4+s5], $0x80, s3, s5, $0xb8;
	v63 =	vld [tilespmem:$0x0]  }
0x3a: {  	_ =	swait.ge [sflag:s8], $0x4000  }
0x3b: {  	[sflag:s8] =	ssyncset.done $0x0  }
0x3c: {  	[sflag:s8] =	ssyncadd.s32 $0xFFFFC000  }
0x3d: {  	[spmem:s2] =	stream.indirect.scatter.add.f32 [tilespmem:s6], [sflag:$0x7], $0x80, s29, s5, $0xb8;
	v63 =	vld [tilespmem:$0x0]  }
0x3e: {  	_ =	swait.ge [sflag:s10], $0x80  }
0x3f: {  	[sflag:s10] =	ssyncset.done $0x0  }
0x40: {  	[sflag:s10] =	ssyncadd.s32 $0xFFFFFF80  }
0x41: {  	[tilespmem:s11], [sflag:$0x6] =	stream.indirect.gather [hbm4b:s4+s5], $0x80, s5, s5, $0xb8;
	v63 =	vld [tilespmem:$0x0]  }
0x42: {  	_ =	swait.ge [sflag:s13], $0x4000  }
0x43: {  	[sflag:s13] =	ssyncset.done $0x0  }
0x44: {  	[sflag:s13] =	ssyncadd.s32 $0xFFFFC000  }
0x45: {  	[spmem:s2] =	stream.indirect.scatter.add.f32 [tilespmem:s11], [sflag:$0x8], $0x80, s30, s5, $0xb8;
	v63 =	vld [tilespmem:$0x0]  }
0x46: {  	_ =	swait.ge [sflag:s14], $0x4000  }
0x47: {  	[sflag:s14] =	ssyncset.done $0x0  }
0x48: {  	s23 =	rddreg [dreg:$0xb];
	[sflag:s14] =	ssyncadd.s32 $0xFFFFC000  }
0x49: {  	[tilespmem:s29], [sflag:$0x1] =	stream.linear.gather [hbm4b:s23+s3], $0x80, $0x38;
	v63 =	vld [tilespmem:$0x0]  }
0x4a: {  	_ =	swait.ge [sflag:s15], $0x80  }
0x4b: {  	[sflag:s15] =	ssyncset.done $0x0  }
0x4c: {  	s24 =	simm.s32 $0x100;
	[sflag:s15] =	ssyncadd.s32 $0xFFFFFF80  }
0x4d: {  	[tilespmem:s6], [sflag:$0x5] =	stream.indirect.gather [hbm4b:s4+s5], $0x80, s24, s5, $0xb8;
	v63 =	vld [tilespmem:$0x0]  }
0x4e: {  	_ =	swait.ge [sflag:s8], $0x4000  }
0x4f: {  	[sflag:s8] =	ssyncset.done $0x0  }
0x50: {  	[sflag:s8] =	ssyncadd.s32 $0xFFFFC000  }
0x51: {  	[spmem:s2] =	stream.indirect.scatter.add.f32 [tilespmem:s6], [sflag:$0x7], $0x80, s31, s5, $0xb8;
	v63 =	vld [tilespmem:$0x0]  }
0x52: {  	_ =	swait.ge [sflag:s17], $0x4000  }
0x53: {  	[sflag:s17] =	ssyncset.done $0x0  }
0x54: {  	s25 =	rddreg [dreg:$0xc];
	[sflag:s17] =	ssyncadd.s32 $0xFFFFC000  }
0x55: {  	[tilespmem:s30], [sflag:$0x2] =	stream.linear.gather [hbm4b:s25+s3], $0x80, $0x38;
	v63 =	vld [tilespmem:$0x0]  }
0x56: {  	_ =	swait.ge [sflag:s12], $0x80  }
0x57: {  	[sflag:s12] =	ssyncset.done $0x0  }
0x58: {  	s26 =	simm.s32 $0x180;
	[sflag:s12] =	ssyncadd.s32 $0xFFFFFF80  }
0x59: {  	[tilespmem:s11], [sflag:$0x6] =	stream.indirect.gather [hbm4b:s4+s5], $0x80, s26, s5, $0xb8;
	v63 =	vld [tilespmem:$0x0]  }
0x5a: {  	_ =	swait.ge [sflag:s13], $0x4000  }
0x5b: {  	s25 =	rddreg [dreg:$0x16]  }
0x5c: {  	s22 =	simm.s32 $0x0;
	[sflag:s13] =	ssyncset.done $0x0;
	s24 =	rddreg [dreg:$0x15]  }
0x5d: {  	s26 =	smov.u32 s16;
	s23 =	rddreg [dreg:$0x14];
	[sflag:s13] =	ssyncadd.s32 $0xFFFFC000  }
0x5e: {  	[spmem:s2] =	stream.indirect.scatter.add.f32 [tilespmem:s11], [sflag:$0x8], $0x80, s1, s5, $0xb8;
	v63 =	vld [tilespmem:$0x0]  }
.LBB2_2:
0x5f: {  	_ =	swait.ge [sflag:s14], $0x4000  }
0x60: {  	[sflag:s14] =	ssyncset.done $0x0  }
0x61: {  	[sflag:s14] =	ssyncadd.s32 $0xFFFFC000  }
0x62: {  	[tilespmem:s31], [sflag:$0x3] =	stream.linear.gather [hbm4b:s26+s3], $0x80, $0x38;
	v63 =	vld [tilespmem:$0x0]  }
0x63: {  	_ =	swait.ge [sflag:s0], $0x80  }
0x64: {  	s21 =	sshra.s32 s22, $0x2;
	[sflag:s0] =	ssyncset.done $0x0  }
0x65: {  	s20 =	sadd.s32 $0x200, s21;
	[sflag:s0] =	ssyncadd.s32 $0xFFFFFF80  }
0x66: {  	[tilespmem:s6], [sflag:$0x5] =	stream.indirect.gather [hbm4b:s4+s5], $0x80, s20, s5, $0xb8;
	v63 =	vld [tilespmem:$0x0]  }
0x67: {  	_ =	swait.ge [sflag:s8], $0x4000  }
0x68: {  	[sflag:s8] =	ssyncset.done $0x0  }
0x69: {  	[sflag:s8] =	ssyncadd.s32 $0xFFFFC000  }
0x6a: {  	[spmem:s2] =	stream.indirect.scatter.add.f32 [tilespmem:s6], [sflag:$0x7], $0x80, s29, s5, $0xb8;
	v63 =	vld [tilespmem:$0x0]  }
0x6b: {  	_ =	swait.ge [sflag:s17], $0x4000  }
0x6c: {  	[sflag:s17] =	ssyncset.done $0x0  }
0x6d: {  	[sflag:s17] =	ssyncadd.s32 $0xFFFFC000  }
0x6e: {  	[tilespmem:s1], [sflag:$0x4] =	stream.linear.gather [hbm4b:s25+s3], $0x80, $0x38;
	v63 =	vld [tilespmem:$0x0]  }
0x6f: {  	_ =	swait.ge [sflag:s10], $0x80  }
0x70: {  	[sflag:s10] =	ssyncset.done $0x0  }
0x71: {  	s20 =	sadd.s32 $0x280, s21;
	[sflag:s10] =	ssyncadd.s32 $0xFFFFFF80  }
0x72: {  	[tilespmem:s11], [sflag:$0x6] =	stream.indirect.gather [hbm4b:s4+s5], $0x80, s20, s5, $0xb8;
	v63 =	vld [tilespmem:$0x0]  }
0x73: {  	_ =	swait.ge [sflag:s13], $0x4000  }
0x74: {  	[sflag:s13] =	ssyncset.done $0x0  }
0x75: {  	[sflag:s13] =	ssyncadd.s32 $0xFFFFC000  }
0x76: {  	[spmem:s2] =	stream.indirect.scatter.add.f32 [tilespmem:s11], [sflag:$0x8], $0x80, s30, s5, $0xb8;
	v63 =	vld [tilespmem:$0x0]  }
0x77: {  	_ =	swait.ge [sflag:s14], $0x4000  }
0x78: {  	[sflag:s14] =	ssyncset.done $0x0  }
0x79: {  	[sflag:s14] =	ssyncadd.s32 $0xFFFFC000  }
0x7a: {  	[tilespmem:s29], [sflag:$0x1] =	stream.linear.gather [hbm4b:s24+s3], $0x80, $0x38;
	v63 =	vld [tilespmem:$0x0]  }
0x7b: {  	_ =	swait.ge [sflag:s15], $0x80  }
0x7c: {  	[sflag:s15] =	ssyncset.done $0x0  }
0x7d: {  	s20 =	sadd.s32 $0x300, s21;
	[sflag:s15] =	ssyncadd.s32 $0xFFFFFF80  }
0x7e: {  	[tilespmem:s6], [sflag:$0x5] =	stream.indirect.gather [hbm4b:s4+s5], $0x80, s20, s5, $0xb8;
	v63 =	vld [tilespmem:$0x0]  }
0x7f: {  	_ =	swait.ge [sflag:s8], $0x4000  }
0x80: {  	[sflag:s8] =	ssyncset.done $0x0  }
0x81: {  	[sflag:s8] =	ssyncadd.s32 $0xFFFFC000  }
0x82: {  	[spmem:s2] =	stream.indirect.scatter.add.f32 [tilespmem:s6], [sflag:$0x7], $0x80, s31, s5, $0xb8;
	v63 =	vld [tilespmem:$0x0]  }
0x83: {  	_ =	swait.ge [sflag:s17], $0x4000  }
0x84: {  	[sflag:s17] =	ssyncset.done $0x0  }
0x85: {  	[sflag:s17] =	ssyncadd.s32 $0xFFFFC000  }
0x86: {  	[tilespmem:s30], [sflag:$0x2] =	stream.linear.gather [hbm4b:s23+s3], $0x80, $0x38;
	v63 =	vld [tilespmem:$0x0]  }
0x87: {  	_ =	swait.ge [sflag:s12], $0x80  }
0x88: {  	[sflag:s12] =	ssyncset.done $0x0  }
0x89: {  	s21 =	sadd.s32 $0x380, s21;
	[sflag:s12] =	ssyncadd.s32 $0xFFFFFF80  }
0x8a: {  	[tilespmem:s11], [sflag:$0x6] =	stream.indirect.gather [hbm4b:s4+s5], $0x80, s21, s5, $0xb8;
	v63 =	vld [tilespmem:$0x0]  }
0x8b: {  	_ =	swait.ge [sflag:s13], $0x4000  }
0x8c: {  	s22 =	sadd.s32 $0x800, s22;
	s21 =	rddreg [dreg:$0x3]  }
0x8d: {  	p0 =	sne.s32 s21, s22  }
.Ltmp0:
0x8e: {  	_ = 	snop;
	(pc) =	sbr.rel @p0 .LBB2_2-.Ltmp0, $4  }
0x8f: {  	_ = 	snop  }
0x90: {  	s26 =	sadd.s32 $0x40, s26;
	s25 =	sadd.s32 $0x40, s25;
	[sflag:s13] =	ssyncset.done $0x0  }
0x91: {  	s24 =	sadd.s32 $0x40, s24;
	s23 =	sadd.s32 $0x40, s23;
	[sflag:s13] =	ssyncadd.s32 $0xFFFFC000  }
0x92: {  	[spmem:s2] =	stream.indirect.scatter.add.f32 [tilespmem:s11], [sflag:$0x8], $0x80, s1, s5, $0xb8;
	v63 =	vld [tilespmem:$0x0]  }
0x93: {  	_ =	swait.ge [sflag:s14], $0x4000  }
0x94: {  	[sflag:s14] =	ssyncset.done $0x0  }
0x95: {  	s20 =	rddreg [dreg:$0xe];
	[sflag:s14] =	ssyncadd.s32 $0xFFFFC000  }
0x96: {  	[tilespmem:s31], [sflag:$0x3] =	stream.linear.gather [hbm4b:s20+s3], $0x80, $0x38;
	v63 =	vld [tilespmem:$0x0]  }
0x97: {  	_ =	swait.ge [sflag:s0], $0x80  }
0x98: {  	[sflag:s0] =	ssyncset.done $0x0  }
0x99: {  	s26 =	rddreg [dreg:$0xf];
	[sflag:s0] =	ssyncadd.s32 $0xFFFFFF80  }
0x9a: {  	[tilespmem:s6], [sflag:$0x5] =	stream.indirect.gather [hbm4b:s4+s5], $0x80, s26, s5, $0xb8;
	v63 =	vld [tilespmem:$0x0]  }
0x9b: {  	_ =	swait.ge [sflag:s8], $0x4000  }
0x9c: {  	[sflag:s8] =	ssyncset.done $0x0  }
0x9d: {  	[sflag:s8] =	ssyncadd.s32 $0xFFFFC000  }
0x9e: {  	[spmem:s2] =	stream.indirect.scatter.add.f32 [tilespmem:s6], [sflag:$0x7], $0x80, s29, s5, $0xb8;
	v63 =	vld [tilespmem:$0x0]  }
0x9f: {  	_ =	swait.ge [sflag:s17], $0x4000  }
0xa0: {  	[sflag:s17] =	ssyncset.done $0x0  }
0xa1: {  	s21 =	rddreg [dreg:$0x10];
	[sflag:s17] =	ssyncadd.s32 $0xFFFFC000  }
0xa2: {  	[tilespmem:s1], [sflag:$0x4] =	stream.linear.gather [hbm4b:s21+s3], $0x80, $0x38;
	v63 =	vld [tilespmem:$0x0]  }
0xa3: {  	_ =	swait.ge [sflag:s10], $0x80  }
0xa4: {  	[sflag:s10] =	ssyncset.done $0x0  }
0xa5: {  	s22 =	rddreg [dreg:$0x11];
	[sflag:s10] =	ssyncadd.s32 $0xFFFFFF80  }
0xa6: {  	[tilespmem:s11], [sflag:$0x6] =	stream.indirect.gather [hbm4b:s4+s5], $0x80, s22, s5, $0xb8;
	v63 =	vld [tilespmem:$0x0]  }
0xa7: {  	_ =	swait.ge [sflag:s13], $0x4000  }
0xa8: {  	[sflag:s13] =	ssyncset.done $0x0  }
0xa9: {  	[sflag:s13] =	ssyncadd.s32 $0xFFFFC000  }
0xaa: {  	[spmem:s2] =	stream.indirect.scatter.add.f32 [tilespmem:s11], [sflag:$0x8], $0x80, s30, s5, $0xb8;
	v63 =	vld [tilespmem:$0x0]  }
0xab: {  	_ =	swait.ge [sflag:s14], $0x4000  }
0xac: {  	[sflag:s14] =	ssyncset.done $0x0  }
0xad: {  	[sflag:s14] =	ssyncadd.s32 $0xFFFFC000  }
0xae: {  	_ =	swait.ge [sflag:s15], $0x80  }
0xaf: {  	[sflag:s15] =	ssyncset.done $0x0  }
0xb0: {  	s23 =	rddreg [dreg:$0x9];
	[sflag:s15] =	ssyncadd.s32 $0xFFFFFF80  }
0xb1: {  	[tilespmem:s6], [sflag:$0x5] =	stream.indirect.gather [hbm4b:s4+s5], $0x80, s23, s5, $0xb8;
	v63 =	vld [tilespmem:$0x0]  }
0xb2: {  	_ =	swait.ge [sflag:s8], $0x4000  }
0xb3: {  	[sflag:s8] =	ssyncset.done $0x0  }
0xb4: {  	[sflag:s8] =	ssyncadd.s32 $0xFFFFC000  }
0xb5: {  	[spmem:s2] =	stream.indirect.scatter.add.f32 [tilespmem:s6], [sflag:$0x7], $0x80, s31, s5, $0xb8;
	v63 =	vld [tilespmem:$0x0]  }
0xb6: {  	_ =	swait.ge [sflag:s17], $0x4000  }
0xb7: {  	[sflag:s17] =	ssyncset.done $0x0  }
0xb8: {  	[sflag:s17] =	ssyncadd.s32 $0xFFFFC000  }
0xb9: {  	_ =	swait.ge [sflag:s12], $0x80  }
0xba: {  	[sflag:s12] =	ssyncset.done $0x0  }
0xbb: {  	s24 =	rddreg [dreg:$0xd];
	[sflag:s12] =	ssyncadd.s32 $0xFFFFFF80  }
0xbc: {  	[tilespmem:s11], [sflag:$0x6] =	stream.indirect.gather [hbm4b:s4+s5], $0x80, s24, s5, $0xb8;
	v63 =	vld [tilespmem:$0x0]  }
0xbd: {  	_ =	swait.ge [sflag:s13], $0x4000  }
0xbe: {  	[sflag:s13] =	ssyncset.done $0x0  }
0xbf: {  	[sflag:s13] =	ssyncadd.s32 $0xFFFFC000  }
0xc0: {  	[spmem:s2] =	stream.indirect.scatter.add.f32 [tilespmem:s11], [sflag:$0x8], $0x80, s1, s5, $0xb8;
	v63 =	vld [tilespmem:$0x0]  }
0xc1: {  	_ =	swait.ge [sflag:s14], $0x4000  }
0xc2: {  	[sflag:s14] =	ssyncset.done $0x0  }
0xc3: {  	[sflag:s14] =	ssyncadd.s32 $0xFFFFC000  }
0xc4: {  	_ =	swait.ge [sflag:s17], $0x4000  }
0xc5: {  	[sflag:s17] =	ssyncset.done $0x0  }
0xc6: {  	[sflag:s17] =	ssyncadd.s32 $0xFFFFC000  }
0xc7: {  	[bflag:$0x0] =	sbarrier.arrive $0xFFFF  }
0xc8: {  	s25 =	rddreg [dreg:$0x12]  }
0xc9: {  	[hbm:s25], [sflag:s7] =	dma.local [spmem:s19], $0x2800  }
0xca: {  	_ =	swait.ge [sflag:s28], $0x2800  }
0xcb: {  	s18 =	sadd.s32 $0x1, s18;
	s26 =	rddreg [dreg:$0x13]  }
0xcc: {  	p0 =	sne.s32 s18, s26  }
.Ltmp1:
0xcd: {  	_ = 	snop;
	(pc) =	sbr.rel @p0 .LBB2_1-.Ltmp1, $3  }
0xce: {  	_ =	sdelay $0x1  }
0xcf: {  	[sflag:s28] =	ssyncset.done $0x0  }
0xd0: {  	[sflag:s28] =	ssyncadd.s32 $0xFFFFD800  }
0xd1: {  	_ =	sfence.sel $0x180000  }
0xd2: {  	[bflag:$0x0] =	sbarrier.arrive $0xFFFF  }
0xd3: {  	_ =	strace $0x90000047  }
0xd4: {  	s0 =	stileid.u32;
	[bflag:$0x2] =	sbarrier.arrive $0xFFFF  }
0xd5: {  	p0 =	sne.s32 s0, $0x0;
	s0 =	rddreg [dreg:$0x2]  }
0xd6: {  	s0 =	sadd.s32 @!p0 $0x100000, s0  }
0xd7: {  	[sflag:s0] =	ssyncadd.tile.s32 @!p0 $0x1;
	_ =	shalt  }
.Lfunc_end2:
_tile_overlayer_lowered:
.L_overlay_start_2:
0xd8: {  	(tag) =	ssettag $0x2  }
0xd9: {  	s0 =	rddreg [dreg:$0x0];
	s2 =	stileid.u32  }
0xda: {  	s1 =	rddreg [dreg:$0x1];
	p0 =	sne.s32 s2, $0x0  }
0xdb: {  	s3 =	rddreg [dreg:$0x2];
	[bflag:$0x3] =	sbarrier.arrive $0xFFFF;
	s2 =	simm.s32 @!p0 $0x1C09  }
0xdc: {  	[timem:s3], [sflag:s2] =	dma.local @!p0 [hbm:s0], s1  }
0xdd: {  	s0 =	simm.s32 @!p0 $0x9  }
0xde: {  	_ =	swait.ge @!p0 [sflag:s0], s1  }
0xdf: {  	s1 =	ssub.s32 @!p0 $0x0, s1;
	[sflag:s0] =	ssyncset.done @!p0 $0x0  }
0xe0: {  	[sflag:s0] =	ssyncadd.s32 @!p0 s1  }
0xe1: {  	[bflag:$0x3] =	sbarrier.arrive $0xFFFF  }
0xe2: {  	_ =	shalt  }

// kernel: kernel.9.cloned.1.call-start
scs
__scs_entry_jumppad:
0x0: {  	(pc) =	sbr.rel $0x88, $3  }
0x1: {  	(tag) =	ssettag $0x0;
	lr =	simm.s32 $0x1  }
0x2: {  	[smem:$0x3F8B] =	sst lr;
	_ =	strace $0xD0000000  }
0x3: {  	_ = 	snop  }
0x4: {  	_ = 	snop  }
0x5: {  	_ = 	snop  }
0x6: {  	_ = 	snop  }
0x7: {  	_ = 	snop  }
__scs_overlays_trampoline_lowered:
0x8: {  	[smem:$0x3F9A] =	sst s0  }
0x9: {  	[smem:$0x3F9B] =	sst s1  }
0xa: {  	[smem:$0x3F9C] =	sst s2  }
0xb: {  	[smem:$0x3F9D] =	sst s3  }
0xc: {  	[smem:$0x3F9E] =	sst s4  }
0xd: {  	[smem:$0x3F9F] =	sst s5  }
0xe: {  	[smem:$0x3FA0] =	sst s6  }
0xf: {  	[smem:$0x3FA1] =	sst s7  }
0x10: {  	[smem:$0x3FA2] =	sst s8  }
0x11: {  	[smem:$0x3FA3] =	sst s9;
	s0 =	simm.s32 @!p0 $0x0  }
0x12: {  	s1 =	sld [smem:$0x3F89];
	s0 =	simm.s32 @p0 $0x1  }
0x13: {  	[smem:$0x3FA4] =	sst s0;
	s0 =	simm.s32 @!p1 $0x0  }
0x14: {  	s2 =	sld [smem:$0x3F88];
	s0 =	simm.s32 @p1 $0x1  }
0x15: {  	[smem:$0x3FA5] =	sst s0;
	s0 =	simm.s32 @!p2 $0x0  }
0x16: {  	s3 =	sld [smem:$0x3FDB];
	s0 =	simm.s32 @p2 $0x1  }
0x17: {  	s4 =	simm.s32 $0x1BF5;
	[smem:$0x3FA7] =	sst s0  }
0x18: {  	s0 =	sld [smem:$0x3F8A];
	_ =	swait.ge [sflag:s4], $0x0  }
0x19: {  	s7 =	sld [smem:$0x3F8B]  }
0x1a: {  	s8 =	sadd.s32 $0xFFFFE003, lr  }
0x1b: {  	s9 =	sadd.s32 $0xFFFFFEF7, lr;
	s5 =	simm.s32 $0xFFFFFFFF;
	p2 =	slt.u32 s8, $0xFFFFF086  }
0x1c: {  	p1 =	slt.u32 s9, $0xF7A;
	s5 =	simm.s32 @!p2 $0x0  }
0x1d: {  	s5 =	simm.s32 @p1 $0x1;
	p0 =	seq.s32 s7, s2  }
0x1e: {  	s7 =	smul.u32 @!p0 $0xF7A, s2;
	p2 =	seq.s32 @!p0 s5, $0x0  }
0x1f: {  	s9 =	smul.u32 $0xF7A, s1;
	s8 =	simm.s32 @!p0 $0x1BF5;
	p2 =	por !p2, p0  }
0x20: {  	[sflag:s8] =	ssyncset.s32 @!p0 $0xFFFFF086;
	s6 =	sadd.s32 @!p0 s3, s7;
	s7 =	simm.s32 @!p0 $0x108  }
0x21: {  	s3 =	sadd.s32 s3, s9;
	s6 =	sadd.s32 @!p0 $0x88, s6;
	s7 =	simm.s32 @p2 $0x1082  }
0x22: {  	[simem:s7], [sflag:s8] =	dma.local @!p0 [hbm:s6], $0xF7A  }
0x23: {  	s9 =	sor.u32 $0xD0000000, s2;
	s6 =	simm.s32 $0x108;
	_ =	swait.ge @!p0 [sflag:s8], $0x0  }
0x24: {  	s3 =	sadd.s32 $0x88, s3;
	s6 =	simm.s32 @!p1 $0x1082;
	[sflag:s4] =	ssyncset.s32 $0xFFFFF086  }
0x25: {  	[simem:s6], [sflag:s4] =	dma.local [hbm:s3], $0xF7A  }
0x26: {  	[smem:$0x3F8B] =	sst s1;
	(tag) =	ssettag s2;
	_ =	strace s9  }
0x27: {  	s1 =	sld [smem:$0x3F9B]  }
0x28: {  	s2 =	sld [smem:$0x3F9C]  }
0x29: {  	s4 =	sld [smem:$0x3F9E]  }
0x2a: {  	p0 =	seq.s32 s5, $0x0;
	s5 =	sld [smem:$0x3F9F]  }
0x2b: {  	s6 =	sld [smem:$0x3FA0]  }
0x2c: {  	s7 =	sld [smem:$0x3FA1]  }
0x2d: {  	s3 =	simm.s32 $0x108;
	s8 =	sld [smem:$0x3FA2]  }
0x2e: {  	s3 =	simm.s32 @!p0 $0x1082;
	s9 =	sld [smem:$0x3FA3]  }
0x2f: {  	lr =	sadd.s32 s0, s3;
	s0 =	sld [smem:$0x3F9A]  }
0x30: {  	s3 =	sld [smem:$0x3F9D]  }
0x31: {  	[smem:$0x3FA6] =	sst s10  }
0x32: {  	s10 =	sld [smem:$0x3FA4];
	_ =	sdelay $0x3  }
0x33: {  	p0 =	seq.s32 s10, $0x1;
	s10 =	sld [smem:$0x3FA6];
	_ =	sdelay $0x3  }
0x34: {  	[smem:$0x3FA6] =	sst s10  }
0x35: {  	s10 =	sld [smem:$0x3FA5];
	_ =	sdelay $0x3  }
0x36: {  	p1 =	seq.s32 s10, $0x1;
	s10 =	sld [smem:$0x3FA6];
	_ =	sdelay $0x3  }
0x37: {  	[smem:$0x3FA6] =	sst s10  }
0x38: {  	s10 =	sld [smem:$0x3FA7]  }
0x39: {  	_ = 	snop;
	(pc) =	sbr.ind lr, $3  }
0x3a: {  	_ = 	snop  }
0x3b: {  	_ = 	snop  }
0x3c: {  	p2 =	seq.s32 s10, $0x1;
	s10 =	sld [smem:$0x3FA6]  }
0x3d: {  	_ =	shalt  }
0x3e: {  	_ =	shalt  }
0x3f: {  	_ =	shalt  }
0x40: {  	_ =	shalt  }
0x41: {  	_ =	shalt  }
0x42: {  	_ =	shalt  }
0x43: {  	_ =	shalt  }
0x44: {  	_ =	shalt  }
0x45: {  	_ =	shalt  }
0x46: {  	_ =	shalt  }
0x47: {  	_ =	shalt  }
0x48: {  	_ =	shalt  }
0x49: {  	_ =	shalt  }
0x4a: {  	_ =	shalt  }
0x4b: {  	_ =	shalt  }
0x4c: {  	_ =	shalt  }
0x4d: {  	_ =	shalt  }
0x4e: {  	_ =	shalt  }
0x4f: {  	_ =	shalt  }
0x50: {  	_ =	shalt  }
0x51: {  	_ =	shalt  }
0x52: {  	_ =	shalt  }
0x53: {  	_ =	shalt  }
0x54: {  	_ =	shalt  }
0x55: {  	_ =	shalt  }
0x56: {  	_ =	shalt  }
0x57: {  	_ =	shalt  }
0x58: {  	_ =	shalt  }
0x59: {  	_ =	shalt  }
0x5a: {  	_ =	shalt  }
0x5b: {  	_ =	shalt  }
0x5c: {  	_ =	shalt  }
0x5d: {  	_ =	shalt  }
0x5e: {  	_ =	shalt  }
0x5f: {  	_ =	shalt  }
0x60: {  	_ =	shalt  }
0x61: {  	_ =	shalt  }
0x62: {  	_ =	shalt  }
0x63: {  	_ =	shalt  }
0x64: {  	_ =	shalt  }
0x65: {  	_ =	shalt  }
0x66: {  	_ =	shalt  }
0x67: {  	_ =	shalt  }
0x68: {  	_ =	shalt  }
0x69: {  	_ =	shalt  }
0x6a: {  	_ =	shalt  }
0x6b: {  	_ =	shalt  }
0x6c: {  	_ =	shalt  }
0x6d: {  	_ =	shalt  }
0x6e: {  	_ =	shalt  }
0x6f: {  	_ =	shalt  }
0x70: {  	_ =	shalt  }
0x71: {  	_ =	shalt  }
0x72: {  	_ =	shalt  }
0x73: {  	_ =	shalt  }
0x74: {  	_ =	shalt  }
0x75: {  	_ =	shalt  }
0x76: {  	_ =	shalt  }
0x77: {  	_ =	shalt  }
0x78: {  	_ =	shalt  }
0x79: {  	_ =	shalt  }
0x7a: {  	_ =	shalt  }
0x7b: {  	_ =	shalt  }
0x7c: {  	_ =	shalt  }
0x7d: {  	_ =	shalt  }
0x7e: {  	_ =	shalt  }
0x7f: {  	_ =	shalt  }
0x80: {  	_ =	shalt  }
0x81: {  	_ =	shalt  }
0x82: {  	_ =	shalt  }
0x83: {  	_ =	shalt  }
0x84: {  	_ =	shalt  }
0x85: {  	_ =	shalt  }
0x86: {  	_ =	shalt  }
0x87: {  	_ =	shalt  }
.Lfunc_end0:
.L_simem_size_0:
called_computation.1_lowered:
.L_overlay_start_0:
0x88: {  	s2 =	sld [smem:$0x3FD9]  }
0x89: {  	s3 =	sld [smem:$0x3FFE];
	_ =	sdelay $0x1  }
0x8a: {  	s1 =	srdreg.scid  }
0x8b: {  	s0 =	sand.u32 $0x1, s1  }
0x8c: {  	s16 =	sshll.u32 s0, $0xA;
	s2 =	sadd.s32 s3, s2  }
0x8d: {  	s2 =	sadd.s32 s2, s16  }
0x8e: {  	[smem:$0x3FB2] =	sst s2  }
0x8f: {  	_ = 	snop  }
0x90: {  	(tm) =	ssettm $0x1  }
0x91: {  	s17 =	sld [smem:$0x3FFB];
	_ =	sdelay $0x3  }
0x92: {  	_ =	strace s17  }
0x93: {  	s2 =	sld [smem:$0x3FFC];
	_ =	sdelay $0x3  }
0x94: {  	_ =	strace s2  }
0x95: {  	s2 =	sld [smem:$0x3FFD];
	_ =	sdelay $0x3  }
0x96: {  	_ =	strace s2  }
0x97: {  	_ =	strace $0x8FFFFFFF  }
0x98: {  	s18 =	sld [smem:$0x3FDB];
	_ =	sdelay $0x1  }
0x99: {  	s19 =	simm.s32 $_scs_section_size  }
0x9a: {  	s4 =	simm.s32 $_size__tile_overlayer_lowered;
	s5 =	simm.s32 $_tile_overlayer_lowered  }
0x9b: {  	s22 =	simm.s32 $0x1BFF;
	s21 =	sshll.u32 s5, $0x1;
	s2 =	sadd.s32 s19, s18  }
0x9c: {  	s6 =	simm.s32 $0x0;
	s20 =	sshll.u32 s4, $0x1;
	s4 =	sadd.s32 s21, s2  }
0x9d: {  	[timem:s6], [sflag:s22] =	dma.local [hbm:s4], s20  }
0x9e: {  	_ =	swait.ge [sflag:s22], s20  }
0x9f: {  	s3 =	ssub.s32 $0x0, s20;
	[sflag:s22] =	ssyncset.done $0x0  }
0xa0: {  	[sflag:s22] =	ssyncadd.s32 s3;
	_ =	sdelay $0x1  }
0xa1: {  	s23 =	simm.s32 $0x1B8B  }
0xa2: {  	_ =	swait.ge [sflag:s23], $0x1  }
0xa3: {  	[sflag:s23] =	ssyncset.done $0x0  }
0xa4: {  	s25 =	simm.s32 $0x1B8E;
	s24 =	sld [smem:$0x3FFE];
	[sflag:s23] =	ssyncadd.s32 $0xFFFFFFFF  }
0xa5: {  	s26 =	simm.s32 $execute0_lowered;
	[smem:$0x3FD2] =	sst s25  }
0xa6: {  	s4 =	sshll.u32 s26, $0x1;
	_ =	strace $0x80000049;
	[dreg:$0x1] =	wrdreg $0xFFFFFFFF  }
0xa7: {  	s28 =	simm.s32 $_size_execute0_lowered;
	s2 =	sadd.s32 s2, s4;
	[dreg:$0x0] =	wrdreg $0x0  }
0xa8: {  	s4 =	sshll.u32 s28, $0x1;
	[dreg:$0x2] =	wrdreg s2  }
0xa9: {  	[dreg:$0x3] =	wrdreg s4  }
0xaa: {  	[dreg:$0x4] =	wrdreg $0xC0  }
0xab: {  	_ =	task [dreg:s6], $0x5FFFF  }
0xac: {  	[dreg:$0x1] =	wrdreg $0xFFFFFFFF  }
0xad: {  	[dreg:$0x0] =	wrdreg $0x60  }
0xae: {  	[dreg:$0x2] =	wrdreg s24  }
0xaf: {  	[dreg:$0x3] =	wrdreg $0x41000  }
0xb0: {  	[dreg:$0x4] =	wrdreg $0x9  }
0xb1: {  	_ =	task.clear_ibuf [dreg:s6], $0x5FFFF;
	_ =	strace $0x90000049  }
0xb2: {  	s29 =	simm.s32 $0x9;
	_ =	strace $0x8000004B  }
0xb3: {  	_ =	swait.ge [sflag:s29], $0x1  }
0xb4: {  	[sflag:s29] =	ssyncadd.s32 $0xFFFFFFFF  }
0xb5: {  	_ =	strace $0x9000004B  }
0xb6: {  	_ =	sfence  }
0xb7: {  	s30 =	sld [smem:$0x0];
	_ =	sdelay $0x2  }
0xb8: {  	s31 =	sshll.u32 s1, $0xD;
	s1 =	sshrl.u32 s1, $0x2  }
0xb9: {  	s3 =	sand.u32 $0x4000, s31;
	s1 =	sadd.s32 s1, s30  }
0xba: {  	s0 =	sor.u32 s3, s0;
	s1 =	sshll.u32 s1, $0x11  }
0xbb: {  	s0 =	sor.u32 s1, s0  }
0xbc: {  	s0 =	sadd.s32 $0x8F2B, s0  }
0xbd: {  	[sflag:s0] =	ssyncadd.remote.s32 $0x1  }
0xbe: {  	_ =	sfence.sel $0xFFFF  }
0xbf: {  	[dreg:$0x0] =	wrdreg $0xFFFFFFFF;
	(pc) =	sbr.abs _section_cstart, $3  }
0xc0: {  	[dreg:$0x1] =	wrdreg $0xFFFFFFFF  }
0xc1: {  	_ =	task.clear_ibuf [dreg:s6], $0x2FFFF;
	_ =	strace $0x9FFFFFFF  }
0xc2: {  	(tm) =	ssettm $0x7FFFFFFF  }
0xc3: {  	_ =	shalt  }
tec
execute0_lowered:
.L_overlay_start_1:
0x0: {  	(tag) =	ssettag $0x1  }
0x1: {  	s0 =	rddreg [dreg:$0x0]  }
0x2: {  	s1 =	srdreg.scid;
	s11 =	stileid.u32  }
0x3: {  	s2 =	rddreg [dreg:$0x1];
	s3 =	simm.s32 $0x0;
	s28 =	simm.s32 $0x3F80  }
0x4: {  	s29 =	simm.s32 $0x1;
	s30 =	simm.s32 $0x80;
	s31 =	simm.s32 $0x4000  }
0x5: {  	s1 =	sand.u32 $0x1, s1;
	s4 =	sshll.u32 s11, $0x1;
	s6 =	smul.u32 $0x500, s11  }
0x6: {  	[smem:$0x7FF] =	sst s3;
	s9 =	sadd.s32 $0xDE00, s0;
	s10 =	smul.u32 $0xA00, s11  }
0x7: {  	s12 =	sadd.s32 $0x68A00, s0;
	s13 =	smul.u32 $0x5000, s11;
	s4 =	sor.u32 s1, s4  }
0x8: {  	_ =	strace $0x8000004A;
	s7 =	sshll.u32 s1, $0x7;
	s25 =	ssub.s32 $0x2, s1  }
0x9: {  	[dreg:$0x3] =	wrdreg s12;
	s12 =	sshll.u32 s11, $0x6;
	s1 =	smul.u32 $0x2800, s1  }
0xa: {  	s11 =	simm.s32 $0x8;
	s5 =	smul.u32 $0x2800, s4;
	s4 =	sadd.s32 $0x68400, s0  }
0xb: {  	s6 =	sor.u32 s7, s6;
	s26 =	sshrl.u32 s25, $0x1;
	s10 =	sshrl.u32 s10, $0x2  }
0xc: {  	s14 =	sor.u32 $0x1C09, s12;
	s12 =	simm.s32 $0x4;
	s6 =	sshrl.u32 s6, $0x3  }
0xd: {  	s7 =	sadd.s32 s10, s2;
	s1 =	sadd.s32 s1, s13;
	s5 =	sshrl.u32 s5, $0x3  }
0xe: {  	s10 =	simm.s32 $0x3;
	s8 =	sadd.s32 s5, s0;
	s5 =	sadd.s32 s9, s5  }
0xf: {  	s13 =	simm.s32 $0x0;
	s8 =	sadd.s32 $0x3800, s8;
	[dreg:$0x5] =	wrdreg s5  }
0x10: {  	s21 =	sor.u32 $0x480, s1;
	s15 =	sadd.s32 $0x10, s5;
	[dreg:$0x4] =	wrdreg s8  }
0x11: {  	s24 =	sor.u32 $0x400, s1;
	s16 =	sadd.s32 $0x20, s5;
	[dreg:$0x6] =	wrdreg s15  }
0x12: {  	s0 =	sadd.s32 s6, s0;
	s17 =	sadd.s32 $0x30, s5;
	[dreg:$0x7] =	wrdreg s16  }
0x13: {  	s6 =	ssub.s32 s25, s26;
	s18 =	sadd.s32 $0x40, s5;
	[dreg:$0x8] =	wrdreg s17  }
0x14: {  	s23 =	sshrl.u32 s21, $0x3;
	s19 =	sadd.s32 $0x50, s5;
	[dreg:$0x9] =	wrdreg s18  }
0x15: {  	s25 =	sor.u32 $0x380, s1;
	s20 =	sadd.s32 $0x4E0, s5;
	[dreg:$0xa] =	wrdreg s19  }
0x16: {  	s1 =	sor.u32 $0x300, s1;
	s5 =	sadd.s32 $0x4F0, s5;
	[dreg:$0xb] =	wrdreg s20  }
0x17: {  	s0 =	sadd.s32 $0x68C00, s0;
	s22 =	smax.u32 s6, $0x1;
	[dreg:$0xc] =	wrdreg s5  }
0x18: {  	s26 =	sshrl.u32 s1, $0x3;
	s1 =	simm.s32 $0x5;
	[dreg:$0xd] =	wrdreg s0  }
0x19: {  	[dreg:$0xe] =	wrdreg s22;
	s0 =	sadd.s32 s23, s9;
	s5 =	sshrl.u32 s25, $0x3  }
0x1a: {  	s21 =	sadd.s32 s26, s9;
	s22 =	sshrl.u32 s7, $0x3;
	s23 =	simm.s32 $0x9  }
0x1b: {  	s25 =	simm.s32 $0x3E80;
	s26 =	simm.s32 $0x3F00;
	s7 =	simm.s32 $0x6  }
0x1c: {  	[dreg:$0xf] =	wrdreg s0;
	s0 =	sshrl.u32 s24, $0x3;
	s20 =	sadd.s32 s5, s9  }
0x1d: {  	s24 =	simm.s32 $0x3E00;
	s5 =	simm.s32 $0x4080;
	s0 =	sadd.s32 s0, s9  }
0x1e: {  	s9 =	simm.s32 $0x7;
	[dreg:$0x10] =	wrdreg s0;
	s0 =	simm.s32 $0x2  }
.LBB2_1:
0x1f: {  	s6 =	rddreg [dreg:$0x3]  }
0x20: {  	[spmem:s22], [sflag:s14] =	dma.local [hbm:s6], $0x50  }
0x21: {  	_ =	swait.ge [sflag:s23], $0x50  }
0x22: {  	[sflag:s23] =	ssyncset.done $0x0  }
0x23: {  	[sflag:s23] =	ssyncadd.s32 $0xFFFFFFB0  }
0x24: {  	[bflag:$0x0] =	sbarrier.arrive $0xFFFF  }
0x25: {  	s17 =	rddreg [dreg:$0x4]  }
0x26: {  	[tilespmem:s3], [sflag:$0x9] =	stream.linear.gather [hbm4b:s17+s3], $0x3E00, $0x38;
	[tilespmem:$0x4380] =	vst v63  }
0x27: {  	_ =	swait.ge [sflag:s23], $0x3E00  }
0x28: {  	[sflag:s23] =	ssyncset.done $0x0  }
0x29: {  	s18 =	rddreg [dreg:$0x5];
	[sflag:s23] =	ssyncadd.s32 $0xFFFFC200  }
0x2a: {  	[tilespmem:s24], [sflag:$0x1] =	stream.linear.gather [hbm4b:s18+s3], $0x80, $0x38;
	[tilespmem:$0x4380] =	vst v63  }
0x2b: {  	s8 =	rddreg [dreg:$0x6]  }
0x2c: {  	[tilespmem:s25], [sflag:$0x2] =	stream.linear.gather [hbm4b:s8+s3], $0x80, $0x38;
	[tilespmem:$0x4380] =	vst v63  }
0x2d: {  	s19 =	smov.u32 s14;
	s14 =	rddreg [dreg:$0x7]  }
0x2e: {  	[tilespmem:s26], [sflag:$0x3] =	stream.linear.gather [hbm4b:s14+s3], $0x80, $0x38;
	[tilespmem:$0x4380] =	vst v63  }
0x2f: {  	s15 =	rddreg [dreg:$0x8]  }
0x30: {  	[tilespmem:s28], [sflag:$0x4] =	stream.linear.gather [hbm4b:s15+s3], $0x80, $0x38;
	[tilespmem:$0x4380] =	vst v63  }
0x31: {  	_ =	swait.ge [sflag:s29], $0x80  }
0x32: {  	[sflag:s29] =	ssyncset.done $0x0  }
0x33: {  	[sflag:s29] =	ssyncadd.s32 $0xFFFFFF80  }
0x34: {  	[tilespmem:s31], [sflag:$0x5] =	stream.indirect.gather [hbm4b:s4+s30], $0x1, s3, s30, $0xb8;
	[tilespmem:$0x4380] =	vst v63  }
0x35: {  	_ =	swait.ge [sflag:s1], $0x80  }
0x36: {  	[sflag:s1] =	ssyncset.done $0x0  }
0x37: {  	[sflag:s1] =	ssyncadd.s32 $0xFFFFFF80  }
0x38: {  	[spmem:s2] =	stream.indirect.scatter.add.f32 [tilespmem:s31], [sflag:$0x7], $0x1, s24, s30, $0xb8;
	[tilespmem:$0x4380] =	vst v63  }
0x39: {  	_ =	swait.ge [sflag:s0], $0x80  }
0x3a: {  	[sflag:s0] =	ssyncset.done $0x0  }
0x3b: {  	[sflag:s0] =	ssyncadd.s32 $0xFFFFFF80  }
0x3c: {  	[tilespmem:s5], [sflag:$0x6] =	stream.indirect.gather [hbm4b:s4+s30], $0x1, s30, s30, $0xb8;
	[tilespmem:$0x4380] =	vst v63  }
0x3d: {  	_ =	swait.ge [sflag:s7], $0x80  }
0x3e: {  	[sflag:s7] =	ssyncset.done $0x0  }
0x3f: {  	[sflag:s7] =	ssyncadd.s32 $0xFFFFFF80  }
0x40: {  	[spmem:s2] =	stream.indirect.scatter.add.f32 [tilespmem:s5], [sflag:$0x8], $0x1, s25, s30, $0xb8;
	[tilespmem:$0x4380] =	vst v63  }
0x41: {  	_ =	swait.ge [sflag:s9], $0x80  }
0x42: {  	[sflag:s9] =	ssyncset.done $0x0  }
0x43: {  	s16 =	rddreg [dreg:$0x9];
	[sflag:s9] =	ssyncadd.s32 $0xFFFFFF80  }
0x44: {  	[tilespmem:s24], [sflag:$0x1] =	stream.linear.gather [hbm4b:s16+s3], $0x80, $0x38;
	[tilespmem:$0x4380] =	vst v63  }
0x45: {  	_ =	swait.ge [sflag:s10], $0x80  }
0x46: {  	[sflag:s10] =	ssyncset.done $0x0  }
0x47: {  	s17 =	simm.s32 $0x100;
	[sflag:s10] =	ssyncadd.s32 $0xFFFFFF80  }
0x48: {  	[tilespmem:s31], [sflag:$0x5] =	stream.indirect.gather [hbm4b:s4+s30], $0x1, s17, s30, $0xb8;
	[tilespmem:$0x4380] =	vst v63  }
0x49: {  	_ =	swait.ge [sflag:s1], $0x80  }
0x4a: {  	[sflag:s1] =	ssyncset.done $0x0  }
0x4b: {  	[sflag:s1] =	ssyncadd.s32 $0xFFFFFF80  }
0x4c: {  	[spmem:s2] =	stream.indirect.scatter.add.f32 [tilespmem:s31], [sflag:$0x7], $0x1, s26, s30, $0xb8;
	[tilespmem:$0x4380] =	vst v63  }
0x4d: {  	_ =	swait.ge [sflag:s11], $0x80  }
0x4e: {  	[sflag:s11] =	ssyncset.done $0x0  }
0x4f: {  	s18 =	rddreg [dreg:$0xa];
	[sflag:s11] =	ssyncadd.s32 $0xFFFFFF80  }
0x50: {  	[tilespmem:s25], [sflag:$0x2] =	stream.linear.gather [hbm4b:s18+s3], $0x80, $0x38;
	[tilespmem:$0x4380] =	vst v63  }
0x51: {  	_ =	swait.ge [sflag:s12], $0x80  }
0x52: {  	[sflag:s12] =	ssyncset.done $0x0  }
0x53: {  	s8 =	simm.s32 $0x180;
	[sflag:s12] =	ssyncadd.s32 $0xFFFFFF80  }
0x54: {  	[tilespmem:s5], [sflag:$0x6] =	stream.indirect.gather [hbm4b:s4+s30], $0x1, s8, s30, $0xb8;
	[tilespmem:$0x4380] =	vst v63  }
0x55: {  	_ =	swait.ge [sflag:s7], $0x80  }
0x56: {  	[sflag:s7] =	ssyncset.done $0x0  }
0x57: {  	[sflag:s7] =	ssyncadd.s32 $0xFFFFFF80  }
0x58: {  	[spmem:s2] =	stream.indirect.scatter.add.f32 [tilespmem:s5], [sflag:$0x8], $0x1, s28, s30, $0xb8;
	[tilespmem:$0x4380] =	vst v63  }
0x59: {  	_ =	swait.ge [sflag:s9], $0x80  }
0x5a: {  	[sflag:s9] =	ssyncset.done $0x0  }
0x5b: {  	[sflag:s9] =	ssyncadd.s32 $0xFFFFFF80  }
0x5c: {  	[tilespmem:s26], [sflag:$0x3] =	stream.linear.gather [hbm4b:s21+s3], $0x80, $0x38;
	[tilespmem:$0x4380] =	vst v63  }
0x5d: {  	_ =	swait.ge [sflag:s29], $0x80  }
0x5e: {  	[sflag:s29] =	ssyncset.done $0x0  }
0x5f: {  	s14 =	simm.s32 $0x200;
	[sflag:s29] =	ssyncadd.s32 $0xFFFFFF80  }
0x60: {  	[tilespmem:s31], [sflag:$0x5] =	stream.indirect.gather [hbm4b:s4+s30], $0x1, s14, s30, $0xb8;
	[tilespmem:$0x4380] =	vst v63  }
0x61: {  	_ =	swait.ge [sflag:s1], $0x80  }
0x62: {  	[sflag:s1] =	ssyncset.done $0x0  }
0x63: {  	[sflag:s1] =	ssyncadd.s32 $0xFFFFFF80  }
0x64: {  	[spmem:s2] =	stream.indirect.scatter.add.f32 [tilespmem:s31], [sflag:$0x7], $0x1, s24, s30, $0xb8;
	[tilespmem:$0x4380] =	vst v63  }
0x65: {  	_ =	swait.ge [sflag:s11], $0x80  }
0x66: {  	[sflag:s11] =	ssyncset.done $0x0  }
0x67: {  	[sflag:s11] =	ssyncadd.s32 $0xFFFFFF80  }
0x68: {  	[tilespmem:s28], [sflag:$0x4] =	stream.linear.gather [hbm4b:s20+s3], $0x80, $0x38;
	[tilespmem:$0x4380] =	vst v63  }
0x69: {  	_ =	swait.ge [sflag:s0], $0x80  }
0x6a: {  	[sflag:s0] =	ssyncset.done $0x0  }
0x6b: {  	s15 =	simm.s32 $0x280;
	[sflag:s0] =	ssyncadd.s32 $0xFFFFFF80  }
0x6c: {  	[tilespmem:s5], [sflag:$0x6] =	stream.indirect.gather [hbm4b:s4+s30], $0x1, s15, s30, $0xb8;
	[tilespmem:$0x4380] =	vst v63  }
0x6d: {  	_ =	swait.ge [sflag:s7], $0x80  }
0x6e: {  	[sflag:s7] =	ssyncset.done $0x0  }
0x6f: {  	[sflag:s7] =	ssyncadd.s32 $0xFFFFFF80  }
0x70: {  	[spmem:s2] =	stream.indirect.scatter.add.f32 [tilespmem:s5], [sflag:$0x8], $0x1, s25, s30, $0xb8;
	[tilespmem:$0x4380] =	vst v63  }
0x71: {  	_ =	swait.ge [sflag:s9], $0x80  }
0x72: {  	[sflag:s9] =	ssyncset.done $0x0  }
0x73: {  	s18 =	rddreg [dreg:$0x10];
	[sflag:s9] =	ssyncadd.s32 $0xFFFFFF80  }
0x74: {  	[tilespmem:s24], [sflag:$0x1] =	stream.linear.gather [hbm4b:s18+s3], $0x80, $0x38;
	[tilespmem:$0x4380] =	vst v63  }
0x75: {  	_ =	swait.ge [sflag:s10], $0x80  }
0x76: {  	[sflag:s10] =	ssyncset.done $0x0  }
0x77: {  	s16 =	simm.s32 $0x300;
	[sflag:s10] =	ssyncadd.s32 $0xFFFFFF80  }
0x78: {  	[tilespmem:s31], [sflag:$0x5] =	stream.indirect.gather [hbm4b:s4+s30], $0x1, s16, s30, $0xb8;
	[tilespmem:$0x4380] =	vst v63  }
0x79: {  	_ =	swait.ge [sflag:s1], $0x80  }
0x7a: {  	[sflag:s1] =	ssyncset.done $0x0  }
0x7b: {  	[sflag:s1] =	ssyncadd.s32 $0xFFFFFF80  }
0x7c: {  	[spmem:s2] =	stream.indirect.scatter.add.f32 [tilespmem:s31], [sflag:$0x7], $0x1, s26, s30, $0xb8;
	[tilespmem:$0x4380] =	vst v63  }
0x7d: {  	_ =	swait.ge [sflag:s11], $0x80  }
0x7e: {  	[sflag:s11] =	ssyncset.done $0x0  }
0x7f: {  	s8 =	rddreg [dreg:$0xf];
	[sflag:s11] =	ssyncadd.s32 $0xFFFFFF80  }
0x80: {  	[tilespmem:s25], [sflag:$0x2] =	stream.linear.gather [hbm4b:s8+s3], $0x80, $0x38;
	[tilespmem:$0x4380] =	vst v63  }
0x81: {  	_ =	swait.ge [sflag:s12], $0x80  }
0x82: {  	[sflag:s12] =	ssyncset.done $0x0  }
0x83: {  	s17 =	simm.s32 $0x380;
	[sflag:s12] =	ssyncadd.s32 $0xFFFFFF80  }
0x84: {  	[tilespmem:s5], [sflag:$0x6] =	stream.indirect.gather [hbm4b:s4+s30], $0x1, s17, s30, $0xb8;
	[tilespmem:$0x4380] =	vst v63  }
0x85: {  	s14 =	simm.s32 $0x800;
	_ =	swait.ge [sflag:s7], $0x80  }
0x86: {  	s15 =	sadd.s32 $0x40, s20;
	s16 =	sadd.s32 $0x40, s21;
	[sflag:s7] =	ssyncset.done $0x0  }
0x87: {  	s17 =	sadd.s32 $0x40, s8;
	s8 =	sadd.s32 $0x40, s18;
	[sflag:s7] =	ssyncadd.s32 $0xFFFFFF80  }
.LBB2_2:
0x88: {  	[spmem:s2] =	stream.indirect.scatter.add.f32 [tilespmem:s5], [sflag:$0x8], $0x1, s28, s30, $0xb8;
	[tilespmem:$0x4380] =	vst v63  }
0x89: {  	s6 =	smov.u32 s14  }
0x8a: {  	p0 =	sne.s32 s14, $0x8800;
	s14 =	sadd.s32 $0x800, s14;
	_ =	swait.ge [sflag:s9], $0x80  }
0x8b: {  	[sflag:s9] =	ssyncset.done $0x0  }
0x8c: {  	[sflag:s9] =	ssyncadd.s32 $0xFFFFFF80  }
0x8d: {  	[tilespmem:s26], [sflag:$0x3] =	stream.linear.gather [hbm4b:s16+s3], $0x80, $0x38;
	[tilespmem:$0x4380] =	vst v63  }
0x8e: {  	_ =	swait.ge [sflag:s29], $0x80  }
0x8f: {  	s6 =	sshra.s32 s6, $0x2;
	[sflag:s29] =	ssyncset.done $0x0  }
0x90: {  	s18 =	sadd.s32 $0x200, s6;
	[sflag:s29] =	ssyncadd.s32 $0xFFFFFF80  }
0x91: {  	[tilespmem:s31], [sflag:$0x5] =	stream.indirect.gather [hbm4b:s4+s30], $0x1, s18, s30, $0xb8;
	[tilespmem:$0x4380] =	vst v63  }
0x92: {  	_ =	swait.ge [sflag:s1], $0x80  }
0x93: {  	[sflag:s1] =	ssyncset.done $0x0  }
0x94: {  	[sflag:s1] =	ssyncadd.s32 $0xFFFFFF80  }
0x95: {  	[spmem:s2] =	stream.indirect.scatter.add.f32 [tilespmem:s31], [sflag:$0x7], $0x1, s24, s30, $0xb8;
	[tilespmem:$0x4380] =	vst v63  }
0x96: {  	_ =	swait.ge [sflag:s11], $0x80  }
0x97: {  	[sflag:s11] =	ssyncset.done $0x0  }
0x98: {  	[sflag:s11] =	ssyncadd.s32 $0xFFFFFF80  }
0x99: {  	[tilespmem:s28], [sflag:$0x4] =	stream.linear.gather [hbm4b:s15+s3], $0x80, $0x38;
	[tilespmem:$0x4380] =	vst v63  }
0x9a: {  	_ =	swait.ge [sflag:s0], $0x80  }
0x9b: {  	[sflag:s0] =	ssyncset.done $0x0  }
0x9c: {  	s18 =	sadd.s32 $0x280, s6;
	[sflag:s0] =	ssyncadd.s32 $0xFFFFFF80  }
0x9d: {  	[tilespmem:s5], [sflag:$0x6] =	stream.indirect.gather [hbm4b:s4+s30], $0x1, s18, s30, $0xb8;
	[tilespmem:$0x4380] =	vst v63  }
0x9e: {  	_ =	swait.ge [sflag:s7], $0x80  }
0x9f: {  	[sflag:s7] =	ssyncset.done $0x0  }
0xa0: {  	[sflag:s7] =	ssyncadd.s32 $0xFFFFFF80  }
0xa1: {  	[spmem:s2] =	stream.indirect.scatter.add.f32 [tilespmem:s5], [sflag:$0x8], $0x1, s25, s30, $0xb8;
	[tilespmem:$0x4380] =	vst v63  }
0xa2: {  	_ =	swait.ge [sflag:s9], $0x80  }
0xa3: {  	[sflag:s9] =	ssyncset.done $0x0  }
0xa4: {  	[sflag:s9] =	ssyncadd.s32 $0xFFFFFF80  }
0xa5: {  	[tilespmem:s24], [sflag:$0x1] =	stream.linear.gather [hbm4b:s8+s3], $0x80, $0x38;
	[tilespmem:$0x4380] =	vst v63  }
0xa6: {  	_ =	swait.ge [sflag:s10], $0x80  }
0xa7: {  	[sflag:s10] =	ssyncset.done $0x0  }
0xa8: {  	s18 =	sadd.s32 $0x300, s6;
	[sflag:s10] =	ssyncadd.s32 $0xFFFFFF80  }
0xa9: {  	[tilespmem:s31], [sflag:$0x5] =	stream.indirect.gather [hbm4b:s4+s30], $0x1, s18, s30, $0xb8;
	[tilespmem:$0x4380] =	vst v63  }
0xaa: {  	_ =	swait.ge [sflag:s1], $0x80  }
0xab: {  	[sflag:s1] =	ssyncset.done $0x0  }
0xac: {  	[sflag:s1] =	ssyncadd.s32 $0xFFFFFF80  }
0xad: {  	[spmem:s2] =	stream.indirect.scatter.add.f32 [tilespmem:s31], [sflag:$0x7], $0x1, s26, s30, $0xb8;
	[tilespmem:$0x4380] =	vst v63  }
0xae: {  	_ =	swait.ge [sflag:s11], $0x80  }
0xaf: {  	[sflag:s11] =	ssyncset.done $0x0  }
0xb0: {  	[sflag:s11] =	ssyncadd.s32 $0xFFFFFF80  }
0xb1: {  	[tilespmem:s25], [sflag:$0x2] =	stream.linear.gather [hbm4b:s17+s3], $0x80, $0x38;
	[tilespmem:$0x4380] =	vst v63  }
0xb2: {  	_ =	swait.ge [sflag:s12], $0x80  }
0xb3: {  	[sflag:s12] =	ssyncset.done $0x0  }
.Ltmp0:
0xb4: {  	s6 =	sadd.s32 $0x380, s6;
	[sflag:s12] =	ssyncadd.s32 $0xFFFFFF80;
	(pc) =	sbr.rel @p0 .LBB2_2-.Ltmp0, $4  }
0xb5: {  	[tilespmem:s5], [sflag:$0x6] =	stream.indirect.gather [hbm4b:s4+s30], $0x1, s6, s30, $0xb8;
	[tilespmem:$0x4380] =	vst v63  }
0xb6: {  	_ =	swait.ge [sflag:s7], $0x80  }
0xb7: {  	s16 =	sadd.s32 $0x40, s16;
	s15 =	sadd.s32 $0x40, s15;
	[sflag:s7] =	ssyncset.done $0x0  }
0xb8: {  	s8 =	sadd.s32 $0x40, s8;
	s17 =	sadd.s32 $0x40, s17;
	[sflag:s7] =	ssyncadd.s32 $0xFFFFFF80  }
0xb9: {  	[spmem:s2] =	stream.indirect.scatter.add.f32 [tilespmem:s5], [sflag:$0x8], $0x1, s28, s30, $0xb8;
	[tilespmem:$0x4380] =	vst v63  }
0xba: {  	_ =	swait.ge [sflag:s9], $0x80  }
0xbb: {  	[sflag:s9] =	ssyncset.done $0x0  }
0xbc: {  	s6 =	rddreg [dreg:$0xb];
	[sflag:s9] =	ssyncadd.s32 $0xFFFFFF80  }
0xbd: {  	[tilespmem:s26], [sflag:$0x3] =	stream.linear.gather [hbm4b:s6+s3], $0x80, $0x38;
	[tilespmem:$0x4380] =	vst v63  }
0xbe: {  	_ =	swait.ge [sflag:s29], $0x80  }
0xbf: {  	[sflag:s29] =	ssyncset.done $0x0  }
0xc0: {  	s8 =	simm.s32 $0x2600;
	[sflag:s29] =	ssyncadd.s32 $0xFFFFFF80  }
0xc1: {  	[tilespmem:s31], [sflag:$0x5] =	stream.indirect.gather [hbm4b:s4+s30], $0x1, s8, s30, $0xb8;
	[tilespmem:$0x4380] =	vst v63  }
0xc2: {  	_ =	swait.ge [sflag:s1], $0x80  }
0xc3: {  	[sflag:s1] =	ssyncset.done $0x0  }
0xc4: {  	[sflag:s1] =	ssyncadd.s32 $0xFFFFFF80  }
0xc5: {  	[spmem:s2] =	stream.indirect.scatter.add.f32 [tilespmem:s31], [sflag:$0x7], $0x1, s24, s30, $0xb8;
	[tilespmem:$0x4380] =	vst v63  }
0xc6: {  	_ =	swait.ge [sflag:s11], $0x80  }
0xc7: {  	[sflag:s11] =	ssyncset.done $0x0  }
0xc8: {  	s14 =	rddreg [dreg:$0xc];
	[sflag:s11] =	ssyncadd.s32 $0xFFFFFF80  }
0xc9: {  	[tilespmem:s28], [sflag:$0x4] =	stream.linear.gather [hbm4b:s14+s3], $0x80, $0x38;
	[tilespmem:$0x4380] =	vst v63  }
0xca: {  	_ =	swait.ge [sflag:s0], $0x80  }
0xcb: {  	[sflag:s0] =	ssyncset.done $0x0  }
0xcc: {  	s15 =	simm.s32 $0x2680;
	[sflag:s0] =	ssyncadd.s32 $0xFFFFFF80  }
0xcd: {  	[tilespmem:s5], [sflag:$0x6] =	stream.indirect.gather [hbm4b:s4+s30], $0x1, s15, s30, $0xb8;
	[tilespmem:$0x4380] =	vst v63  }
0xce: {  	_ =	swait.ge [sflag:s7], $0x80  }
0xcf: {  	[sflag:s7] =	ssyncset.done $0x0  }
0xd0: {  	[sflag:s7] =	ssyncadd.s32 $0xFFFFFF80  }
0xd1: {  	[spmem:s2] =	stream.indirect.scatter.add.f32 [tilespmem:s5], [sflag:$0x8], $0x1, s25, s30, $0xb8;
	[tilespmem:$0x4380] =	vst v63  }
0xd2: {  	_ =	swait.ge [sflag:s9], $0x80  }
0xd3: {  	[sflag:s9] =	ssyncset.done $0x0  }
0xd4: {  	[sflag:s9] =	ssyncadd.s32 $0xFFFFFF80  }
0xd5: {  	_ =	swait.ge [sflag:s10], $0x80  }
0xd6: {  	[sflag:s10] =	ssyncset.done $0x0  }
0xd7: {  	s16 =	simm.s32 $0x2700;
	[sflag:s10] =	ssyncadd.s32 $0xFFFFFF80  }
0xd8: {  	[tilespmem:s31], [sflag:$0x5] =	stream.indirect.gather [hbm4b:s4+s30], $0x1, s16, s30, $0xb8;
	[tilespmem:$0x4380] =	vst v63  }
0xd9: {  	_ =	swait.ge [sflag:s1], $0x80  }
0xda: {  	[sflag:s1] =	ssyncset.done $0x0  }
0xdb: {  	[sflag:s1] =	ssyncadd.s32 $0xFFFFFF80  }
0xdc: {  	[spmem:s2] =	stream.indirect.scatter.add.f32 [tilespmem:s31], [sflag:$0x7], $0x1, s26, s30, $0xb8;
	[tilespmem:$0x4380] =	vst v63  }
0xdd: {  	_ =	swait.ge [sflag:s11], $0x80  }
0xde: {  	[sflag:s11] =	ssyncset.done $0x0  }
0xdf: {  	[sflag:s11] =	ssyncadd.s32 $0xFFFFFF80  }
0xe0: {  	_ =	swait.ge [sflag:s12], $0x80  }
0xe1: {  	[sflag:s12] =	ssyncset.done $0x0  }
0xe2: {  	s17 =	simm.s32 $0x2780;
	[sflag:s12] =	ssyncadd.s32 $0xFFFFFF80  }
0xe3: {  	[tilespmem:s5], [sflag:$0x6] =	stream.indirect.gather [hbm4b:s4+s30], $0x1, s17, s30, $0xb8;
	[tilespmem:$0x4380] =	vst v63  }
0xe4: {  	_ =	swait.ge [sflag:s7], $0x80  }
0xe5: {  	[sflag:s7] =	ssyncset.done $0x0  }
0xe6: {  	[sflag:s7] =	ssyncadd.s32 $0xFFFFFF80  }
0xe7: {  	[spmem:s2] =	stream.indirect.scatter.add.f32 [tilespmem:s5], [sflag:$0x8], $0x1, s28, s30, $0xb8;
	[tilespmem:$0x4380] =	vst v63  }
0xe8: {  	_ =	swait.ge [sflag:s9], $0x80  }
0xe9: {  	[sflag:s9] =	ssyncset.done $0x0  }
0xea: {  	[sflag:s9] =	ssyncadd.s32 $0xFFFFFF80  }
0xeb: {  	_ =	swait.ge [sflag:s11], $0x80  }
0xec: {  	[sflag:s11] =	ssyncset.done $0x0  }
0xed: {  	[sflag:s11] =	ssyncadd.s32 $0xFFFFFF80  }
0xee: {  	[bflag:$0x0] =	sbarrier.arrive $0xFFFF  }
0xef: {  	s8 =	simm.s32 $0x20;
	s15 =	simm.s32 $0x10;
	s18 =	rddreg [dreg:$0xd]  }
0xf0: {  	[hbm:s18@s8], [sflag:s19] =	dma.strided [spmem:s22@s15], $0x50, s29, $0x10   }
0xf1: {  	_ =	swait.ge [sflag:s23], $0x50  }
0xf2: {  	s13 =	sadd.s32 $0x1, s13;
	s14 =	smov.u32 s19;
	s19 =	rddreg [dreg:$0xe]  }
0xf3: {  	p0 =	sne.s32 s13, s19  }
.Ltmp1:
0xf4: {  	_ = 	snop;
	(pc) =	sbr.rel @p0 .LBB2_1-.Ltmp1, $3  }
0xf5: {  	_ =	sdelay $0x1  }
0xf6: {  	[sflag:s23] =	ssyncset.done $0x0  }
0xf7: {  	[sflag:s23] =	ssyncadd.s32 $0xFFFFFFB0  }
0xf8: {  	_ =	sfence.sel $0x180000  }
0xf9: {  	[bflag:$0x0] =	sbarrier.arrive $0xFFFF  }
0xfa: {  	_ =	strace $0x9000004A  }
0xfb: {  	s0 =	stileid.u32;
	[bflag:$0x2] =	sbarrier.arrive $0xFFFF  }
0xfc: {  	p0 =	sne.s32 s0, $0x0;
	s0 =	rddreg [dreg:$0x2]  }
0xfd: {  	s0 =	sadd.s32 @!p0 $0x100000, s0  }
0xfe: {  	[sflag:s0] =	ssyncadd.tile.s32 @!p0 $0x1;
	_ =	shalt  }
.Lfunc_end2:
_tile_overlayer_lowered:
.L_overlay_start_2:
0xff: {  	(tag) =	ssettag $0x2  }
0x100: {  	s0 =	rddreg [dreg:$0x0];
	s2 =	stileid.u32  }
0x101: {  	s1 =	rddreg [dreg:$0x1];
	p0 =	sne.s32 s2, $0x0  }
0x102: {  	s3 =	rddreg [dreg:$0x2];
	[bflag:$0x3] =	sbarrier.arrive $0xFFFF;
	s2 =	simm.s32 @!p0 $0x1C09  }
0x103: {  	[timem:s3], [sflag:s2] =	dma.local @!p0 [hbm:s0], s1  }
0x104: {  	s0 =	simm.s32 @!p0 $0x9  }
0x105: {  	_ =	swait.ge @!p0 [sflag:s0], s1  }
0x106: {  	s1 =	ssub.s32 @!p0 $0x0, s1;
	[sflag:s0] =	ssyncset.done @!p0 $0x0  }
0x107: {  	[sflag:s0] =	ssyncadd.s32 @!p0 s1  }
0x108: {  	[bflag:$0x3] =	sbarrier.arrive $0xFFFF  }
0x109: {  	_ =	shalt  }

</sc_bundles>
